<compile_context>
chip_gen: v7x
topology: tpu7x:2x2x1
jax: 0.10.2.dev20260603
libtpu: 0.0.44.dev20260713+nightly
codegen_flags: <defaults>
</compile_context>

<pallas_src>
import functools

import jax
import jax.numpy as jnp
from jax import lax
from jax.experimental import pallas as pl
from jax.experimental.pallas import tpu as pltpu
from jax.experimental.pallas import tpu_sc as plsc

N = 10000
NP = 10240
F = 128
HID = 64
HEADS = 4
E_TOT = 330000
C = 64
E_PAD = 344064
IB = 512
BM = 1024


def _proj_body(x_ref, w_ref, b_ref, o_ref):
    o_ref[...] = (jnp.dot(x_ref[...], w_ref[0],
                          preferred_element_type=jnp.float32) + b_ref[0])[None]


def _proj(xp, Wbig, bbig):
    return pl.pallas_call(
        _proj_body,
        grid=(9, NP // BM),
        in_specs=[
            pl.BlockSpec((BM, F), lambda j, m: (m, 0)),
            pl.BlockSpec((1, F, HID), lambda j, m: (j, 0, 0)),
            pl.BlockSpec((1, 1, HID), lambda j, m: (j, 0, 0)),
        ],
        out_specs=pl.BlockSpec((1, BM, HID), lambda j, m: (j, m, 0)),
        out_shape=jax.ShapeDtypeStruct((9, NP, HID), jnp.float32),
    )(xp, Wbig, bbig)


def _make_edge_kernel(n_pass, split_edges, heads_tab, interpret=False):
    ACC = n_pass * NP
    ept = E_PAD // (32 if split_edges else 16)
    n_chunks = ept // C
    wrows = ACC // 16
    mesh = plsc.VectorSubcoreMesh(core_axis_name="c", subcore_axis_name="s")

    @functools.partial(
        pl.kernel,
        out_type=(jax.ShapeDtypeStruct((2 * ACC, HID), jnp.float32),
                  jax.ShapeDtypeStruct((2 * ACC, 16), jnp.float32)),
        mesh=mesh,
        scratch_types=[
            pltpu.VMEM_SHARED((ACC, HID), jnp.float32),
            pltpu.VMEM_SHARED((ACC, 16), jnp.float32),
            pltpu.VMEM((heads_tab, HID), jnp.float32),
            pltpu.VMEM((IB,), jnp.int32),
            pltpu.VMEM((IB,), jnp.int32),
            pltpu.VMEM((C,), jnp.int32),
            pltpu.VMEM((C,), jnp.int32),
            pltpu.VMEM((C,), jnp.int32),
            pltpu.VMEM((C,), jnp.int32),
            pltpu.VMEM((C,), jnp.int32),
            pltpu.VMEM((C,), jnp.int32),
            pltpu.VMEM((C, HID), jnp.float32),
            pltpu.VMEM((C, HID), jnp.float32),
            pltpu.VMEM((C, HID), jnp.float32),
            pltpu.VMEM((C, HID), jnp.float32),
            pltpu.VMEM((C, HID), jnp.float32),
            pltpu.VMEM((C, 16), jnp.float32),
            pltpu.SemaphoreType.DMA,
            pltpu.SemaphoreType.DMA,
            pltpu.SemaphoreType.DMA,
            pltpu.SemaphoreType.DMA,
        ],
        compiler_params=pltpu.CompilerParams(needs_layout_passes=False,
                                             use_tc_tiling_on_sc=False),
        interpret=interpret,
    )
    def k(xl, xr, srcE, dstE, attH, zv, zd, outv, outd,
          accv, accd, att_vm, src_i, dst_i,
          srcg0, dstg0, dsta0, srcg1, dstg1, dsta1,
          xls0, xrd0, xls1, xrd1, vals, exb,
          sa0, sb0, sa1, sb1):
        c = lax.axis_index("c")
        s = lax.axis_index("s")
        pltpu.sync_copy(zv.at[pl.ds(s * wrows, wrows)],
                        accv.at[pl.ds(s * wrows, wrows)])
        pltpu.sync_copy(zd.at[pl.ds(s * wrows, wrows)],
                        accd.at[pl.ds(s * wrows, wrows)])
        pltpu.sync_copy(attH, att_vm)
        plsc.subcore_barrier()
        lane = lax.iota(jnp.int32, 16)
        mask0 = lane == 0
        bufs = ((srcg0, dstg0, dsta0, xls0, xrd0, sa0, sb0),
                (srcg1, dstg1, dsta1, xls1, xrd1, sa1, sb1))

        for p in range(n_pass):
            if split_edges:
                tile_base = (c * 16 + s) * ept
                g_off = jnp.int32(0)
                a_off = jnp.int32(0)
                h_idx = 0
            else:
                tile_base = s * ept
                h_idx = 2 * c + p
                g_off = h_idx * NP
                a_off = jnp.int32(p * NP)
            att_q = [att_vm[h_idx, pl.ds(q * 16, 16)] for q in range(HID // 16)]

            def load(kk, b):
                srcg, dstg, dsta, xls, xrd, sa, sb = bufs[b]
                blk = lax.rem(kk, jnp.int32(IB // C))

                @pl.when(blk == 0)
                def _():
                    eb = lax.rem(tile_base + kk * C, jnp.int32(E_PAD))
                    pltpu.sync_copy(srcE.at[pl.ds(eb, IB)], src_i)
                    pltpu.sync_copy(dstE.at[pl.ds(eb, IB)], dst_i)

                off = blk * C

                def shift(i, _):
                    so = pl.ds(off + i * 16, 16)
                    sl = pl.ds(i * 16, 16)
                    srcg[sl] = src_i[so] + g_off
                    dstg[sl] = dst_i[so] + g_off
                    dsta[sl] = dst_i[so] + a_off
                    return 0
                lax.fori_loop(0, C // 16, shift, 0)
                pltpu.async_copy(xl.at[srcg], xls, sa)
                pltpu.async_copy(xr.at[dstg], xrd, sb)

            def wait_bufs(b):
                srcg, dstg, dsta, xls, xrd, sa, sb = bufs[b]
                pltpu.make_async_copy(xl.at[srcg], xls, sa).wait()
                pltpu.make_async_copy(xr.at[dstg], xrd, sb).wait()

            def compute(b):
                srcg, dstg, dsta, xls, xrd, sa, sb = bufs[b]

                def edge(e, _):
                    acc = jnp.zeros((16,), jnp.float32)
                    rows = []
                    for q in range(HID // 16):
                        sv = xls[e, pl.ds(q * 16, 16)]
                        rv = xrd[e, pl.ds(q * 16, 16)]
                        t = sv + rv
                        t = jnp.maximum(t, 0.2 * t)
                        acc = acc + t * att_q[q]
                        rows.append(sv)
                    logit = jnp.sum(acc)
                    exv = jnp.exp(jnp.full((16,), logit, jnp.float32))
                    for q in range(HID // 16):
                        vals[e, pl.ds(q * 16, 16)] = rows[q] * exv
                    exb[e, :] = jnp.where(mask0, exv, 0.0)
                    return 0
                lax.fori_loop(0, C, edge, 0)
                pltpu.sync_copy(vals, accv.at[dsta], add=True)
                pltpu.sync_copy(exb, accd.at[dsta], add=True)

            load(jnp.int32(0), 0)

            def pair(p2, _):
                k0 = p2 * 2
                load(k0 + 1, 1)
                wait_bufs(0)
                compute(0)
                load(k0 + 2, 0)
                wait_bufs(1)
                compute(1)
                return 0
            lax.fori_loop(0, n_chunks // 2, pair, 0)
            wait_bufs(0)

        plsc.subcore_barrier()
        ob = c * ACC + s * wrows
        pltpu.sync_copy(accv.at[pl.ds(s * wrows, wrows)],
                        outv.at[pl.ds(ob, wrows)])
        pltpu.sync_copy(accd.at[pl.ds(s * wrows, wrows)],
                        outd.at[pl.ds(ob, wrows)])

    return k


_edge_l1 = _make_edge_kernel(n_pass=2, split_edges=False, heads_tab=4)
_edge_l2 = _make_edge_kernel(n_pass=1, split_edges=True, heads_tab=1)


def _mid_body(ov_ref, od_ref, b1_ref, w2_ref, b2_ref, hl_ref, hr_ref):
    o = ov_ref[...]
    d = od_ref[...]
    hh = o / (d[:, :, 0:1] + 1e-16) + b1_ref[...][:, None, :]
    hh = jnp.maximum(hh, 0.01 * hh)
    acc = jnp.zeros((BM, 2 * HID), jnp.float32)
    for q in range(HEADS):
        acc = acc + jnp.dot(hh[q], w2_ref[q], preferred_element_type=jnp.float32)
    acc = acc + b2_ref[...]
    hl_ref[...] = acc[:, :HID]
    hr_ref[...] = acc[:, HID:]


def _mid(ov, od, b1, w2, b2):
    return pl.pallas_call(
        _mid_body,
        grid=(NP // BM,),
        in_specs=[
            pl.BlockSpec((HEADS, BM, HID), lambda m: (0, m, 0)),
            pl.BlockSpec((HEADS, BM, 16), lambda m: (0, m, 0)),
            pl.BlockSpec((HEADS, HID), lambda m: (0, 0)),
            pl.BlockSpec((HEADS, HID, 2 * HID), lambda m: (0, 0, 0)),
            pl.BlockSpec((1, 2 * HID), lambda m: (0, 0)),
        ],
        out_specs=[
            pl.BlockSpec((BM, HID), lambda m: (m, 0)),
            pl.BlockSpec((BM, HID), lambda m: (m, 0)),
        ],
        out_shape=[jax.ShapeDtypeStruct((NP, HID), jnp.float32),
                   jax.ShapeDtypeStruct((NP, HID), jnp.float32)],
    )(ov, od, b1, w2, b2)


def _fin_body(o2_ref, d2_ref, b2_ref, id_ref, wp1_ref, bp1_ref, wp2_ref,
              bp2_ref, hf_ref, lg_ref):
    o = o2_ref[0] + o2_ref[1]
    d = d2_ref[0, :, 0:1] + d2_ref[1, :, 0:1]
    h2 = o / (d + 1e-16) + b2_ref[...]
    hf = h2 + id_ref[...]
    hf_ref[...] = hf
    z = jnp.dot(hf, wp1_ref[...], preferred_element_type=jnp.float32) + bp1_ref[...]
    z = jnp.maximum(z, 0.01 * z)
    lg_ref[...] = jnp.dot(z, wp2_ref[...], preferred_element_type=jnp.float32) + bp2_ref[...]


def _fin(o2, d2, b2, ident, wp1, bp1, wp2, bp2):
    return pl.pallas_call(
        _fin_body,
        grid=(NP // BM,),
        in_specs=[
            pl.BlockSpec((2, BM, HID), lambda m: (0, m, 0)),
            pl.BlockSpec((2, BM, 16), lambda m: (0, m, 0)),
            pl.BlockSpec((1, HID), lambda m: (0, 0)),
            pl.BlockSpec((BM, HID), lambda m: (m, 0)),
            pl.BlockSpec((HID, 32), lambda m: (0, 0)),
            pl.BlockSpec((1, 32), lambda m: (0, 0)),
            pl.BlockSpec((32, 8), lambda m: (0, 0)),
            pl.BlockSpec((1, 8), lambda m: (0, 0)),
        ],
        out_specs=[
            pl.BlockSpec((BM, HID), lambda m: (m, 0)),
            pl.BlockSpec((BM, 8), lambda m: (m, 0)),
        ],
        out_shape=[jax.ShapeDtypeStruct((NP, HID), jnp.float32),
                   jax.ShapeDtypeStruct((NP, 8), jnp.float32)],
    )(o2, d2, b2, ident, wp1, bp1, wp2, bp2)


def kernel(x, edge_index, W1l, b1l, W1r, b1r, att1, bias1, W2l, b2l, W2r,
           b2r, att2, bias2, Ws, bs, Wp1, bp1, Wp2, bp2):
    xp = jnp.zeros((NP, F), jnp.float32).at[:N].set(x)
    loop = jnp.arange(N, dtype=jnp.int32)
    pad = jnp.full((E_PAD - E_TOT,), N, jnp.int32)
    srcE = jnp.concatenate([edge_index[0], loop, pad])
    dstE = jnp.concatenate([edge_index[1], loop, pad])

    Wbig = jnp.concatenate([W1l, W1r, Ws], axis=1)
    Wbig = Wbig.reshape(F, 9, HID).transpose(1, 0, 2)
    bbig = jnp.concatenate([b1l, b1r, bs]).reshape(9, 1, HID)
    OUT = _proj(xp, Wbig, bbig)
    XL = OUT[0:4].reshape(4 * NP, HID)
    XR = OUT[4:8].reshape(4 * NP, HID)
    ident = OUT[8]

    zv = jnp.zeros((2 * NP, HID), jnp.float32)
    zd = jnp.zeros((2 * NP, 16), jnp.float32)
    ov1, od1 = _edge_l1(XL, XR, srcE, dstE, att1, zv, zd)

    w2 = jnp.concatenate([W2l, W2r], axis=1).reshape(HEADS, HID, 2 * HID)
    b2cat = jnp.concatenate([b2l, b2r]).reshape(1, 2 * HID)
    HLt, HRt = _mid(ov1.reshape(HEADS, NP, HID),
                    od1.reshape(HEADS, NP, 16),
                    bias1.reshape(HEADS, HID), w2, b2cat)

    ov2, od2 = _edge_l2(HLt, HRt, srcE, dstE, att2, zv[:NP], zd[:NP])

    wp2p = jnp.zeros((32, 8), jnp.float32).at[:, 0:1].set(Wp2)
    bp2p = jnp.zeros((1, 8), jnp.float32).at[0, 0].set(bp2[0])
    HF, LG = _fin(ov2.reshape(2, NP, HID), od2.reshape(2, NP, 16),
                  bias2.reshape(1, HID), ident, Wp1, bp1.reshape(1, 32),
                  wp2p, bp2p)
    return LG[:N, 0:1], HF[:N]

# --- scband reference (transcript-rebuilt; emitter-appended) ---
"""Pipeline reference for scband-structure-expert-gnn-8761733283843 (READ-ONLY COPY).

The authoritative reference and input builder live on the scoring server;
editing this copy changes nothing except your own understanding.
"""

import jax, jax.numpy as jnp
import numpy as np

N_NODES = 10000
N_EDGES = 320000
N_FEAT = 128
N_HIDDEN = 64
N_HEADS = 4


def _glorot(key, shape):
    fan_in = shape[0]
    return (jax.random.normal(key, shape, dtype=jnp.float32) / np.sqrt(fan_in)).astype(jnp.float32)


def setup_inputs(seed: int = 0):
    key = jax.random.key(seed)
    ks = jax.random.split(key, 16)
    H1C1 = N_HEADS * N_HIDDEN
    inp = {}
    inp['x'] = jax.random.normal(ks[0], (N_NODES, N_FEAT), dtype=jnp.float32)
    inp['edge_index'] = jax.random.randint(ks[1], (2, N_EDGES), 0, N_NODES, dtype=jnp.int32)
    # conv1: GATv2Conv(128 -> 64, heads=4, concat=True), share_weights=False
    inp['W1l'] = _glorot(ks[2], (N_FEAT, H1C1))
    inp['b1l'] = jnp.zeros((H1C1,), jnp.float32)
    inp['W1r'] = _glorot(ks[3], (N_FEAT, H1C1))
    inp['b1r'] = jnp.zeros((H1C1,), jnp.float32)
    inp['att1'] = _glorot(ks[4], (N_HEADS, N_HIDDEN))
    inp['bias1'] = jnp.zeros((H1C1,), jnp.float32)
    # conv2: GATv2Conv(256 -> 64, heads=1, concat=False)
    inp['W2l'] = _glorot(ks[5], (H1C1, N_HIDDEN))
    inp['b2l'] = jnp.zeros((N_HIDDEN,), jnp.float32)
    inp['W2r'] = _glorot(ks[6], (H1C1, N_HIDDEN))
    inp['b2r'] = jnp.zeros((N_HIDDEN,), jnp.float32)
    inp['att2'] = _glorot(ks[7], (1, N_HIDDEN))
    inp['bias2'] = jnp.zeros((N_HIDDEN,), jnp.float32)
    # shortcut Linear(128 -> 64)
    inp['Ws'] = _glorot(ks[8], (N_FEAT, N_HIDDEN))
    inp['bs'] = jnp.zeros((N_HIDDEN,), jnp.float32)
    # predict: Linear(64,32) -> LeakyReLU -> Linear(32,1)
    inp['Wp1'] = _glorot(ks[9], (N_HIDDEN, 32))
    inp['bp1'] = jnp.zeros((32,), jnp.float32)
    inp['Wp2'] = _glorot(ks[10], (32, 1))
    inp['bp2'] = jnp.zeros((1,), jnp.float32)
    return inp


def _gatv2(x, Wl, bl, Wr, br, att, bias, src, dst, heads, out_ch, concat):
    n = x.shape[0]
    xl = (x @ Wl + bl).reshape(n, heads, out_ch)
    xr = (x @ Wr + br).reshape(n, heads, out_ch)
    # GATv2 message: e_ij = att . leaky_relu(x_i + x_j), x_j = lin_l(src), x_i = lin_r(dst)
    e = jax.nn.leaky_relu(xl[src] + xr[dst], negative_slope=0.2)
    logits = jnp.sum(e * att[None, :, :], axis=-1)  # [E, H]
    m = jax.ops.segment_max(logits, dst, num_segments=n)
    m = jnp.where(jnp.isfinite(m), m, 0.0)
    ex = jnp.exp(logits - m[dst])
    den = jax.ops.segment_sum(ex, dst, num_segments=n)
    alpha = ex / (den[dst] + 1e-16)
    out = jax.ops.segment_sum(xl[src] * alpha[:, :, None], dst, num_segments=n)
    if concat:
        out = out.reshape(n, heads * out_ch)
    else:
        out = jnp.mean(out, axis=1)
    return out + bias


def reference(x, edge_index, W1l, b1l, W1r, b1r, att1, bias1, W2l, b2l, W2r, b2r, att2, bias2, Ws, bs, Wp1, bp1, Wp2, bp2):
    n = x.shape[0]
    loop = jnp.arange(n, dtype=edge_index.dtype)  # add_self_loops=True (PyG default)
    src = jnp.concatenate([edge_index[0], loop])
    dst = jnp.concatenate([edge_index[1], loop])
    identity = x @ Ws + bs
    h = _gatv2(x, W1l, b1l, W1r, b1r, att1, bias1, src, dst, N_HEADS, N_HIDDEN, True)
    h = jax.nn.leaky_relu(h, negative_slope=0.01)
    # dropout p=0.2 is identity in eval mode
    h = _gatv2(h, W2l, b2l, W2r, b2r, att2, bias2, src, dst, 1, N_HIDDEN, False)
    h_final = h + identity
    z = jax.nn.leaky_relu(h_final @ Wp1 + bp1, negative_slope=0.01)
    logits = z @ Wp2 + bp2
    return logits, h_final

if __name__ == "__main__":
    import jax
    _d = setup_inputs()
    print(jax.jit(kernel)(*tuple(_d.values())))

</pallas_src>

<mosaic_0001>
#map = affine_map<(d0, d1) -> (0, 0)>
#map1 = affine_map<(d0, d1) -> (0)>
module attributes {stable_mosaic.version = 14 : i64} {
  func.func @k(%arg0: i32, %arg1: i32, %arg2: memref<40960x64xf32, #tpu.memory_space<hbm>>, %arg3: memref<40960x64xf32, #tpu.memory_space<hbm>>, %arg4: memref<344064xi32, #tpu.memory_space<hbm>>, %arg5: memref<344064xi32, #tpu.memory_space<hbm>>, %arg6: memref<4x64xf32, #tpu.memory_space<hbm>>, %arg7: memref<20480x64xf32, #tpu.memory_space<hbm>>, %arg8: memref<20480x16xf32, #tpu.memory_space<hbm>>, %arg9: memref<40960x64xf32, #tpu.memory_space<hbm>>, %arg10: memref<40960x16xf32, #tpu.memory_space<hbm>>, %arg11: memref<20480x64xf32, #tpu.memory_space<vmem_shared>>, %arg12: memref<20480x16xf32, #tpu.memory_space<vmem_shared>>, %arg13: memref<4x64xf32, #tpu.memory_space<vmem>>, %arg14: memref<512xi32, #tpu.memory_space<vmem>>, %arg15: memref<512xi32, #tpu.memory_space<vmem>>, %arg16: memref<64xi32, #tpu.memory_space<vmem>>, %arg17: memref<64xi32, #tpu.memory_space<vmem>>, %arg18: memref<64xi32, #tpu.memory_space<vmem>>, %arg19: memref<64xi32, #tpu.memory_space<vmem>>, %arg20: memref<64xi32, #tpu.memory_space<vmem>>, %arg21: memref<64xi32, #tpu.memory_space<vmem>>, %arg22: memref<64x64xf32, #tpu.memory_space<vmem>>, %arg23: memref<64x64xf32, #tpu.memory_space<vmem>>, %arg24: memref<64x64xf32, #tpu.memory_space<vmem>>, %arg25: memref<64x64xf32, #tpu.memory_space<vmem>>, %arg26: memref<64x64xf32, #tpu.memory_space<vmem>>, %arg27: memref<64x16xf32, #tpu.memory_space<vmem>>, %arg28: memref<!tpu.dma_semaphore, #tpu.memory_space<semaphore_mem>>, %arg29: memref<!tpu.dma_semaphore, #tpu.memory_space<semaphore_mem>>, %arg30: memref<!tpu.dma_semaphore, #tpu.memory_space<semaphore_mem>>, %arg31: memref<!tpu.dma_semaphore, #tpu.memory_space<semaphore_mem>>) attributes {dimension_semantics = [#tpu.dimension_semantics<core_parallel>, #tpu.dimension_semantics<subcore_parallel>], iteration_bounds = array<i64: 2, 16>, scalar_prefetch = 0 : i64, scratch_operands = 21 : i64, tpu.core_type = #tpu.core_type<sc_vector_subcore>, window_params = [{transform_indices = #map}, {transform_indices = #map}, {transform_indices = #map1}, {transform_indices = #map1}, {transform_indices = #map}, {transform_indices = #map}, {transform_indices = #map}, {transform_indices = #map}, {transform_indices = #map}]} {
    %mul3A = arith.constant 1280 : i32
    %mul3A_0 = arith.muli %arg1, %mul3A : i32
    %mul3A_1 = arith.constant 1280 : i32
    %mul3A_2 = arith.muli %arg1, %mul3A_1 : i32
    "tpu.region"() ({
      %run_scoped3A = tpu.sem_alloc : memref<!tpu.dma_semaphore, #tpu.memory_space<semaphore_mem>>
      %dma_start3A_129 = arith.constant 0 : i32
      %dma_start3A_130 = tpu.memref_slice %arg11[%mul3A_2, %dma_start3A_129] : memref<20480x64xf32, #tpu.memory_space<vmem_shared>> -> memref<1280x64xf32, #tpu.memory_space<vmem_shared>>
      %dma_start3A_131 = arith.constant 0 : i32
      %dma_start3A_132 = tpu.memref_slice %arg7[%mul3A_0, %dma_start3A_131] : memref<20480x64xf32, #tpu.memory_space<hbm>> -> memref<1280x64xf32, #tpu.memory_space<hbm>>
      tpu.enqueue_dma source(%dma_start3A_132 : memref<1280x64xf32, #tpu.memory_space<hbm>>) target(%dma_start3A_130 : memref<1280x64xf32, #tpu.memory_space<vmem_shared>>) target_semaphore(%run_scoped3A : memref<!tpu.dma_semaphore, #tpu.memory_space<semaphore_mem>>)
      %dma_wait3A_133 = arith.constant 0 : i32
      %dma_wait3A_134 = tpu.memref_slice %arg11[%mul3A_2, %dma_wait3A_133] : memref<20480x64xf32, #tpu.memory_space<vmem_shared>> -> memref<1280x64xf32, #tpu.memory_space<vmem_shared>>
      %dma_wait3A_135 = arith.constant 0 : i32
      %dma_wait3A_136 = tpu.memref_slice %arg7[%mul3A_0, %dma_wait3A_135] : memref<20480x64xf32, #tpu.memory_space<hbm>> -> memref<1280x64xf32, #tpu.memory_space<hbm>>
      tpu.wait_dma2 semaphore(%run_scoped3A : memref<!tpu.dma_semaphore, #tpu.memory_space<semaphore_mem>>) src(%dma_wait3A_136 : memref<1280x64xf32, #tpu.memory_space<hbm>>) dst(%dma_wait3A_134 : memref<1280x64xf32, #tpu.memory_space<vmem_shared>>)
      tpu.yield
    }) : () -> ()
    %mul3A_3 = arith.constant 1280 : i32
    %mul3A_4 = arith.muli %arg1, %mul3A_3 : i32
    %mul3A_5 = arith.constant 1280 : i32
    %mul3A_6 = arith.muli %arg1, %mul3A_5 : i32
    "tpu.region"() ({
      %run_scoped3A = tpu.sem_alloc : memref<!tpu.dma_semaphore, #tpu.memory_space<semaphore_mem>>
      %dma_start3A_129 = arith.constant 0 : i32
      %dma_start3A_130 = tpu.memref_slice %arg12[%mul3A_6, %dma_start3A_129] : memref<20480x16xf32, #tpu.memory_space<vmem_shared>> -> memref<1280x16xf32, #tpu.memory_space<vmem_shared>>
      %dma_start3A_131 = arith.constant 0 : i32
      %dma_start3A_132 = tpu.memref_slice %arg8[%mul3A_4, %dma_start3A_131] : memref<20480x16xf32, #tpu.memory_space<hbm>> -> memref<1280x16xf32, #tpu.memory_space<hbm>>
      tpu.enqueue_dma source(%dma_start3A_132 : memref<1280x16xf32, #tpu.memory_space<hbm>>) target(%dma_start3A_130 : memref<1280x16xf32, #tpu.memory_space<vmem_shared>>) target_semaphore(%run_scoped3A : memref<!tpu.dma_semaphore, #tpu.memory_space<semaphore_mem>>)
      %dma_wait3A_133 = arith.constant 0 : i32
      %dma_wait3A_134 = tpu.memref_slice %arg12[%mul3A_6, %dma_wait3A_133] : memref<20480x16xf32, #tpu.memory_space<vmem_shared>> -> memref<1280x16xf32, #tpu.memory_space<vmem_shared>>
      %dma_wait3A_135 = arith.constant 0 : i32
      %dma_wait3A_136 = tpu.memref_slice %arg8[%mul3A_4, %dma_wait3A_135] : memref<20480x16xf32, #tpu.memory_space<hbm>> -> memref<1280x16xf32, #tpu.memory_space<hbm>>
      tpu.wait_dma2 semaphore(%run_scoped3A : memref<!tpu.dma_semaphore, #tpu.memory_space<semaphore_mem>>) src(%dma_wait3A_136 : memref<1280x16xf32, #tpu.memory_space<hbm>>) dst(%dma_wait3A_134 : memref<1280x16xf32, #tpu.memory_space<vmem_shared>>)
      tpu.yield
    }) : () -> ()
    "tpu.region"() ({
      %run_scoped3A = tpu.sem_alloc : memref<!tpu.dma_semaphore, #tpu.memory_space<semaphore_mem>>
      tpu.enqueue_dma source(%arg6 : memref<4x64xf32, #tpu.memory_space<hbm>>) target(%arg13 : memref<4x64xf32, #tpu.memory_space<vmem>>) target_semaphore(%run_scoped3A : memref<!tpu.dma_semaphore, #tpu.memory_space<semaphore_mem>>)
      tpu.wait_dma2 semaphore(%run_scoped3A : memref<!tpu.dma_semaphore, #tpu.memory_space<semaphore_mem>>) src(%arg6 : memref<4x64xf32, #tpu.memory_space<hbm>>) dst(%arg13 : memref<4x64xf32, #tpu.memory_space<vmem>>)
      tpu.yield
    }) : () -> ()
    %barrier3A = arith.constant 0 : index
    tpu.barrier barrier_id(%barrier3A)
    %iota3A = tpu.iota {dimensions = array<i32: 0>} : vector<16xi32>
    %eq3A = arith.constant 0 : i32
    %eq3A_7 = vector.broadcast %eq3A : i32 to vector<16xi32>
    %eq3A_8 = arith.cmpi eq, %iota3A, %eq3A_7 : vector<16xi32>
    %mul3A_9 = arith.constant 21504 : i32
    %mul3A_10 = arith.muli %arg1, %mul3A_9 : i32
    %mul3A_11 = arith.constant 2 : i32
    %mul3A_12 = arith.muli %mul3A_11, %arg0 : i32
    %add3A = arith.constant 0 : i32
    %add3A_13 = arith.addi %mul3A_12, %add3A : i32
    %mul3A_14 = arith.constant 10240 : i32
    %mul3A_15 = arith.muli %add3A_13, %mul3A_14 : i32
    %get3A = arith.index_cast %add3A_13 : i32 to index
    %get3A_16 = arith.constant 0 : index
    %get3A_17 = tpu.vector_load %arg13[%get3A, %get3A_16] {strides = array<i32>} : memref<4x64xf32, #tpu.memory_space<vmem>>, vector<16xf32>,
    %get3A_18 = arith.index_cast %add3A_13 : i32 to index
    %get3A_19 = arith.constant 16 : index
    %get3A_20 = tpu.vector_load %arg13[%get3A_18, %get3A_19] {strides = array<i32>} : memref<4x64xf32, #tpu.memory_space<vmem>>, vector<16xf32>,
    %get3A_21 = arith.index_cast %add3A_13 : i32 to index
    %get3A_22 = arith.constant 32 : index
    %get3A_23 = tpu.vector_load %arg13[%get3A_21, %get3A_22] {strides = array<i32>} : memref<4x64xf32, #tpu.memory_space<vmem>>, vector<16xf32>,
    %get3A_24 = arith.index_cast %add3A_13 : i32 to index
    %get3A_25 = arith.constant 48 : index
    %get3A_26 = tpu.vector_load %arg13[%get3A_24, %get3A_25] {strides = array<i32>} : memref<4x64xf32, #tpu.memory_space<vmem>>, vector<16xf32>,
    %rem3A = arith.constant 0 : i32
    %rem3A_27 = arith.constant 8 : i32
    %rem3A_28 = arith.remsi %rem3A, %rem3A_27 : i32
    %eq3A_29 = arith.constant 0 : i32
    %eq3A_30 = arith.cmpi eq, %rem3A_28, %eq3A_29 : i32
    %convert_element_type3A = arith.extui %eq3A_30 : i1 to i32
    %cond3A = arith.constant 0 : i32
    %cond3A_31 = arith.constant 0 : i32
    %cond3A_32 = arith.cmpi ne, %convert_element_type3A, %cond3A_31 : i32
    scf.if %cond3A_32 {
      %mul3A_129 = arith.constant 64 : i32
      %mul3A_130 = arith.muli %cond3A, %mul3A_129 : i32
      %add3A_131 = arith.addi %mul3A_10, %mul3A_130 : i32
      %rem3A_132 = arith.constant 344064 : i32
      %rem3A_133 = arith.remsi %add3A_131, %rem3A_132 : i32
      "tpu.region"() ({
        %run_scoped3A = tpu.sem_alloc : memref<!tpu.dma_semaphore, #tpu.memory_space<semaphore_mem>>
        %dma_start3A_134 = tpu.memref_slice %arg4[%rem3A_133] : memref<344064xi32, #tpu.memory_space<hbm>> -> memref<512xi32, #tpu.memory_space<hbm>>
        %dma_start3A_135 = tpu.memref_slice %arg4[%rem3A_133] : memref<344064xi32, #tpu.memory_space<hbm>> -> memref<512xi32, #tpu.memory_space<hbm>>
        tpu.enqueue_dma source(%dma_start3A_135 : memref<512xi32, #tpu.memory_space<hbm>>) target(%arg14 : memref<512xi32, #tpu.memory_space<vmem>>) target_semaphore(%run_scoped3A : memref<!tpu.dma_semaphore, #tpu.memory_space<semaphore_mem>>)
        %dma_wait3A_136 = tpu.memref_slice %arg4[%rem3A_133] : memref<344064xi32, #tpu.memory_space<hbm>> -> memref<512xi32, #tpu.memory_space<hbm>>
        %dma_wait3A_137 = tpu.memref_slice %arg4[%rem3A_133] : memref<344064xi32, #tpu.memory_space<hbm>> -> memref<512xi32, #tpu.memory_space<hbm>>
        tpu.wait_dma2 semaphore(%run_scoped3A : memref<!tpu.dma_semaphore, #tpu.memory_space<semaphore_mem>>) src(%dma_wait3A_137 : memref<512xi32, #tpu.memory_space<hbm>>) dst(%arg14 : memref<512xi32, #tpu.memory_space<vmem>>)
        tpu.yield
      }) : () -> ()
      "tpu.region"() ({
        %run_scoped3A = tpu.sem_alloc : memref<!tpu.dma_semaphore, #tpu.memory_space<semaphore_mem>>
        %dma_start3A_134 = tpu.memref_slice %arg5[%rem3A_133] : memref<344064xi32, #tpu.memory_space<hbm>> -> memref<512xi32, #tpu.memory_space<hbm>>
        %dma_start3A_135 = tpu.memref_slice %arg5[%rem3A_133] : memref<344064xi32, #tpu.memory_space<hbm>> -> memref<512xi32, #tpu.memory_space<hbm>>
        tpu.enqueue_dma source(%dma_start3A_135 : memref<512xi32, #tpu.memory_space<hbm>>) target(%arg15 : memref<512xi32, #tpu.memory_space<vmem>>) target_semaphore(%run_scoped3A : memref<!tpu.dma_semaphore, #tpu.memory_space<semaphore_mem>>)
        %dma_wait3A_136 = tpu.memref_slice %arg5[%rem3A_133] : memref<344064xi32, #tpu.memory_space<hbm>> -> memref<512xi32, #tpu.memory_space<hbm>>
        %dma_wait3A_137 = tpu.memref_slice %arg5[%rem3A_133] : memref<344064xi32, #tpu.memory_space<hbm>> -> memref<512xi32, #tpu.memory_space<hbm>>
        tpu.wait_dma2 semaphore(%run_scoped3A : memref<!tpu.dma_semaphore, #tpu.memory_space<semaphore_mem>>) src(%dma_wait3A_137 : memref<512xi32, #tpu.memory_space<hbm>>) dst(%arg15 : memref<512xi32, #tpu.memory_space<vmem>>)
        tpu.yield
      }) : () -> ()
    } else {
    }
    %mul3A_33 = arith.constant 64 : i32
    %mul3A_34 = arith.muli %rem3A_28, %mul3A_33 : i32
    %scan3A = arith.constant 0 : i32
    %scan3A_35 = arith.constant 0 : i32
    %scan3A_36 = arith.constant 0 : i32
    %scan3A_37 = arith.constant 4 : i32
    %scan3A_38 = arith.addi %scan3A_36, %scan3A_37 : i32
    %scan3A_39 = arith.constant 1 : i32
    %scan3A_40 = scf.for %scan3A_129 = %scan3A_36 to %scan3A_38 step %scan3A_39 iter_args(%scan3A_130 = %scan3A_35) -> (i32)  : i32 {
      %mul3A_131 = arith.constant 16 : i32
      %mul3A_132 = arith.muli %scan3A_129, %mul3A_131 : i32
      %add3A_133 = arith.addi %mul3A_34, %mul3A_132 : i32
      %mul3A_134 = arith.constant 16 : i32
      %mul3A_135 = arith.muli %scan3A_129, %mul3A_134 : i32
      %get3A_136 = arith.index_cast %add3A_133 : i32 to index
      %get3A_137 = tpu.vector_load %arg14[%get3A_136] {strides = array<i32>} : memref<512xi32, #tpu.memory_space<vmem>>, vector<16xi32>,
      %add3A_138 = vector.broadcast %mul3A_15 : i32 to vector<16xi32>
      %add3A_139 = arith.addi %get3A_137, %add3A_138 : vector<16xi32>
      %swap3A = arith.index_cast %mul3A_135 : i32 to index
      %swap3A_140 = tpu.vector_load %arg16[%swap3A] {strides = array<i32>} : memref<64xi32, #tpu.memory_space<vmem>>, vector<16xi32>,
      tpu.vector_store %arg16[%swap3A], %add3A_139 {strides = array<i32>} : memref<64xi32, #tpu.memory_space<vmem>>, vector<16xi32>,
      %get3A_141 = arith.index_cast %add3A_133 : i32 to index
      %get3A_142 = tpu.vector_load %arg15[%get3A_141] {strides = array<i32>} : memref<512xi32, #tpu.memory_space<vmem>>, vector<16xi32>,
      %add3A_143 = vector.broadcast %mul3A_15 : i32 to vector<16xi32>
      %add3A_144 = arith.addi %get3A_142, %add3A_143 : vector<16xi32>
      %swap3A_145 = arith.index_cast %mul3A_135 : i32 to index
      %swap3A_146 = tpu.vector_load %arg17[%swap3A_145] {strides = array<i32>} : memref<64xi32, #tpu.memory_space<vmem>>, vector<16xi32>,
      tpu.vector_store %arg17[%swap3A_145], %add3A_144 {strides = array<i32>} : memref<64xi32, #tpu.memory_space<vmem>>, vector<16xi32>,
      %get3A_147 = arith.index_cast %add3A_133 : i32 to index
      %get3A_148 = tpu.vector_load %arg15[%get3A_147] {strides = array<i32>} : memref<512xi32, #tpu.memory_space<vmem>>, vector<16xi32>,
      %add3A_149 = vector.broadcast %scan3A : i32 to vector<16xi32>
      %add3A_150 = arith.addi %get3A_148, %add3A_149 : vector<16xi32>
      %swap3A_151 = arith.index_cast %mul3A_135 : i32 to index
      %swap3A_152 = tpu.vector_load %arg18[%swap3A_151] {strides = array<i32>} : memref<64xi32, #tpu.memory_space<vmem>>, vector<16xi32>,
      tpu.vector_store %arg18[%swap3A_151], %add3A_150 {strides = array<i32>} : memref<64xi32, #tpu.memory_space<vmem>>, vector<16xi32>,
      %scan3A_153 = arith.constant 0 : i32
      scf.yield %scan3A_153 : i32
    }
    %scan3A_41 = arith.constant 4 : i32
    %dma_start3A = arith.constant 0 : i32
    %dma_start3A_42 = arith.constant 0 : i32
    %dma_start3A_43 = tpu.memref_slice %arg2[%dma_start3A, %dma_start3A_42] : memref<40960x64xf32, #tpu.memory_space<hbm>> -> memref<40960x64xf32, #tpu.memory_space<hbm>>
    tpu.enqueue_indirect_dma source(%dma_start3A_43 : memref<40960x64xf32, #tpu.memory_space<hbm>>) target(%arg22 : memref<64x64xf32, #tpu.memory_space<vmem>>) offsets(%arg16 : memref<64xi32, #tpu.memory_space<vmem>>) semaphore(%arg28 : memref<!tpu.dma_semaphore, #tpu.memory_space<semaphore_mem>>)
    %dma_start3A_44 = arith.constant 0 : i32
    %dma_start3A_45 = arith.constant 0 : i32
    %dma_start3A_46 = tpu.memref_slice %arg3[%dma_start3A_44, %dma_start3A_45] : memref<40960x64xf32, #tpu.memory_space<hbm>> -> memref<40960x64xf32, #tpu.memory_space<hbm>>
    tpu.enqueue_indirect_dma source(%dma_start3A_46 : memref<40960x64xf32, #tpu.memory_space<hbm>>) target(%arg23 : memref<64x64xf32, #tpu.memory_space<vmem>>) offsets(%arg17 : memref<64xi32, #tpu.memory_space<vmem>>) semaphore(%arg29 : memref<!tpu.dma_semaphore, #tpu.memory_space<semaphore_mem>>)
    %scan3A_47 = arith.constant 0 : i32
    %scan3A_48 = arith.constant 0 : i32
    %scan3A_49 = arith.constant 0 : i32
    %scan3A_50 = arith.constant 168 : i32
    %scan3A_51 = arith.addi %scan3A_49, %scan3A_50 : i32
    %scan3A_52 = arith.constant 1 : i32
    %scan3A_53 = scf.for %scan3A_129 = %scan3A_49 to %scan3A_51 step %scan3A_52 iter_args(%scan3A_130 = %scan3A_48) -> (i32)  : i32 {
      %mul3A_131 = arith.constant 2 : i32
      %mul3A_132 = arith.muli %scan3A_129, %mul3A_131 : i32
      %add3A_133 = arith.constant 1 : i32
      %add3A_134 = arith.addi %mul3A_132, %add3A_133 : i32
      %rem3A_135 = arith.constant 8 : i32
      %rem3A_136 = arith.remsi %add3A_134, %rem3A_135 : i32
      %eq3A_137 = arith.constant 0 : i32
      %eq3A_138 = arith.cmpi eq, %rem3A_136, %eq3A_137 : i32
      %convert_element_type3A_139 = arith.extui %eq3A_138 : i1 to i32
      %cond3A_140 = arith.constant 0 : i32
      %cond3A_141 = arith.cmpi ne, %convert_element_type3A_139, %cond3A_140 : i32
      scf.if %cond3A_141 {
        %mul3A_208 = arith.constant 64 : i32
        %mul3A_209 = arith.muli %add3A_134, %mul3A_208 : i32
        %add3A_210 = arith.addi %mul3A_10, %mul3A_209 : i32
        %rem3A_211 = arith.constant 344064 : i32
        %rem3A_212 = arith.remsi %add3A_210, %rem3A_211 : i32
        "tpu.region"() ({
          %run_scoped3A = tpu.sem_alloc : memref<!tpu.dma_semaphore, #tpu.memory_space<semaphore_mem>>
          %dma_start3A_213 = tpu.memref_slice %arg4[%rem3A_212] : memref<344064xi32, #tpu.memory_space<hbm>> -> memref<512xi32, #tpu.memory_space<hbm>>
          %dma_start3A_214 = tpu.memref_slice %arg4[%rem3A_212] : memref<344064xi32, #tpu.memory_space<hbm>> -> memref<512xi32, #tpu.memory_space<hbm>>
          tpu.enqueue_dma source(%dma_start3A_214 : memref<512xi32, #tpu.memory_space<hbm>>) target(%arg14 : memref<512xi32, #tpu.memory_space<vmem>>) target_semaphore(%run_scoped3A : memref<!tpu.dma_semaphore, #tpu.memory_space<semaphore_mem>>)
          %dma_wait3A_215 = tpu.memref_slice %arg4[%rem3A_212] : memref<344064xi32, #tpu.memory_space<hbm>> -> memref<512xi32, #tpu.memory_space<hbm>>
          %dma_wait3A_216 = tpu.memref_slice %arg4[%rem3A_212] : memref<344064xi32, #tpu.memory_space<hbm>> -> memref<512xi32, #tpu.memory_space<hbm>>
          tpu.wait_dma2 semaphore(%run_scoped3A : memref<!tpu.dma_semaphore, #tpu.memory_space<semaphore_mem>>) src(%dma_wait3A_216 : memref<512xi32, #tpu.memory_space<hbm>>) dst(%arg14 : memref<512xi32, #tpu.memory_space<vmem>>)
          tpu.yield
        }) : () -> ()
        "tpu.region"() ({
          %run_scoped3A = tpu.sem_alloc : memref<!tpu.dma_semaphore, #tpu.memory_space<semaphore_mem>>
          %dma_start3A_213 = tpu.memref_slice %arg5[%rem3A_212] : memref<344064xi32, #tpu.memory_space<hbm>> -> memref<512xi32, #tpu.memory_space<hbm>>
          %dma_start3A_214 = tpu.memref_slice %arg5[%rem3A_212] : memref<344064xi32, #tpu.memory_space<hbm>> -> memref<512xi32, #tpu.memory_space<hbm>>
          tpu.enqueue_dma source(%dma_start3A_214 : memref<512xi32, #tpu.memory_space<hbm>>) target(%arg15 : memref<512xi32, #tpu.memory_space<vmem>>) target_semaphore(%run_scoped3A : memref<!tpu.dma_semaphore, #tpu.memory_space<semaphore_mem>>)
          %dma_wait3A_215 = tpu.memref_slice %arg5[%rem3A_212] : memref<344064xi32, #tpu.memory_space<hbm>> -> memref<512xi32, #tpu.memory_space<hbm>>
          %dma_wait3A_216 = tpu.memref_slice %arg5[%rem3A_212] : memref<344064xi32, #tpu.memory_space<hbm>> -> memref<512xi32, #tpu.memory_space<hbm>>
          tpu.wait_dma2 semaphore(%run_scoped3A : memref<!tpu.dma_semaphore, #tpu.memory_space<semaphore_mem>>) src(%dma_wait3A_216 : memref<512xi32, #tpu.memory_space<hbm>>) dst(%arg15 : memref<512xi32, #tpu.memory_space<vmem>>)
          tpu.yield
        }) : () -> ()
      } else {
      }
      %mul3A_142 = arith.constant 64 : i32
      %mul3A_143 = arith.muli %rem3A_136, %mul3A_142 : i32
      %scan3A_144 = arith.constant 0 : i32
      %scan3A_145 = arith.constant 0 : i32
      %scan3A_146 = arith.constant 4 : i32
      %scan3A_147 = arith.addi %scan3A_145, %scan3A_146 : i32
      %scan3A_148 = arith.constant 1 : i32
      %scan3A_149 = scf.for %scan3A_208 = %scan3A_145 to %scan3A_147 step %scan3A_148 iter_args(%scan3A_209 = %scan3A_144) -> (i32)  : i32 {
        %mul3A_210 = arith.constant 16 : i32
        %mul3A_211 = arith.muli %scan3A_208, %mul3A_210 : i32
        %add3A_212 = arith.addi %mul3A_143, %mul3A_211 : i32
        %mul3A_213 = arith.constant 16 : i32
        %mul3A_214 = arith.muli %scan3A_208, %mul3A_213 : i32
        %get3A_215 = arith.index_cast %add3A_212 : i32 to index
        %get3A_216 = tpu.vector_load %arg14[%get3A_215] {strides = array<i32>} : memref<512xi32, #tpu.memory_space<vmem>>, vector<16xi32>,
        %add3A_217 = vector.broadcast %mul3A_15 : i32 to vector<16xi32>
        %add3A_218 = arith.addi %get3A_216, %add3A_217 : vector<16xi32>
        %swap3A = arith.index_cast %mul3A_214 : i32 to index
        %swap3A_219 = tpu.vector_load %arg19[%swap3A] {strides = array<i32>} : memref<64xi32, #tpu.memory_space<vmem>>, vector<16xi32>,
        tpu.vector_store %arg19[%swap3A], %add3A_218 {strides = array<i32>} : memref<64xi32, #tpu.memory_space<vmem>>, vector<16xi32>,
        %get3A_220 = arith.index_cast %add3A_212 : i32 to index
        %get3A_221 = tpu.vector_load %arg15[%get3A_220] {strides = array<i32>} : memref<512xi32, #tpu.memory_space<vmem>>, vector<16xi32>,
        %add3A_222 = vector.broadcast %mul3A_15 : i32 to vector<16xi32>
        %add3A_223 = arith.addi %get3A_221, %add3A_222 : vector<16xi32>
        %swap3A_224 = arith.index_cast %mul3A_214 : i32 to index
        %swap3A_225 = tpu.vector_load %arg20[%swap3A_224] {strides = array<i32>} : memref<64xi32, #tpu.memory_space<vmem>>, vector<16xi32>,
        tpu.vector_store %arg20[%swap3A_224], %add3A_223 {strides = array<i32>} : memref<64xi32, #tpu.memory_space<vmem>>, vector<16xi32>,
        %get3A_226 = arith.index_cast %add3A_212 : i32 to index
        %get3A_227 = tpu.vector_load %arg15[%get3A_226] {strides = array<i32>} : memref<512xi32, #tpu.memory_space<vmem>>, vector<16xi32>,
        %add3A_228 = vector.broadcast %scan3A_47 : i32 to vector<16xi32>
        %add3A_229 = arith.addi %get3A_227, %add3A_228 : vector<16xi32>
        %swap3A_230 = arith.index_cast %mul3A_214 : i32 to index
        %swap3A_231 = tpu.vector_load %arg21[%swap3A_230] {strides = array<i32>} : memref<64xi32, #tpu.memory_space<vmem>>, vector<16xi32>,
        tpu.vector_store %arg21[%swap3A_230], %add3A_229 {strides = array<i32>} : memref<64xi32, #tpu.memory_space<vmem>>, vector<16xi32>,
        %scan3A_232 = arith.constant 0 : i32
        scf.yield %scan3A_232 : i32
      }
      %scan3A_150 = arith.constant 4 : i32
      %dma_start3A_151 = arith.constant 0 : i32
      %dma_start3A_152 = arith.constant 0 : i32
      %dma_start3A_153 = tpu.memref_slice %arg2[%dma_start3A_151, %dma_start3A_152] : memref<40960x64xf32, #tpu.memory_space<hbm>> -> memref<40960x64xf32, #tpu.memory_space<hbm>>
      tpu.enqueue_indirect_dma source(%dma_start3A_153 : memref<40960x64xf32, #tpu.memory_space<hbm>>) target(%arg24 : memref<64x64xf32, #tpu.memory_space<vmem>>) offsets(%arg19 : memref<64xi32, #tpu.memory_space<vmem>>) semaphore(%arg30 : memref<!tpu.dma_semaphore, #tpu.memory_space<semaphore_mem>>)
      %dma_start3A_154 = arith.constant 0 : i32
      %dma_start3A_155 = arith.constant 0 : i32
      %dma_start3A_156 = tpu.memref_slice %arg3[%dma_start3A_154, %dma_start3A_155] : memref<40960x64xf32, #tpu.memory_space<hbm>> -> memref<40960x64xf32, #tpu.memory_space<hbm>>
      tpu.enqueue_indirect_dma source(%dma_start3A_156 : memref<40960x64xf32, #tpu.memory_space<hbm>>) target(%arg25 : memref<64x64xf32, #tpu.memory_space<vmem>>) offsets(%arg20 : memref<64xi32, #tpu.memory_space<vmem>>) semaphore(%arg31 : memref<!tpu.dma_semaphore, #tpu.memory_space<semaphore_mem>>)
      %dma_wait3A_157 = arith.constant 0 : i32
      %dma_wait3A_158 = arith.constant 0 : i32
      %dma_wait3A_159 = tpu.memref_slice %arg2[%dma_wait3A_157, %dma_wait3A_158] : memref<40960x64xf32, #tpu.memory_space<hbm>> -> memref<40960x64xf32, #tpu.memory_space<hbm>>
      tpu.wait_indirect_dma semaphore(%arg28 : memref<!tpu.dma_semaphore, #tpu.memory_space<semaphore_mem>>) src(%dma_wait3A_159 : memref<40960x64xf32, #tpu.memory_space<hbm>>) dst(%arg22 : memref<64x64xf32, #tpu.memory_space<vmem>>)
      %dma_wait3A_160 = arith.constant 0 : i32
      %dma_wait3A_161 = arith.constant 0 : i32
      %dma_wait3A_162 = tpu.memref_slice %arg3[%dma_wait3A_160, %dma_wait3A_161] : memref<40960x64xf32, #tpu.memory_space<hbm>> -> memref<40960x64xf32, #tpu.memory_space<hbm>>
      tpu.wait_indirect_dma semaphore(%arg29 : memref<!tpu.dma_semaphore, #tpu.memory_space<semaphore_mem>>) src(%dma_wait3A_162 : memref<40960x64xf32, #tpu.memory_space<hbm>>) dst(%arg23 : memref<64x64xf32, #tpu.memory_space<vmem>>)
      %scan3A_163 = arith.constant 0 : i32
      %scan3A_164 = arith.constant 0 : i32
      %scan3A_165 = arith.constant 64 : i32
      %scan3A_166 = arith.addi %scan3A_164, %scan3A_165 : i32
      %scan3A_167 = arith.constant 1 : i32
      %scan3A_168 = scf.for %scan3A_208 = %scan3A_164 to %scan3A_166 step %scan3A_167 iter_args(%scan3A_209 = %scan3A_163) -> (i32)  : i32 {
        %broadcast_in_dim3A = arith.constant 0.000000e+00 : f32
        %broadcast_in_dim3A_210 = vector.broadcast %broadcast_in_dim3A : f32 to vector<16xf32>
        %get3A_211 = arith.index_cast %scan3A_208 : i32 to index
        %get3A_212 = arith.constant 0 : index
        %get3A_213 = tpu.vector_load %arg22[%get3A_211, %get3A_212] {strides = array<i32>} : memref<64x64xf32, #tpu.memory_space<vmem>>, vector<16xf32>,
        %get3A_214 = arith.index_cast %scan3A_208 : i32 to index
        %get3A_215 = arith.constant 0 : index
        %get3A_216 = tpu.vector_load %arg23[%get3A_214, %get3A_215] {strides = array<i32>} : memref<64x64xf32, #tpu.memory_space<vmem>>, vector<16xf32>,
        %add3A_217 = arith.addf %get3A_213, %get3A_216 : vector<16xf32>
        %mul3A_218 = arith.constant 2.000000e-01 : f32
        %mul3A_219 = vector.broadcast %mul3A_218 : f32 to vector<16xf32>
        %mul3A_220 = arith.mulf %mul3A_219, %add3A_217 : vector<16xf32>
        %max3A = arith.maximumf %add3A_217, %mul3A_220 : vector<16xf32>
        %mul3A_221 = arith.mulf %max3A, %get3A_17 : vector<16xf32>
        %add3A_222 = arith.addf %broadcast_in_dim3A_210, %mul3A_221 : vector<16xf32>
        %get3A_223 = arith.index_cast %scan3A_208 : i32 to index
        %get3A_224 = arith.constant 16 : index
        %get3A_225 = tpu.vector_load %arg22[%get3A_223, %get3A_224] {strides = array<i32>} : memref<64x64xf32, #tpu.memory_space<vmem>>, vector<16xf32>,
        %get3A_226 = arith.index_cast %scan3A_208 : i32 to index
        %get3A_227 = arith.constant 16 : index
        %get3A_228 = tpu.vector_load %arg23[%get3A_226, %get3A_227] {strides = array<i32>} : memref<64x64xf32, #tpu.memory_space<vmem>>, vector<16xf32>,
        %add3A_229 = arith.addf %get3A_225, %get3A_228 : vector<16xf32>
        %mul3A_230 = arith.constant 2.000000e-01 : f32
        %mul3A_231 = vector.broadcast %mul3A_230 : f32 to vector<16xf32>
        %mul3A_232 = arith.mulf %mul3A_231, %add3A_229 : vector<16xf32>
        %max3A_233 = arith.maximumf %add3A_229, %mul3A_232 : vector<16xf32>
        %mul3A_234 = arith.mulf %max3A_233, %get3A_20 : vector<16xf32>
        %add3A_235 = arith.addf %add3A_222, %mul3A_234 : vector<16xf32>
        %get3A_236 = arith.index_cast %scan3A_208 : i32 to index
        %get3A_237 = arith.constant 32 : index
        %get3A_238 = tpu.vector_load %arg22[%get3A_236, %get3A_237] {strides = array<i32>} : memref<64x64xf32, #tpu.memory_space<vmem>>, vector<16xf32>,
        %get3A_239 = arith.index_cast %scan3A_208 : i32 to index
        %get3A_240 = arith.constant 32 : index
        %get3A_241 = tpu.vector_load %arg23[%get3A_239, %get3A_240] {strides = array<i32>} : memref<64x64xf32, #tpu.memory_space<vmem>>, vector<16xf32>,
        %add3A_242 = arith.addf %get3A_238, %get3A_241 : vector<16xf32>
        %mul3A_243 = arith.constant 2.000000e-01 : f32
        %mul3A_244 = vector.broadcast %mul3A_243 : f32 to vector<16xf32>
        %mul3A_245 = arith.mulf %mul3A_244, %add3A_242 : vector<16xf32>
        %max3A_246 = arith.maximumf %add3A_242, %mul3A_245 : vector<16xf32>
        %mul3A_247 = arith.mulf %max3A_246, %get3A_23 : vector<16xf32>
        %add3A_248 = arith.addf %add3A_235, %mul3A_247 : vector<16xf32>
        %get3A_249 = arith.index_cast %scan3A_208 : i32 to index
        %get3A_250 = arith.constant 48 : index
        %get3A_251 = tpu.vector_load %arg22[%get3A_249, %get3A_250] {strides = array<i32>} : memref<64x64xf32, #tpu.memory_space<vmem>>, vector<16xf32>,
        %get3A_252 = arith.index_cast %scan3A_208 : i32 to index
        %get3A_253 = arith.constant 48 : index
        %get3A_254 = tpu.vector_load %arg23[%get3A_252, %get3A_253] {strides = array<i32>} : memref<64x64xf32, #tpu.memory_space<vmem>>, vector<16xf32>,
        %add3A_255 = arith.addf %get3A_251, %get3A_254 : vector<16xf32>
        %mul3A_256 = arith.constant 2.000000e-01 : f32
        %mul3A_257 = vector.broadcast %mul3A_256 : f32 to vector<16xf32>
        %mul3A_258 = arith.mulf %mul3A_257, %add3A_255 : vector<16xf32>
        %max3A_259 = arith.maximumf %add3A_255, %mul3A_258 : vector<16xf32>
        %mul3A_260 = arith.mulf %max3A_259, %get3A_26 : vector<16xf32>
        %add3A_261 = arith.addf %add3A_248, %mul3A_260 : vector<16xf32>
        %reduce_sum3A = arith.constant true
        %reduce_sum3A_262 = vector.broadcast %reduce_sum3A : i1 to vector<16xi1>
        %reduce_sum3A_263 = tpu.scan <sum>, %add3A_261 masked %reduce_sum3A_262 : vector<16xf32>, vector<16xi1> -> vector<16xf32>
        %reduce_sum3A_264 = vector.extract %reduce_sum3A_263[15] : f32 from vector<16xf32>
        %broadcast_in_dim3A_265 = vector.broadcast %reduce_sum3A_264 : f32 to vector<16xf32>
        %exp3A = math.exp %broadcast_in_dim3A_265 : vector<16xf32>
        %mul3A_266 = arith.mulf %get3A_213, %exp3A : vector<16xf32>
        %swap3A = arith.index_cast %scan3A_208 : i32 to index
        %swap3A_267 = arith.constant 0 : index
        %swap3A_268 = tpu.vector_load %arg26[%swap3A, %swap3A_267] {strides = array<i32>} : memref<64x64xf32, #tpu.memory_space<vmem>>, vector<16xf32>,
        tpu.vector_store %arg26[%swap3A, %swap3A_267], %mul3A_266 {strides = array<i32>} : memref<64x64xf32, #tpu.memory_space<vmem>>, vector<16xf32>,
        %mul3A_269 = arith.mulf %get3A_225, %exp3A : vector<16xf32>
        %swap3A_270 = arith.index_cast %scan3A_208 : i32 to index
        %swap3A_271 = arith.constant 16 : index
        %swap3A_272 = tpu.vector_load %arg26[%swap3A_270, %swap3A_271] {strides = array<i32>} : memref<64x64xf32, #tpu.memory_space<vmem>>, vector<16xf32>,
        tpu.vector_store %arg26[%swap3A_270, %swap3A_271], %mul3A_269 {strides = array<i32>} : memref<64x64xf32, #tpu.memory_space<vmem>>, vector<16xf32>,
        %mul3A_273 = arith.mulf %get3A_238, %exp3A : vector<16xf32>
        %swap3A_274 = arith.index_cast %scan3A_208 : i32 to index
        %swap3A_275 = arith.constant 32 : index
        %swap3A_276 = tpu.vector_load %arg26[%swap3A_274, %swap3A_275] {strides = array<i32>} : memref<64x64xf32, #tpu.memory_space<vmem>>, vector<16xf32>,
        tpu.vector_store %arg26[%swap3A_274, %swap3A_275], %mul3A_273 {strides = array<i32>} : memref<64x64xf32, #tpu.memory_space<vmem>>, vector<16xf32>,
        %mul3A_277 = arith.mulf %get3A_251, %exp3A : vector<16xf32>
        %swap3A_278 = arith.index_cast %scan3A_208 : i32 to index
        %swap3A_279 = arith.constant 48 : index
        %swap3A_280 = tpu.vector_load %arg26[%swap3A_278, %swap3A_279] {strides = array<i32>} : memref<64x64xf32, #tpu.memory_space<vmem>>, vector<16xf32>,
        tpu.vector_store %arg26[%swap3A_278, %swap3A_279], %mul3A_277 {strides = array<i32>} : memref<64x64xf32, #tpu.memory_space<vmem>>, vector<16xf32>,
        %jit3A = arith.constant 0.000000e+00 : f32
        %broadcast_in_dim3A_281 = vector.broadcast %jit3A : f32 to vector<16xf32>
        %select_n3A = arith.select %eq3A_8, %exp3A, %broadcast_in_dim3A_281 : vector<16xi1>, vector<16xf32>
        %swap3A_282 = arith.index_cast %scan3A_208 : i32 to index
        %swap3A_283 = arith.constant 0 : index
        %swap3A_284 = tpu.vector_load %arg27[%swap3A_282, %swap3A_283] {strides = array<i32>} : memref<64x16xf32, #tpu.memory_space<vmem>>, vector<16xf32>,
        tpu.vector_store %arg27[%swap3A_282, %swap3A_283], %select_n3A {strides = array<i32>} : memref<64x16xf32, #tpu.memory_space<vmem>>, vector<16xf32>,
        %scan3A_285 = arith.constant 0 : i32
        scf.yield %scan3A_285 : i32
      }
      %scan3A_169 = arith.constant 64 : i32
      "tpu.region"() ({
        %run_scoped3A = tpu.sem_alloc : memref<!tpu.dma_semaphore, #tpu.memory_space<semaphore_mem>>
        %dma_start3A_208 = arith.constant 0 : i32
        %dma_start3A_209 = arith.constant 0 : i32
        %dma_start3A_210 = tpu.memref_slice %arg11[%dma_start3A_208, %dma_start3A_209] : memref<20480x64xf32, #tpu.memory_space<vmem_shared>> -> memref<20480x64xf32, #tpu.memory_space<vmem_shared>>
        tpu.enqueue_indirect_dma source(%arg26 : memref<64x64xf32, #tpu.memory_space<vmem>>) target(%dma_start3A_210 : memref<20480x64xf32, #tpu.memory_space<vmem_shared>>) offsets(%arg18 : memref<64xi32, #tpu.memory_space<vmem>>) semaphore(%run_scoped3A : memref<!tpu.dma_semaphore, #tpu.memory_space<semaphore_mem>>) {add = true}
        %dma_wait3A_211 = arith.constant 0 : i32
        %dma_wait3A_212 = arith.constant 0 : i32
        %dma_wait3A_213 = tpu.memref_slice %arg11[%dma_wait3A_211, %dma_wait3A_212] : memref<20480x64xf32, #tpu.memory_space<vmem_shared>> -> memref<20480x64xf32, #tpu.memory_space<vmem_shared>>
        tpu.wait_indirect_dma semaphore(%run_scoped3A : memref<!tpu.dma_semaphore, #tpu.memory_space<semaphore_mem>>) src(%arg26 : memref<64x64xf32, #tpu.memory_space<vmem>>) dst(%dma_wait3A_213 : memref<20480x64xf32, #tpu.memory_space<vmem_shared>>)
        tpu.yield
      }) : () -> ()
      "tpu.region"() ({
        %run_scoped3A = tpu.sem_alloc : memref<!tpu.dma_semaphore, #tpu.memory_space<semaphore_mem>>
        %dma_start3A_208 = arith.constant 0 : i32
        %dma_start3A_209 = arith.constant 0 : i32
        %dma_start3A_210 = tpu.memref_slice %arg12[%dma_start3A_208, %dma_start3A_209] : memref<20480x16xf32, #tpu.memory_space<vmem_shared>> -> memref<20480x16xf32, #tpu.memory_space<vmem_shared>>
        tpu.enqueue_indirect_dma source(%arg27 : memref<64x16xf32, #tpu.memory_space<vmem>>) target(%dma_start3A_210 : memref<20480x16xf32, #tpu.memory_space<vmem_shared>>) offsets(%arg18 : memref<64xi32, #tpu.memory_space<vmem>>) semaphore(%run_scoped3A : memref<!tpu.dma_semaphore, #tpu.memory_space<semaphore_mem>>) {add = true}
        %dma_wait3A_211 = arith.constant 0 : i32
        %dma_wait3A_212 = arith.constant 0 : i32
        %dma_wait3A_213 = tpu.memref_slice %arg12[%dma_wait3A_211, %dma_wait3A_212] : memref<20480x16xf32, #tpu.memory_space<vmem_shared>> -> memref<20480x16xf32, #tpu.memory_space<vmem_shared>>
        tpu.wait_indirect_dma semaphore(%run_scoped3A : memref<!tpu.dma_semaphore, #tpu.memory_space<semaphore_mem>>) src(%arg27 : memref<64x16xf32, #tpu.memory_space<vmem>>) dst(%dma_wait3A_213 : memref<20480x16xf32, #tpu.memory_space<vmem_shared>>)
        tpu.yield
      }) : () -> ()
      %add3A_170 = arith.constant 2 : i32
      %add3A_171 = arith.addi %mul3A_132, %add3A_170 : i32
      %rem3A_172 = arith.constant 8 : i32
      %rem3A_173 = arith.remsi %add3A_171, %rem3A_172 : i32
      %eq3A_174 = arith.constant 0 : i32
      %eq3A_175 = arith.cmpi eq, %rem3A_173, %eq3A_174 : i32
      %convert_element_type3A_176 = arith.extui %eq3A_175 : i1 to i32
      %cond3A_177 = arith.constant 0 : i32
      %cond3A_178 = arith.cmpi ne, %convert_element_type3A_176, %cond3A_177 : i32
      scf.if %cond3A_178 {
        %mul3A_208 = arith.constant 64 : i32
        %mul3A_209 = arith.muli %add3A_171, %mul3A_208 : i32
        %add3A_210 = arith.addi %mul3A_10, %mul3A_209 : i32
        %rem3A_211 = arith.constant 344064 : i32
        %rem3A_212 = arith.remsi %add3A_210, %rem3A_211 : i32
        "tpu.region"() ({
          %run_scoped3A = tpu.sem_alloc : memref<!tpu.dma_semaphore, #tpu.memory_space<semaphore_mem>>
          %dma_start3A_213 = tpu.memref_slice %arg4[%rem3A_212] : memref<344064xi32, #tpu.memory_space<hbm>> -> memref<512xi32, #tpu.memory_space<hbm>>
          %dma_start3A_214 = tpu.memref_slice %arg4[%rem3A_212] : memref<344064xi32, #tpu.memory_space<hbm>> -> memref<512xi32, #tpu.memory_space<hbm>>
          tpu.enqueue_dma source(%dma_start3A_214 : memref<512xi32, #tpu.memory_space<hbm>>) target(%arg14 : memref<512xi32, #tpu.memory_space<vmem>>) target_semaphore(%run_scoped3A : memref<!tpu.dma_semaphore, #tpu.memory_space<semaphore_mem>>)
          %dma_wait3A_215 = tpu.memref_slice %arg4[%rem3A_212] : memref<344064xi32, #tpu.memory_space<hbm>> -> memref<512xi32, #tpu.memory_space<hbm>>
          %dma_wait3A_216 = tpu.memref_slice %arg4[%rem3A_212] : memref<344064xi32, #tpu.memory_space<hbm>> -> memref<512xi32, #tpu.memory_space<hbm>>
          tpu.wait_dma2 semaphore(%run_scoped3A : memref<!tpu.dma_semaphore, #tpu.memory_space<semaphore_mem>>) src(%dma_wait3A_216 : memref<512xi32, #tpu.memory_space<hbm>>) dst(%arg14 : memref<512xi32, #tpu.memory_space<vmem>>)
          tpu.yield
        }) : () -> ()
        "tpu.region"() ({
          %run_scoped3A = tpu.sem_alloc : memref<!tpu.dma_semaphore, #tpu.memory_space<semaphore_mem>>
          %dma_start3A_213 = tpu.memref_slice %arg5[%rem3A_212] : memref<344064xi32, #tpu.memory_space<hbm>> -> memref<512xi32, #tpu.memory_space<hbm>>
          %dma_start3A_214 = tpu.memref_slice %arg5[%rem3A_212] : memref<344064xi32, #tpu.memory_space<hbm>> -> memref<512xi32, #tpu.memory_space<hbm>>
          tpu.enqueue_dma source(%dma_start3A_214 : memref<512xi32, #tpu.memory_space<hbm>>) target(%arg15 : memref<512xi32, #tpu.memory_space<vmem>>) target_semaphore(%run_scoped3A : memref<!tpu.dma_semaphore, #tpu.memory_space<semaphore_mem>>)
          %dma_wait3A_215 = tpu.memref_slice %arg5[%rem3A_212] : memref<344064xi32, #tpu.memory_space<hbm>> -> memref<512xi32, #tpu.memory_space<hbm>>
          %dma_wait3A_216 = tpu.memref_slice %arg5[%rem3A_212] : memref<344064xi32, #tpu.memory_space<hbm>> -> memref<512xi32, #tpu.memory_space<hbm>>
          tpu.wait_dma2 semaphore(%run_scoped3A : memref<!tpu.dma_semaphore, #tpu.memory_space<semaphore_mem>>) src(%dma_wait3A_216 : memref<512xi32, #tpu.memory_space<hbm>>) dst(%arg15 : memref<512xi32, #tpu.memory_space<vmem>>)
          tpu.yield
        }) : () -> ()
      } else {
      }
      %mul3A_179 = arith.constant 64 : i32
      %mul3A_180 = arith.muli %rem3A_173, %mul3A_179 : i32
      %scan3A_181 = arith.constant 0 : i32
      %scan3A_182 = arith.constant 0 : i32
      %scan3A_183 = arith.constant 4 : i32
      %scan3A_184 = arith.addi %scan3A_182, %scan3A_183 : i32
      %scan3A_185 = arith.constant 1 : i32
      %scan3A_186 = scf.for %scan3A_208 = %scan3A_182 to %scan3A_184 step %scan3A_185 iter_args(%scan3A_209 = %scan3A_181) -> (i32)  : i32 {
        %mul3A_210 = arith.constant 16 : i32
        %mul3A_211 = arith.muli %scan3A_208, %mul3A_210 : i32
        %add3A_212 = arith.addi %mul3A_180, %mul3A_211 : i32
        %mul3A_213 = arith.constant 16 : i32
        %mul3A_214 = arith.muli %scan3A_208, %mul3A_213 : i32
        %get3A_215 = arith.index_cast %add3A_212 : i32 to index
        %get3A_216 = tpu.vector_load %arg14[%get3A_215] {strides = array<i32>} : memref<512xi32, #tpu.memory_space<vmem>>, vector<16xi32>,
        %add3A_217 = vector.broadcast %mul3A_15 : i32 to vector<16xi32>
        %add3A_218 = arith.addi %get3A_216, %add3A_217 : vector<16xi32>
        %swap3A = arith.index_cast %mul3A_214 : i32 to index
        %swap3A_219 = tpu.vector_load %arg16[%swap3A] {strides = array<i32>} : memref<64xi32, #tpu.memory_space<vmem>>, vector<16xi32>,
        tpu.vector_store %arg16[%swap3A], %add3A_218 {strides = array<i32>} : memref<64xi32, #tpu.memory_space<vmem>>, vector<16xi32>,
        %get3A_220 = arith.index_cast %add3A_212 : i32 to index
        %get3A_221 = tpu.vector_load %arg15[%get3A_220] {strides = array<i32>} : memref<512xi32, #tpu.memory_space<vmem>>, vector<16xi32>,
        %add3A_222 = vector.broadcast %mul3A_15 : i32 to vector<16xi32>
        %add3A_223 = arith.addi %get3A_221, %add3A_222 : vector<16xi32>
        %swap3A_224 = arith.index_cast %mul3A_214 : i32 to index
        %swap3A_225 = tpu.vector_load %arg17[%swap3A_224] {strides = array<i32>} : memref<64xi32, #tpu.memory_space<vmem>>, vector<16xi32>,
        tpu.vector_store %arg17[%swap3A_224], %add3A_223 {strides = array<i32>} : memref<64xi32, #tpu.memory_space<vmem>>, vector<16xi32>,
        %get3A_226 = arith.index_cast %add3A_212 : i32 to index
        %get3A_227 = tpu.vector_load %arg15[%get3A_226] {strides = array<i32>} : memref<512xi32, #tpu.memory_space<vmem>>, vector<16xi32>,
        %add3A_228 = vector.broadcast %scan3A_47 : i32 to vector<16xi32>
        %add3A_229 = arith.addi %get3A_227, %add3A_228 : vector<16xi32>
        %swap3A_230 = arith.index_cast %mul3A_214 : i32 to index
        %swap3A_231 = tpu.vector_load %arg18[%swap3A_230] {strides = array<i32>} : memref<64xi32, #tpu.memory_space<vmem>>, vector<16xi32>,
        tpu.vector_store %arg18[%swap3A_230], %add3A_229 {strides = array<i32>} : memref<64xi32, #tpu.memory_space<vmem>>, vector<16xi32>,
        %scan3A_232 = arith.constant 0 : i32
        scf.yield %scan3A_232 : i32
      }
      %scan3A_187 = arith.constant 4 : i32
      %dma_start3A_188 = arith.constant 0 : i32
      %dma_start3A_189 = arith.constant 0 : i32
      %dma_start3A_190 = tpu.memref_slice %arg2[%dma_start3A_188, %dma_start3A_189] : memref<40960x64xf32, #tpu.memory_space<hbm>> -> memref<40960x64xf32, #tpu.memory_space<hbm>>
      tpu.enqueue_indirect_dma source(%dma_start3A_190 : memref<40960x64xf32, #tpu.memory_space<hbm>>) target(%arg22 : memref<64x64xf32, #tpu.memory_space<vmem>>) offsets(%arg16 : memref<64xi32, #tpu.memory_space<vmem>>) semaphore(%arg28 : memref<!tpu.dma_semaphore, #tpu.memory_space<semaphore_mem>>)
      %dma_start3A_191 = arith.constant 0 : i32
      %dma_start3A_192 = arith.constant 0 : i32
      %dma_start3A_193 = tpu.memref_slice %arg3[%dma_start3A_191, %dma_start3A_192] : memref<40960x64xf32, #tpu.memory_space<hbm>> -> memref<40960x64xf32, #tpu.memory_space<hbm>>
      tpu.enqueue_indirect_dma source(%dma_start3A_193 : memref<40960x64xf32, #tpu.memory_space<hbm>>) target(%arg23 : memref<64x64xf32, #tpu.memory_space<vmem>>) offsets(%arg17 : memref<64xi32, #tpu.memory_space<vmem>>) semaphore(%arg29 : memref<!tpu.dma_semaphore, #tpu.memory_space<semaphore_mem>>)
      %dma_wait3A_194 = arith.constant 0 : i32
      %dma_wait3A_195 = arith.constant 0 : i32
      %dma_wait3A_196 = tpu.memref_slice %arg2[%dma_wait3A_194, %dma_wait3A_195] : memref<40960x64xf32, #tpu.memory_space<hbm>> -> memref<40960x64xf32, #tpu.memory_space<hbm>>
      tpu.wait_indirect_dma semaphore(%arg30 : memref<!tpu.dma_semaphore, #tpu.memory_space<semaphore_mem>>) src(%dma_wait3A_196 : memref<40960x64xf32, #tpu.memory_space<hbm>>) dst(%arg24 : memref<64x64xf32, #tpu.memory_space<vmem>>)
      %dma_wait3A_197 = arith.constant 0 : i32
      %dma_wait3A_198 = arith.constant 0 : i32
      %dma_wait3A_199 = tpu.memref_slice %arg3[%dma_wait3A_197, %dma_wait3A_198] : memref<40960x64xf32, #tpu.memory_space<hbm>> -> memref<40960x64xf32, #tpu.memory_space<hbm>>
      tpu.wait_indirect_dma semaphore(%arg31 : memref<!tpu.dma_semaphore, #tpu.memory_space<semaphore_mem>>) src(%dma_wait3A_199 : memref<40960x64xf32, #tpu.memory_space<hbm>>) dst(%arg25 : memref<64x64xf32, #tpu.memory_space<vmem>>)
      %scan3A_200 = arith.constant 0 : i32
      %scan3A_201 = arith.constant 0 : i32
      %scan3A_202 = arith.constant 64 : i32
      %scan3A_203 = arith.addi %scan3A_201, %scan3A_202 : i32
      %scan3A_204 = arith.constant 1 : i32
      %scan3A_205 = scf.for %scan3A_208 = %scan3A_201 to %scan3A_203 step %scan3A_204 iter_args(%scan3A_209 = %scan3A_200) -> (i32)  : i32 {
        %broadcast_in_dim3A = arith.constant 0.000000e+00 : f32
        %broadcast_in_dim3A_210 = vector.broadcast %broadcast_in_dim3A : f32 to vector<16xf32>
        %get3A_211 = arith.index_cast %scan3A_208 : i32 to index
        %get3A_212 = arith.constant 0 : index
        %get3A_213 = tpu.vector_load %arg24[%get3A_211, %get3A_212] {strides = array<i32>} : memref<64x64xf32, #tpu.memory_space<vmem>>, vector<16xf32>,
        %get3A_214 = arith.index_cast %scan3A_208 : i32 to index
        %get3A_215 = arith.constant 0 : index
        %get3A_216 = tpu.vector_load %arg25[%get3A_214, %get3A_215] {strides = array<i32>} : memref<64x64xf32, #tpu.memory_space<vmem>>, vector<16xf32>,
        %add3A_217 = arith.addf %get3A_213, %get3A_216 : vector<16xf32>
        %mul3A_218 = arith.constant 2.000000e-01 : f32
        %mul3A_219 = vector.broadcast %mul3A_218 : f32 to vector<16xf32>
        %mul3A_220 = arith.mulf %mul3A_219, %add3A_217 : vector<16xf32>
        %max3A = arith.maximumf %add3A_217, %mul3A_220 : vector<16xf32>
        %mul3A_221 = arith.mulf %max3A, %get3A_17 : vector<16xf32>
        %add3A_222 = arith.addf %broadcast_in_dim3A_210, %mul3A_221 : vector<16xf32>
        %get3A_223 = arith.index_cast %scan3A_208 : i32 to index
        %get3A_224 = arith.constant 16 : index
        %get3A_225 = tpu.vector_load %arg24[%get3A_223, %get3A_224] {strides = array<i32>} : memref<64x64xf32, #tpu.memory_space<vmem>>, vector<16xf32>,
        %get3A_226 = arith.index_cast %scan3A_208 : i32 to index
        %get3A_227 = arith.constant 16 : index
        %get3A_228 = tpu.vector_load %arg25[%get3A_226, %get3A_227] {strides = array<i32>} : memref<64x64xf32, #tpu.memory_space<vmem>>, vector<16xf32>,
        %add3A_229 = arith.addf %get3A_225, %get3A_228 : vector<16xf32>
        %mul3A_230 = arith.constant 2.000000e-01 : f32
        %mul3A_231 = vector.broadcast %mul3A_230 : f32 to vector<16xf32>
        %mul3A_232 = arith.mulf %mul3A_231, %add3A_229 : vector<16xf32>
        %max3A_233 = arith.maximumf %add3A_229, %mul3A_232 : vector<16xf32>
        %mul3A_234 = arith.mulf %max3A_233, %get3A_20 : vector<16xf32>
        %add3A_235 = arith.addf %add3A_222, %mul3A_234 : vector<16xf32>
        %get3A_236 = arith.index_cast %scan3A_208 : i32 to index
        %get3A_237 = arith.constant 32 : index
        %get3A_238 = tpu.vector_load %arg24[%get3A_236, %get3A_237] {strides = array<i32>} : memref<64x64xf32, #tpu.memory_space<vmem>>, vector<16xf32>,
        %get3A_239 = arith.index_cast %scan3A_208 : i32 to index
        %get3A_240 = arith.constant 32 : index
        %get3A_241 = tpu.vector_load %arg25[%get3A_239, %get3A_240] {strides = array<i32>} : memref<64x64xf32, #tpu.memory_space<vmem>>, vector<16xf32>,
        %add3A_242 = arith.addf %get3A_238, %get3A_241 : vector<16xf32>
        %mul3A_243 = arith.constant 2.000000e-01 : f32
        %mul3A_244 = vector.broadcast %mul3A_243 : f32 to vector<16xf32>
        %mul3A_245 = arith.mulf %mul3A_244, %add3A_242 : vector<16xf32>
        %max3A_246 = arith.maximumf %add3A_242, %mul3A_245 : vector<16xf32>
        %mul3A_247 = arith.mulf %max3A_246, %get3A_23 : vector<16xf32>
        %add3A_248 = arith.addf %add3A_235, %mul3A_247 : vector<16xf32>
        %get3A_249 = arith.index_cast %scan3A_208 : i32 to index
        %get3A_250 = arith.constant 48 : index
        %get3A_251 = tpu.vector_load %arg24[%get3A_249, %get3A_250] {strides = array<i32>} : memref<64x64xf32, #tpu.memory_space<vmem>>, vector<16xf32>,
        %get3A_252 = arith.index_cast %scan3A_208 : i32 to index
        %get3A_253 = arith.constant 48 : index
        %get3A_254 = tpu.vector_load %arg25[%get3A_252, %get3A_253] {strides = array<i32>} : memref<64x64xf32, #tpu.memory_space<vmem>>, vector<16xf32>,
        %add3A_255 = arith.addf %get3A_251, %get3A_254 : vector<16xf32>
        %mul3A_256 = arith.constant 2.000000e-01 : f32
        %mul3A_257 = vector.broadcast %mul3A_256 : f32 to vector<16xf32>
        %mul3A_258 = arith.mulf %mul3A_257, %add3A_255 : vector<16xf32>
        %max3A_259 = arith.maximumf %add3A_255, %mul3A_258 : vector<16xf32>
        %mul3A_260 = arith.mulf %max3A_259, %get3A_26 : vector<16xf32>
        %add3A_261 = arith.addf %add3A_248, %mul3A_260 : vector<16xf32>
        %reduce_sum3A = arith.constant true
        %reduce_sum3A_262 = vector.broadcast %reduce_sum3A : i1 to vector<16xi1>
        %reduce_sum3A_263 = tpu.scan <sum>, %add3A_261 masked %reduce_sum3A_262 : vector<16xf32>, vector<16xi1> -> vector<16xf32>
        %reduce_sum3A_264 = vector.extract %reduce_sum3A_263[15] : f32 from vector<16xf32>
        %broadcast_in_dim3A_265 = vector.broadcast %reduce_sum3A_264 : f32 to vector<16xf32>
        %exp3A = math.exp %broadcast_in_dim3A_265 : vector<16xf32>
        %mul3A_266 = arith.mulf %get3A_213, %exp3A : vector<16xf32>
        %swap3A = arith.index_cast %scan3A_208 : i32 to index
        %swap3A_267 = arith.constant 0 : index
        %swap3A_268 = tpu.vector_load %arg26[%swap3A, %swap3A_267] {strides = array<i32>} : memref<64x64xf32, #tpu.memory_space<vmem>>, vector<16xf32>,
        tpu.vector_store %arg26[%swap3A, %swap3A_267], %mul3A_266 {strides = array<i32>} : memref<64x64xf32, #tpu.memory_space<vmem>>, vector<16xf32>,
        %mul3A_269 = arith.mulf %get3A_225, %exp3A : vector<16xf32>
        %swap3A_270 = arith.index_cast %scan3A_208 : i32 to index
        %swap3A_271 = arith.constant 16 : index
        %swap3A_272 = tpu.vector_load %arg26[%swap3A_270, %swap3A_271] {strides = array<i32>} : memref<64x64xf32, #tpu.memory_space<vmem>>, vector<16xf32>,
        tpu.vector_store %arg26[%swap3A_270, %swap3A_271], %mul3A_269 {strides = array<i32>} : memref<64x64xf32, #tpu.memory_space<vmem>>, vector<16xf32>,
        %mul3A_273 = arith.mulf %get3A_238, %exp3A : vector<16xf32>
        %swap3A_274 = arith.index_cast %scan3A_208 : i32 to index
        %swap3A_275 = arith.constant 32 : index
        %swap3A_276 = tpu.vector_load %arg26[%swap3A_274, %swap3A_275] {strides = array<i32>} : memref<64x64xf32, #tpu.memory_space<vmem>>, vector<16xf32>,
        tpu.vector_store %arg26[%swap3A_274, %swap3A_275], %mul3A_273 {strides = array<i32>} : memref<64x64xf32, #tpu.memory_space<vmem>>, vector<16xf32>,
        %mul3A_277 = arith.mulf %get3A_251, %exp3A : vector<16xf32>
        %swap3A_278 = arith.index_cast %scan3A_208 : i32 to index
        %swap3A_279 = arith.constant 48 : index
        %swap3A_280 = tpu.vector_load %arg26[%swap3A_278, %swap3A_279] {strides = array<i32>} : memref<64x64xf32, #tpu.memory_space<vmem>>, vector<16xf32>,
        tpu.vector_store %arg26[%swap3A_278, %swap3A_279], %mul3A_277 {strides = array<i32>} : memref<64x64xf32, #tpu.memory_space<vmem>>, vector<16xf32>,
        %jit3A = arith.constant 0.000000e+00 : f32
        %broadcast_in_dim3A_281 = vector.broadcast %jit3A : f32 to vector<16xf32>
        %select_n3A = arith.select %eq3A_8, %exp3A, %broadcast_in_dim3A_281 : vector<16xi1>, vector<16xf32>
        %swap3A_282 = arith.index_cast %scan3A_208 : i32 to index
        %swap3A_283 = arith.constant 0 : index
        %swap3A_284 = tpu.vector_load %arg27[%swap3A_282, %swap3A_283] {strides = array<i32>} : memref<64x16xf32, #tpu.memory_space<vmem>>, vector<16xf32>,
        tpu.vector_store %arg27[%swap3A_282, %swap3A_283], %select_n3A {strides = array<i32>} : memref<64x16xf32, #tpu.memory_space<vmem>>, vector<16xf32>,
        %scan3A_285 = arith.constant 0 : i32
        scf.yield %scan3A_285 : i32
      }
      %scan3A_206 = arith.constant 64 : i32
      "tpu.region"() ({
        %run_scoped3A = tpu.sem_alloc : memref<!tpu.dma_semaphore, #tpu.memory_space<semaphore_mem>>
        %dma_start3A_208 = arith.constant 0 : i32
        %dma_start3A_209 = arith.constant 0 : i32
        %dma_start3A_210 = tpu.memref_slice %arg11[%dma_start3A_208, %dma_start3A_209] : memref<20480x64xf32, #tpu.memory_space<vmem_shared>> -> memref<20480x64xf32, #tpu.memory_space<vmem_shared>>
        tpu.enqueue_indirect_dma source(%arg26 : memref<64x64xf32, #tpu.memory_space<vmem>>) target(%dma_start3A_210 : memref<20480x64xf32, #tpu.memory_space<vmem_shared>>) offsets(%arg21 : memref<64xi32, #tpu.memory_space<vmem>>) semaphore(%run_scoped3A : memref<!tpu.dma_semaphore, #tpu.memory_space<semaphore_mem>>) {add = true}
        %dma_wait3A_211 = arith.constant 0 : i32
        %dma_wait3A_212 = arith.constant 0 : i32
        %dma_wait3A_213 = tpu.memref_slice %arg11[%dma_wait3A_211, %dma_wait3A_212] : memref<20480x64xf32, #tpu.memory_space<vmem_shared>> -> memref<20480x64xf32, #tpu.memory_space<vmem_shared>>
        tpu.wait_indirect_dma semaphore(%run_scoped3A : memref<!tpu.dma_semaphore, #tpu.memory_space<semaphore_mem>>) src(%arg26 : memref<64x64xf32, #tpu.memory_space<vmem>>) dst(%dma_wait3A_213 : memref<20480x64xf32, #tpu.memory_space<vmem_shared>>)
        tpu.yield
      }) : () -> ()
      "tpu.region"() ({
        %run_scoped3A = tpu.sem_alloc : memref<!tpu.dma_semaphore, #tpu.memory_space<semaphore_mem>>
        %dma_start3A_208 = arith.constant 0 : i32
        %dma_start3A_209 = arith.constant 0 : i32
        %dma_start3A_210 = tpu.memref_slice %arg12[%dma_start3A_208, %dma_start3A_209] : memref<20480x16xf32, #tpu.memory_space<vmem_shared>> -> memref<20480x16xf32, #tpu.memory_space<vmem_shared>>
        tpu.enqueue_indirect_dma source(%arg27 : memref<64x16xf32, #tpu.memory_space<vmem>>) target(%dma_start3A_210 : memref<20480x16xf32, #tpu.memory_space<vmem_shared>>) offsets(%arg21 : memref<64xi32, #tpu.memory_space<vmem>>) semaphore(%run_scoped3A : memref<!tpu.dma_semaphore, #tpu.memory_space<semaphore_mem>>) {add = true}
        %dma_wait3A_211 = arith.constant 0 : i32
        %dma_wait3A_212 = arith.constant 0 : i32
        %dma_wait3A_213 = tpu.memref_slice %arg12[%dma_wait3A_211, %dma_wait3A_212] : memref<20480x16xf32, #tpu.memory_space<vmem_shared>> -> memref<20480x16xf32, #tpu.memory_space<vmem_shared>>
        tpu.wait_indirect_dma semaphore(%run_scoped3A : memref<!tpu.dma_semaphore, #tpu.memory_space<semaphore_mem>>) src(%arg27 : memref<64x16xf32, #tpu.memory_space<vmem>>) dst(%dma_wait3A_213 : memref<20480x16xf32, #tpu.memory_space<vmem_shared>>)
        tpu.yield
      }) : () -> ()
      %scan3A_207 = arith.constant 0 : i32
      scf.yield %scan3A_207 : i32
    }
    %scan3A_54 = arith.constant 168 : i32
    %dma_wait3A = arith.constant 0 : i32
    %dma_wait3A_55 = arith.constant 0 : i32
    %dma_wait3A_56 = tpu.memref_slice %arg2[%dma_wait3A, %dma_wait3A_55] : memref<40960x64xf32, #tpu.memory_space<hbm>> -> memref<40960x64xf32, #tpu.memory_space<hbm>>
    tpu.wait_indirect_dma semaphore(%arg28 : memref<!tpu.dma_semaphore, #tpu.memory_space<semaphore_mem>>) src(%dma_wait3A_56 : memref<40960x64xf32, #tpu.memory_space<hbm>>) dst(%arg22 : memref<64x64xf32, #tpu.memory_space<vmem>>)
    %dma_wait3A_57 = arith.constant 0 : i32
    %dma_wait3A_58 = arith.constant 0 : i32
    %dma_wait3A_59 = tpu.memref_slice %arg3[%dma_wait3A_57, %dma_wait3A_58] : memref<40960x64xf32, #tpu.memory_space<hbm>> -> memref<40960x64xf32, #tpu.memory_space<hbm>>
    tpu.wait_indirect_dma semaphore(%arg29 : memref<!tpu.dma_semaphore, #tpu.memory_space<semaphore_mem>>) src(%dma_wait3A_59 : memref<40960x64xf32, #tpu.memory_space<hbm>>) dst(%arg23 : memref<64x64xf32, #tpu.memory_space<vmem>>)
    %mul3A_60 = arith.constant 21504 : i32
    %mul3A_61 = arith.muli %arg1, %mul3A_60 : i32
    %mul3A_62 = arith.constant 2 : i32
    %mul3A_63 = arith.muli %mul3A_62, %arg0 : i32
    %add3A_64 = arith.constant 1 : i32
    %add3A_65 = arith.addi %mul3A_63, %add3A_64 : i32
    %mul3A_66 = arith.constant 10240 : i32
    %mul3A_67 = arith.muli %add3A_65, %mul3A_66 : i32
    %get3A_68 = arith.index_cast %add3A_65 : i32 to index
    %get3A_69 = arith.constant 0 : index
    %get3A_70 = tpu.vector_load %arg13[%get3A_68, %get3A_69] {strides = array<i32>} : memref<4x64xf32, #tpu.memory_space<vmem>>, vector<16xf32>,
    %get3A_71 = arith.index_cast %add3A_65 : i32 to index
    %get3A_72 = arith.constant 16 : index
    %get3A_73 = tpu.vector_load %arg13[%get3A_71, %get3A_72] {strides = array<i32>} : memref<4x64xf32, #tpu.memory_space<vmem>>, vector<16xf32>,
    %get3A_74 = arith.index_cast %add3A_65 : i32 to index
    %get3A_75 = arith.constant 32 : index
    %get3A_76 = tpu.vector_load %arg13[%get3A_74, %get3A_75] {strides = array<i32>} : memref<4x64xf32, #tpu.memory_space<vmem>>, vector<16xf32>,
    %get3A_77 = arith.index_cast %add3A_65 : i32 to index
    %get3A_78 = arith.constant 48 : index
    %get3A_79 = tpu.vector_load %arg13[%get3A_77, %get3A_78] {strides = array<i32>} : memref<4x64xf32, #tpu.memory_space<vmem>>, vector<16xf32>,
    %rem3A_80 = arith.constant 0 : i32
    %rem3A_81 = arith.constant 8 : i32
    %rem3A_82 = arith.remsi %rem3A_80, %rem3A_81 : i32
    %eq3A_83 = arith.constant 0 : i32
    %eq3A_84 = arith.cmpi eq, %rem3A_82, %eq3A_83 : i32
    %convert_element_type3A_85 = arith.extui %eq3A_84 : i1 to i32
    %cond3A_86 = arith.constant 0 : i32
    %cond3A_87 = arith.constant 0 : i32
    %cond3A_88 = arith.cmpi ne, %convert_element_type3A_85, %cond3A_87 : i32
    scf.if %cond3A_88 {
      %mul3A_129 = arith.constant 64 : i32
      %mul3A_130 = arith.muli %cond3A_86, %mul3A_129 : i32
      %add3A_131 = arith.addi %mul3A_61, %mul3A_130 : i32
      %rem3A_132 = arith.constant 344064 : i32
      %rem3A_133 = arith.remsi %add3A_131, %rem3A_132 : i32
      "tpu.region"() ({
        %run_scoped3A = tpu.sem_alloc : memref<!tpu.dma_semaphore, #tpu.memory_space<semaphore_mem>>
        %dma_start3A_134 = tpu.memref_slice %arg4[%rem3A_133] : memref<344064xi32, #tpu.memory_space<hbm>> -> memref<512xi32, #tpu.memory_space<hbm>>
        %dma_start3A_135 = tpu.memref_slice %arg4[%rem3A_133] : memref<344064xi32, #tpu.memory_space<hbm>> -> memref<512xi32, #tpu.memory_space<hbm>>
        tpu.enqueue_dma source(%dma_start3A_135 : memref<512xi32, #tpu.memory_space<hbm>>) target(%arg14 : memref<512xi32, #tpu.memory_space<vmem>>) target_semaphore(%run_scoped3A : memref<!tpu.dma_semaphore, #tpu.memory_space<semaphore_mem>>)
        %dma_wait3A_136 = tpu.memref_slice %arg4[%rem3A_133] : memref<344064xi32, #tpu.memory_space<hbm>> -> memref<512xi32, #tpu.memory_space<hbm>>
        %dma_wait3A_137 = tpu.memref_slice %arg4[%rem3A_133] : memref<344064xi32, #tpu.memory_space<hbm>> -> memref<512xi32, #tpu.memory_space<hbm>>
        tpu.wait_dma2 semaphore(%run_scoped3A : memref<!tpu.dma_semaphore, #tpu.memory_space<semaphore_mem>>) src(%dma_wait3A_137 : memref<512xi32, #tpu.memory_space<hbm>>) dst(%arg14 : memref<512xi32, #tpu.memory_space<vmem>>)
        tpu.yield
      }) : () -> ()
      "tpu.region"() ({
        %run_scoped3A = tpu.sem_alloc : memref<!tpu.dma_semaphore, #tpu.memory_space<semaphore_mem>>
        %dma_start3A_134 = tpu.memref_slice %arg5[%rem3A_133] : memref<344064xi32, #tpu.memory_space<hbm>> -> memref<512xi32, #tpu.memory_space<hbm>>
        %dma_start3A_135 = tpu.memref_slice %arg5[%rem3A_133] : memref<344064xi32, #tpu.memory_space<hbm>> -> memref<512xi32, #tpu.memory_space<hbm>>
        tpu.enqueue_dma source(%dma_start3A_135 : memref<512xi32, #tpu.memory_space<hbm>>) target(%arg15 : memref<512xi32, #tpu.memory_space<vmem>>) target_semaphore(%run_scoped3A : memref<!tpu.dma_semaphore, #tpu.memory_space<semaphore_mem>>)
        %dma_wait3A_136 = tpu.memref_slice %arg5[%rem3A_133] : memref<344064xi32, #tpu.memory_space<hbm>> -> memref<512xi32, #tpu.memory_space<hbm>>
        %dma_wait3A_137 = tpu.memref_slice %arg5[%rem3A_133] : memref<344064xi32, #tpu.memory_space<hbm>> -> memref<512xi32, #tpu.memory_space<hbm>>
        tpu.wait_dma2 semaphore(%run_scoped3A : memref<!tpu.dma_semaphore, #tpu.memory_space<semaphore_mem>>) src(%dma_wait3A_137 : memref<512xi32, #tpu.memory_space<hbm>>) dst(%arg15 : memref<512xi32, #tpu.memory_space<vmem>>)
        tpu.yield
      }) : () -> ()
    } else {
    }
    %mul3A_89 = arith.constant 64 : i32
    %mul3A_90 = arith.muli %rem3A_82, %mul3A_89 : i32
    %scan3A_91 = arith.constant 10240 : i32
    %scan3A_92 = arith.constant 0 : i32
    %scan3A_93 = arith.constant 0 : i32
    %scan3A_94 = arith.constant 4 : i32
    %scan3A_95 = arith.addi %scan3A_93, %scan3A_94 : i32
    %scan3A_96 = arith.constant 1 : i32
    %scan3A_97 = scf.for %scan3A_129 = %scan3A_93 to %scan3A_95 step %scan3A_96 iter_args(%scan3A_130 = %scan3A_92) -> (i32)  : i32 {
      %mul3A_131 = arith.constant 16 : i32
      %mul3A_132 = arith.muli %scan3A_129, %mul3A_131 : i32
      %add3A_133 = arith.addi %mul3A_90, %mul3A_132 : i32
      %mul3A_134 = arith.constant 16 : i32
      %mul3A_135 = arith.muli %scan3A_129, %mul3A_134 : i32
      %get3A_136 = arith.index_cast %add3A_133 : i32 to index
      %get3A_137 = tpu.vector_load %arg14[%get3A_136] {strides = array<i32>} : memref<512xi32, #tpu.memory_space<vmem>>, vector<16xi32>,
      %add3A_138 = vector.broadcast %mul3A_67 : i32 to vector<16xi32>
      %add3A_139 = arith.addi %get3A_137, %add3A_138 : vector<16xi32>
      %swap3A = arith.index_cast %mul3A_135 : i32 to index
      %swap3A_140 = tpu.vector_load %arg16[%swap3A] {strides = array<i32>} : memref<64xi32, #tpu.memory_space<vmem>>, vector<16xi32>,
      tpu.vector_store %arg16[%swap3A], %add3A_139 {strides = array<i32>} : memref<64xi32, #tpu.memory_space<vmem>>, vector<16xi32>,
      %get3A_141 = arith.index_cast %add3A_133 : i32 to index
      %get3A_142 = tpu.vector_load %arg15[%get3A_141] {strides = array<i32>} : memref<512xi32, #tpu.memory_space<vmem>>, vector<16xi32>,
      %add3A_143 = vector.broadcast %mul3A_67 : i32 to vector<16xi32>
      %add3A_144 = arith.addi %get3A_142, %add3A_143 : vector<16xi32>
      %swap3A_145 = arith.index_cast %mul3A_135 : i32 to index
      %swap3A_146 = tpu.vector_load %arg17[%swap3A_145] {strides = array<i32>} : memref<64xi32, #tpu.memory_space<vmem>>, vector<16xi32>,
      tpu.vector_store %arg17[%swap3A_145], %add3A_144 {strides = array<i32>} : memref<64xi32, #tpu.memory_space<vmem>>, vector<16xi32>,
      %get3A_147 = arith.index_cast %add3A_133 : i32 to index
      %get3A_148 = tpu.vector_load %arg15[%get3A_147] {strides = array<i32>} : memref<512xi32, #tpu.memory_space<vmem>>, vector<16xi32>,
      %add3A_149 = vector.broadcast %scan3A_91 : i32 to vector<16xi32>
      %add3A_150 = arith.addi %get3A_148, %add3A_149 : vector<16xi32>
      %swap3A_151 = arith.index_cast %mul3A_135 : i32 to index
      %swap3A_152 = tpu.vector_load %arg18[%swap3A_151] {strides = array<i32>} : memref<64xi32, #tpu.memory_space<vmem>>, vector<16xi32>,
      tpu.vector_store %arg18[%swap3A_151], %add3A_150 {strides = array<i32>} : memref<64xi32, #tpu.memory_space<vmem>>, vector<16xi32>,
      %scan3A_153 = arith.constant 0 : i32
      scf.yield %scan3A_153 : i32
    }
    %scan3A_98 = arith.constant 4 : i32
    %dma_start3A_99 = arith.constant 0 : i32
    %dma_start3A_100 = arith.constant 0 : i32
    %dma_start3A_101 = tpu.memref_slice %arg2[%dma_start3A_99, %dma_start3A_100] : memref<40960x64xf32, #tpu.memory_space<hbm>> -> memref<40960x64xf32, #tpu.memory_space<hbm>>
    tpu.enqueue_indirect_dma source(%dma_start3A_101 : memref<40960x64xf32, #tpu.memory_space<hbm>>) target(%arg22 : memref<64x64xf32, #tpu.memory_space<vmem>>) offsets(%arg16 : memref<64xi32, #tpu.memory_space<vmem>>) semaphore(%arg28 : memref<!tpu.dma_semaphore, #tpu.memory_space<semaphore_mem>>)
    %dma_start3A_102 = arith.constant 0 : i32
    %dma_start3A_103 = arith.constant 0 : i32
    %dma_start3A_104 = tpu.memref_slice %arg3[%dma_start3A_102, %dma_start3A_103] : memref<40960x64xf32, #tpu.memory_space<hbm>> -> memref<40960x64xf32, #tpu.memory_space<hbm>>
    tpu.enqueue_indirect_dma source(%dma_start3A_104 : memref<40960x64xf32, #tpu.memory_space<hbm>>) target(%arg23 : memref<64x64xf32, #tpu.memory_space<vmem>>) offsets(%arg17 : memref<64xi32, #tpu.memory_space<vmem>>) semaphore(%arg29 : memref<!tpu.dma_semaphore, #tpu.memory_space<semaphore_mem>>)
    %scan3A_105 = arith.constant 10240 : i32
    %scan3A_106 = arith.constant 0 : i32
    %scan3A_107 = arith.constant 0 : i32
    %scan3A_108 = arith.constant 168 : i32
    %scan3A_109 = arith.addi %scan3A_107, %scan3A_108 : i32
    %scan3A_110 = arith.constant 1 : i32
    %scan3A_111 = scf.for %scan3A_129 = %scan3A_107 to %scan3A_109 step %scan3A_110 iter_args(%scan3A_130 = %scan3A_106) -> (i32)  : i32 {
      %mul3A_131 = arith.constant 2 : i32
      %mul3A_132 = arith.muli %scan3A_129, %mul3A_131 : i32
      %add3A_133 = arith.constant 1 : i32
      %add3A_134 = arith.addi %mul3A_132, %add3A_133 : i32
      %rem3A_135 = arith.constant 8 : i32
      %rem3A_136 = arith.remsi %add3A_134, %rem3A_135 : i32
      %eq3A_137 = arith.constant 0 : i32
      %eq3A_138 = arith.cmpi eq, %rem3A_136, %eq3A_137 : i32
      %convert_element_type3A_139 = arith.extui %eq3A_138 : i1 to i32
      %cond3A_140 = arith.constant 0 : i32
      %cond3A_141 = arith.cmpi ne, %convert_element_type3A_139, %cond3A_140 : i32
      scf.if %cond3A_141 {
        %mul3A_208 = arith.constant 64 : i32
        %mul3A_209 = arith.muli %add3A_134, %mul3A_208 : i32
        %add3A_210 = arith.addi %mul3A_61, %mul3A_209 : i32
        %rem3A_211 = arith.constant 344064 : i32
        %rem3A_212 = arith.remsi %add3A_210, %rem3A_211 : i32
        "tpu.region"() ({
          %run_scoped3A = tpu.sem_alloc : memref<!tpu.dma_semaphore, #tpu.memory_space<semaphore_mem>>
          %dma_start3A_213 = tpu.memref_slice %arg4[%rem3A_212] : memref<344064xi32, #tpu.memory_space<hbm>> -> memref<512xi32, #tpu.memory_space<hbm>>
          %dma_start3A_214 = tpu.memref_slice %arg4[%rem3A_212] : memref<344064xi32, #tpu.memory_space<hbm>> -> memref<512xi32, #tpu.memory_space<hbm>>
          tpu.enqueue_dma source(%dma_start3A_214 : memref<512xi32, #tpu.memory_space<hbm>>) target(%arg14 : memref<512xi32, #tpu.memory_space<vmem>>) target_semaphore(%run_scoped3A : memref<!tpu.dma_semaphore, #tpu.memory_space<semaphore_mem>>)
          %dma_wait3A_215 = tpu.memref_slice %arg4[%rem3A_212] : memref<344064xi32, #tpu.memory_space<hbm>> -> memref<512xi32, #tpu.memory_space<hbm>>
          %dma_wait3A_216 = tpu.memref_slice %arg4[%rem3A_212] : memref<344064xi32, #tpu.memory_space<hbm>> -> memref<512xi32, #tpu.memory_space<hbm>>
          tpu.wait_dma2 semaphore(%run_scoped3A : memref<!tpu.dma_semaphore, #tpu.memory_space<semaphore_mem>>) src(%dma_wait3A_216 : memref<512xi32, #tpu.memory_space<hbm>>) dst(%arg14 : memref<512xi32, #tpu.memory_space<vmem>>)
          tpu.yield
        }) : () -> ()
        "tpu.region"() ({
          %run_scoped3A = tpu.sem_alloc : memref<!tpu.dma_semaphore, #tpu.memory_space<semaphore_mem>>
          %dma_start3A_213 = tpu.memref_slice %arg5[%rem3A_212] : memref<344064xi32, #tpu.memory_space<hbm>> -> memref<512xi32, #tpu.memory_space<hbm>>
          %dma_start3A_214 = tpu.memref_slice %arg5[%rem3A_212] : memref<344064xi32, #tpu.memory_space<hbm>> -> memref<512xi32, #tpu.memory_space<hbm>>
          tpu.enqueue_dma source(%dma_start3A_214 : memref<512xi32, #tpu.memory_space<hbm>>) target(%arg15 : memref<512xi32, #tpu.memory_space<vmem>>) target_semaphore(%run_scoped3A : memref<!tpu.dma_semaphore, #tpu.memory_space<semaphore_mem>>)
          %dma_wait3A_215 = tpu.memref_slice %arg5[%rem3A_212] : memref<344064xi32, #tpu.memory_space<hbm>> -> memref<512xi32, #tpu.memory_space<hbm>>
          %dma_wait3A_216 = tpu.memref_slice %arg5[%rem3A_212] : memref<344064xi32, #tpu.memory_space<hbm>> -> memref<512xi32, #tpu.memory_space<hbm>>
          tpu.wait_dma2 semaphore(%run_scoped3A : memref<!tpu.dma_semaphore, #tpu.memory_space<semaphore_mem>>) src(%dma_wait3A_216 : memref<512xi32, #tpu.memory_space<hbm>>) dst(%arg15 : memref<512xi32, #tpu.memory_space<vmem>>)
          tpu.yield
        }) : () -> ()
      } else {
      }
      %mul3A_142 = arith.constant 64 : i32
      %mul3A_143 = arith.muli %rem3A_136, %mul3A_142 : i32
      %scan3A_144 = arith.constant 0 : i32
      %scan3A_145 = arith.constant 0 : i32
      %scan3A_146 = arith.constant 4 : i32
      %scan3A_147 = arith.addi %scan3A_145, %scan3A_146 : i32
      %scan3A_148 = arith.constant 1 : i32
      %scan3A_149 = scf.for %scan3A_208 = %scan3A_145 to %scan3A_147 step %scan3A_148 iter_args(%scan3A_209 = %scan3A_144) -> (i32)  : i32 {
        %mul3A_210 = arith.constant 16 : i32
        %mul3A_211 = arith.muli %scan3A_208, %mul3A_210 : i32
        %add3A_212 = arith.addi %mul3A_143, %mul3A_211 : i32
        %mul3A_213 = arith.constant 16 : i32
        %mul3A_214 = arith.muli %scan3A_208, %mul3A_213 : i32
        %get3A_215 = arith.index_cast %add3A_212 : i32 to index
        %get3A_216 = tpu.vector_load %arg14[%get3A_215] {strides = array<i32>} : memref<512xi32, #tpu.memory_space<vmem>>, vector<16xi32>,
        %add3A_217 = vector.broadcast %mul3A_67 : i32 to vector<16xi32>
        %add3A_218 = arith.addi %get3A_216, %add3A_217 : vector<16xi32>
        %swap3A = arith.index_cast %mul3A_214 : i32 to index
        %swap3A_219 = tpu.vector_load %arg19[%swap3A] {strides = array<i32>} : memref<64xi32, #tpu.memory_space<vmem>>, vector<16xi32>,
        tpu.vector_store %arg19[%swap3A], %add3A_218 {strides = array<i32>} : memref<64xi32, #tpu.memory_space<vmem>>, vector<16xi32>,
        %get3A_220 = arith.index_cast %add3A_212 : i32 to index
        %get3A_221 = tpu.vector_load %arg15[%get3A_220] {strides = array<i32>} : memref<512xi32, #tpu.memory_space<vmem>>, vector<16xi32>,
        %add3A_222 = vector.broadcast %mul3A_67 : i32 to vector<16xi32>
        %add3A_223 = arith.addi %get3A_221, %add3A_222 : vector<16xi32>
        %swap3A_224 = arith.index_cast %mul3A_214 : i32 to index
        %swap3A_225 = tpu.vector_load %arg20[%swap3A_224] {strides = array<i32>} : memref<64xi32, #tpu.memory_space<vmem>>, vector<16xi32>,
        tpu.vector_store %arg20[%swap3A_224], %add3A_223 {strides = array<i32>} : memref<64xi32, #tpu.memory_space<vmem>>, vector<16xi32>,
        %get3A_226 = arith.index_cast %add3A_212 : i32 to index
        %get3A_227 = tpu.vector_load %arg15[%get3A_226] {strides = array<i32>} : memref<512xi32, #tpu.memory_space<vmem>>, vector<16xi32>,
        %add3A_228 = vector.broadcast %scan3A_105 : i32 to vector<16xi32>
        %add3A_229 = arith.addi %get3A_227, %add3A_228 : vector<16xi32>
        %swap3A_230 = arith.index_cast %mul3A_214 : i32 to index
        %swap3A_231 = tpu.vector_load %arg21[%swap3A_230] {strides = array<i32>} : memref<64xi32, #tpu.memory_space<vmem>>, vector<16xi32>,
        tpu.vector_store %arg21[%swap3A_230], %add3A_229 {strides = array<i32>} : memref<64xi32, #tpu.memory_space<vmem>>, vector<16xi32>,
        %scan3A_232 = arith.constant 0 : i32
        scf.yield %scan3A_232 : i32
      }
      %scan3A_150 = arith.constant 4 : i32
      %dma_start3A_151 = arith.constant 0 : i32
      %dma_start3A_152 = arith.constant 0 : i32
      %dma_start3A_153 = tpu.memref_slice %arg2[%dma_start3A_151, %dma_start3A_152] : memref<40960x64xf32, #tpu.memory_space<hbm>> -> memref<40960x64xf32, #tpu.memory_space<hbm>>
      tpu.enqueue_indirect_dma source(%dma_start3A_153 : memref<40960x64xf32, #tpu.memory_space<hbm>>) target(%arg24 : memref<64x64xf32, #tpu.memory_space<vmem>>) offsets(%arg19 : memref<64xi32, #tpu.memory_space<vmem>>) semaphore(%arg30 : memref<!tpu.dma_semaphore, #tpu.memory_space<semaphore_mem>>)
      %dma_start3A_154 = arith.constant 0 : i32
      %dma_start3A_155 = arith.constant 0 : i32
      %dma_start3A_156 = tpu.memref_slice %arg3[%dma_start3A_154, %dma_start3A_155] : memref<40960x64xf32, #tpu.memory_space<hbm>> -> memref<40960x64xf32, #tpu.memory_space<hbm>>
      tpu.enqueue_indirect_dma source(%dma_start3A_156 : memref<40960x64xf32, #tpu.memory_space<hbm>>) target(%arg25 : memref<64x64xf32, #tpu.memory_space<vmem>>) offsets(%arg20 : memref<64xi32, #tpu.memory_space<vmem>>) semaphore(%arg31 : memref<!tpu.dma_semaphore, #tpu.memory_space<semaphore_mem>>)
      %dma_wait3A_157 = arith.constant 0 : i32
      %dma_wait3A_158 = arith.constant 0 : i32
      %dma_wait3A_159 = tpu.memref_slice %arg2[%dma_wait3A_157, %dma_wait3A_158] : memref<40960x64xf32, #tpu.memory_space<hbm>> -> memref<40960x64xf32, #tpu.memory_space<hbm>>
      tpu.wait_indirect_dma semaphore(%arg28 : memref<!tpu.dma_semaphore, #tpu.memory_space<semaphore_mem>>) src(%dma_wait3A_159 : memref<40960x64xf32, #tpu.memory_space<hbm>>) dst(%arg22 : memref<64x64xf32, #tpu.memory_space<vmem>>)
      %dma_wait3A_160 = arith.constant 0 : i32
      %dma_wait3A_161 = arith.constant 0 : i32
      %dma_wait3A_162 = tpu.memref_slice %arg3[%dma_wait3A_160, %dma_wait3A_161] : memref<40960x64xf32, #tpu.memory_space<hbm>> -> memref<40960x64xf32, #tpu.memory_space<hbm>>
      tpu.wait_indirect_dma semaphore(%arg29 : memref<!tpu.dma_semaphore, #tpu.memory_space<semaphore_mem>>) src(%dma_wait3A_162 : memref<40960x64xf32, #tpu.memory_space<hbm>>) dst(%arg23 : memref<64x64xf32, #tpu.memory_space<vmem>>)
      %scan3A_163 = arith.constant 0 : i32
      %scan3A_164 = arith.constant 0 : i32
      %scan3A_165 = arith.constant 64 : i32
      %scan3A_166 = arith.addi %scan3A_164, %scan3A_165 : i32
      %scan3A_167 = arith.constant 1 : i32
      %scan3A_168 = scf.for %scan3A_208 = %scan3A_164 to %scan3A_166 step %scan3A_167 iter_args(%scan3A_209 = %scan3A_163) -> (i32)  : i32 {
        %broadcast_in_dim3A = arith.constant 0.000000e+00 : f32
        %broadcast_in_dim3A_210 = vector.broadcast %broadcast_in_dim3A : f32 to vector<16xf32>
        %get3A_211 = arith.index_cast %scan3A_208 : i32 to index
        %get3A_212 = arith.constant 0 : index
        %get3A_213 = tpu.vector_load %arg22[%get3A_211, %get3A_212] {strides = array<i32>} : memref<64x64xf32, #tpu.memory_space<vmem>>, vector<16xf32>,
        %get3A_214 = arith.index_cast %scan3A_208 : i32 to index
        %get3A_215 = arith.constant 0 : index
        %get3A_216 = tpu.vector_load %arg23[%get3A_214, %get3A_215] {strides = array<i32>} : memref<64x64xf32, #tpu.memory_space<vmem>>, vector<16xf32>,
        %add3A_217 = arith.addf %get3A_213, %get3A_216 : vector<16xf32>
        %mul3A_218 = arith.constant 2.000000e-01 : f32
        %mul3A_219 = vector.broadcast %mul3A_218 : f32 to vector<16xf32>
        %mul3A_220 = arith.mulf %mul3A_219, %add3A_217 : vector<16xf32>
        %max3A = arith.maximumf %add3A_217, %mul3A_220 : vector<16xf32>
        %mul3A_221 = arith.mulf %max3A, %get3A_70 : vector<16xf32>
        %add3A_222 = arith.addf %broadcast_in_dim3A_210, %mul3A_221 : vector<16xf32>
        %get3A_223 = arith.index_cast %scan3A_208 : i32 to index
        %get3A_224 = arith.constant 16 : index
        %get3A_225 = tpu.vector_load %arg22[%get3A_223, %get3A_224] {strides = array<i32>} : memref<64x64xf32, #tpu.memory_space<vmem>>, vector<16xf32>,
        %get3A_226 = arith.index_cast %scan3A_208 : i32 to index
        %get3A_227 = arith.constant 16 : index
        %get3A_228 = tpu.vector_load %arg23[%get3A_226, %get3A_227] {strides = array<i32>} : memref<64x64xf32, #tpu.memory_space<vmem>>, vector<16xf32>,
        %add3A_229 = arith.addf %get3A_225, %get3A_228 : vector<16xf32>
        %mul3A_230 = arith.constant 2.000000e-01 : f32
        %mul3A_231 = vector.broadcast %mul3A_230 : f32 to vector<16xf32>
        %mul3A_232 = arith.mulf %mul3A_231, %add3A_229 : vector<16xf32>
        %max3A_233 = arith.maximumf %add3A_229, %mul3A_232 : vector<16xf32>
        %mul3A_234 = arith.mulf %max3A_233, %get3A_73 : vector<16xf32>
        %add3A_235 = arith.addf %add3A_222, %mul3A_234 : vector<16xf32>
        %get3A_236 = arith.index_cast %scan3A_208 : i32 to index
        %get3A_237 = arith.constant 32 : index
        %get3A_238 = tpu.vector_load %arg22[%get3A_236, %get3A_237] {strides = array<i32>} : memref<64x64xf32, #tpu.memory_space<vmem>>, vector<16xf32>,
        %get3A_239 = arith.index_cast %scan3A_208 : i32 to index
        %get3A_240 = arith.constant 32 : index
        %get3A_241 = tpu.vector_load %arg23[%get3A_239, %get3A_240] {strides = array<i32>} : memref<64x64xf32, #tpu.memory_space<vmem>>, vector<16xf32>,
        %add3A_242 = arith.addf %get3A_238, %get3A_241 : vector<16xf32>
        %mul3A_243 = arith.constant 2.000000e-01 : f32
        %mul3A_244 = vector.broadcast %mul3A_243 : f32 to vector<16xf32>
        %mul3A_245 = arith.mulf %mul3A_244, %add3A_242 : vector<16xf32>
        %max3A_246 = arith.maximumf %add3A_242, %mul3A_245 : vector<16xf32>
        %mul3A_247 = arith.mulf %max3A_246, %get3A_76 : vector<16xf32>
        %add3A_248 = arith.addf %add3A_235, %mul3A_247 : vector<16xf32>
        %get3A_249 = arith.index_cast %scan3A_208 : i32 to index
        %get3A_250 = arith.constant 48 : index
        %get3A_251 = tpu.vector_load %arg22[%get3A_249, %get3A_250] {strides = array<i32>} : memref<64x64xf32, #tpu.memory_space<vmem>>, vector<16xf32>,
        %get3A_252 = arith.index_cast %scan3A_208 : i32 to index
        %get3A_253 = arith.constant 48 : index
        %get3A_254 = tpu.vector_load %arg23[%get3A_252, %get3A_253] {strides = array<i32>} : memref<64x64xf32, #tpu.memory_space<vmem>>, vector<16xf32>,
        %add3A_255 = arith.addf %get3A_251, %get3A_254 : vector<16xf32>
        %mul3A_256 = arith.constant 2.000000e-01 : f32
        %mul3A_257 = vector.broadcast %mul3A_256 : f32 to vector<16xf32>
        %mul3A_258 = arith.mulf %mul3A_257, %add3A_255 : vector<16xf32>
        %max3A_259 = arith.maximumf %add3A_255, %mul3A_258 : vector<16xf32>
        %mul3A_260 = arith.mulf %max3A_259, %get3A_79 : vector<16xf32>
        %add3A_261 = arith.addf %add3A_248, %mul3A_260 : vector<16xf32>
        %reduce_sum3A = arith.constant true
        %reduce_sum3A_262 = vector.broadcast %reduce_sum3A : i1 to vector<16xi1>
        %reduce_sum3A_263 = tpu.scan <sum>, %add3A_261 masked %reduce_sum3A_262 : vector<16xf32>, vector<16xi1> -> vector<16xf32>
        %reduce_sum3A_264 = vector.extract %reduce_sum3A_263[15] : f32 from vector<16xf32>
        %broadcast_in_dim3A_265 = vector.broadcast %reduce_sum3A_264 : f32 to vector<16xf32>
        %exp3A = math.exp %broadcast_in_dim3A_265 : vector<16xf32>
        %mul3A_266 = arith.mulf %get3A_213, %exp3A : vector<16xf32>
        %swap3A = arith.index_cast %scan3A_208 : i32 to index
        %swap3A_267 = arith.constant 0 : index
        %swap3A_268 = tpu.vector_load %arg26[%swap3A, %swap3A_267] {strides = array<i32>} : memref<64x64xf32, #tpu.memory_space<vmem>>, vector<16xf32>,
        tpu.vector_store %arg26[%swap3A, %swap3A_267], %mul3A_266 {strides = array<i32>} : memref<64x64xf32, #tpu.memory_space<vmem>>, vector<16xf32>,
        %mul3A_269 = arith.mulf %get3A_225, %exp3A : vector<16xf32>
        %swap3A_270 = arith.index_cast %scan3A_208 : i32 to index
        %swap3A_271 = arith.constant 16 : index
        %swap3A_272 = tpu.vector_load %arg26[%swap3A_270, %swap3A_271] {strides = array<i32>} : memref<64x64xf32, #tpu.memory_space<vmem>>, vector<16xf32>,
        tpu.vector_store %arg26[%swap3A_270, %swap3A_271], %mul3A_269 {strides = array<i32>} : memref<64x64xf32, #tpu.memory_space<vmem>>, vector<16xf32>,
        %mul3A_273 = arith.mulf %get3A_238, %exp3A : vector<16xf32>
        %swap3A_274 = arith.index_cast %scan3A_208 : i32 to index
        %swap3A_275 = arith.constant 32 : index
        %swap3A_276 = tpu.vector_load %arg26[%swap3A_274, %swap3A_275] {strides = array<i32>} : memref<64x64xf32, #tpu.memory_space<vmem>>, vector<16xf32>,
        tpu.vector_store %arg26[%swap3A_274, %swap3A_275], %mul3A_273 {strides = array<i32>} : memref<64x64xf32, #tpu.memory_space<vmem>>, vector<16xf32>,
        %mul3A_277 = arith.mulf %get3A_251, %exp3A : vector<16xf32>
        %swap3A_278 = arith.index_cast %scan3A_208 : i32 to index
        %swap3A_279 = arith.constant 48 : index
        %swap3A_280 = tpu.vector_load %arg26[%swap3A_278, %swap3A_279] {strides = array<i32>} : memref<64x64xf32, #tpu.memory_space<vmem>>, vector<16xf32>,
        tpu.vector_store %arg26[%swap3A_278, %swap3A_279], %mul3A_277 {strides = array<i32>} : memref<64x64xf32, #tpu.memory_space<vmem>>, vector<16xf32>,
        %jit3A = arith.constant 0.000000e+00 : f32
        %broadcast_in_dim3A_281 = vector.broadcast %jit3A : f32 to vector<16xf32>
        %select_n3A = arith.select %eq3A_8, %exp3A, %broadcast_in_dim3A_281 : vector<16xi1>, vector<16xf32>
        %swap3A_282 = arith.index_cast %scan3A_208 : i32 to index
        %swap3A_283 = arith.constant 0 : index
        %swap3A_284 = tpu.vector_load %arg27[%swap3A_282, %swap3A_283] {strides = array<i32>} : memref<64x16xf32, #tpu.memory_space<vmem>>, vector<16xf32>,
        tpu.vector_store %arg27[%swap3A_282, %swap3A_283], %select_n3A {strides = array<i32>} : memref<64x16xf32, #tpu.memory_space<vmem>>, vector<16xf32>,
        %scan3A_285 = arith.constant 0 : i32
        scf.yield %scan3A_285 : i32
      }
      %scan3A_169 = arith.constant 64 : i32
      "tpu.region"() ({
        %run_scoped3A = tpu.sem_alloc : memref<!tpu.dma_semaphore, #tpu.memory_space<semaphore_mem>>
        %dma_start3A_208 = arith.constant 0 : i32
        %dma_start3A_209 = arith.constant 0 : i32
        %dma_start3A_210 = tpu.memref_slice %arg11[%dma_start3A_208, %dma_start3A_209] : memref<20480x64xf32, #tpu.memory_space<vmem_shared>> -> memref<20480x64xf32, #tpu.memory_space<vmem_shared>>
        tpu.enqueue_indirect_dma source(%arg26 : memref<64x64xf32, #tpu.memory_space<vmem>>) target(%dma_start3A_210 : memref<20480x64xf32, #tpu.memory_space<vmem_shared>>) offsets(%arg18 : memref<64xi32, #tpu.memory_space<vmem>>) semaphore(%run_scoped3A : memref<!tpu.dma_semaphore, #tpu.memory_space<semaphore_mem>>) {add = true}
        %dma_wait3A_211 = arith.constant 0 : i32
        %dma_wait3A_212 = arith.constant 0 : i32
        %dma_wait3A_213 = tpu.memref_slice %arg11[%dma_wait3A_211, %dma_wait3A_212] : memref<20480x64xf32, #tpu.memory_space<vmem_shared>> -> memref<20480x64xf32, #tpu.memory_space<vmem_shared>>
        tpu.wait_indirect_dma semaphore(%run_scoped3A : memref<!tpu.dma_semaphore, #tpu.memory_space<semaphore_mem>>) src(%arg26 : memref<64x64xf32, #tpu.memory_space<vmem>>) dst(%dma_wait3A_213 : memref<20480x64xf32, #tpu.memory_space<vmem_shared>>)
        tpu.yield
      }) : () -> ()
      "tpu.region"() ({
        %run_scoped3A = tpu.sem_alloc : memref<!tpu.dma_semaphore, #tpu.memory_space<semaphore_mem>>
        %dma_start3A_208 = arith.constant 0 : i32
        %dma_start3A_209 = arith.constant 0 : i32
        %dma_start3A_210 = tpu.memref_slice %arg12[%dma_start3A_208, %dma_start3A_209] : memref<20480x16xf32, #tpu.memory_space<vmem_shared>> -> memref<20480x16xf32, #tpu.memory_space<vmem_shared>>
        tpu.enqueue_indirect_dma source(%arg27 : memref<64x16xf32, #tpu.memory_space<vmem>>) target(%dma_start3A_210 : memref<20480x16xf32, #tpu.memory_space<vmem_shared>>) offsets(%arg18 : memref<64xi32, #tpu.memory_space<vmem>>) semaphore(%run_scoped3A : memref<!tpu.dma_semaphore, #tpu.memory_space<semaphore_mem>>) {add = true}
        %dma_wait3A_211 = arith.constant 0 : i32
        %dma_wait3A_212 = arith.constant 0 : i32
        %dma_wait3A_213 = tpu.memref_slice %arg12[%dma_wait3A_211, %dma_wait3A_212] : memref<20480x16xf32, #tpu.memory_space<vmem_shared>> -> memref<20480x16xf32, #tpu.memory_space<vmem_shared>>
        tpu.wait_indirect_dma semaphore(%run_scoped3A : memref<!tpu.dma_semaphore, #tpu.memory_space<semaphore_mem>>) src(%arg27 : memref<64x16xf32, #tpu.memory_space<vmem>>) dst(%dma_wait3A_213 : memref<20480x16xf32, #tpu.memory_space<vmem_shared>>)
        tpu.yield
      }) : () -> ()
      %add3A_170 = arith.constant 2 : i32
      %add3A_171 = arith.addi %mul3A_132, %add3A_170 : i32
      %rem3A_172 = arith.constant 8 : i32
      %rem3A_173 = arith.remsi %add3A_171, %rem3A_172 : i32
      %eq3A_174 = arith.constant 0 : i32
      %eq3A_175 = arith.cmpi eq, %rem3A_173, %eq3A_174 : i32
      %convert_element_type3A_176 = arith.extui %eq3A_175 : i1 to i32
      %cond3A_177 = arith.constant 0 : i32
      %cond3A_178 = arith.cmpi ne, %convert_element_type3A_176, %cond3A_177 : i32
      scf.if %cond3A_178 {
        %mul3A_208 = arith.constant 64 : i32
        %mul3A_209 = arith.muli %add3A_171, %mul3A_208 : i32
        %add3A_210 = arith.addi %mul3A_61, %mul3A_209 : i32
        %rem3A_211 = arith.constant 344064 : i32
        %rem3A_212 = arith.remsi %add3A_210, %rem3A_211 : i32
        "tpu.region"() ({
          %run_scoped3A = tpu.sem_alloc : memref<!tpu.dma_semaphore, #tpu.memory_space<semaphore_mem>>
          %dma_start3A_213 = tpu.memref_slice %arg4[%rem3A_212] : memref<344064xi32, #tpu.memory_space<hbm>> -> memref<512xi32, #tpu.memory_space<hbm>>
          %dma_start3A_214 = tpu.memref_slice %arg4[%rem3A_212] : memref<344064xi32, #tpu.memory_space<hbm>> -> memref<512xi32, #tpu.memory_space<hbm>>
          tpu.enqueue_dma source(%dma_start3A_214 : memref<512xi32, #tpu.memory_space<hbm>>) target(%arg14 : memref<512xi32, #tpu.memory_space<vmem>>) target_semaphore(%run_scoped3A : memref<!tpu.dma_semaphore, #tpu.memory_space<semaphore_mem>>)
          %dma_wait3A_215 = tpu.memref_slice %arg4[%rem3A_212] : memref<344064xi32, #tpu.memory_space<hbm>> -> memref<512xi32, #tpu.memory_space<hbm>>
          %dma_wait3A_216 = tpu.memref_slice %arg4[%rem3A_212] : memref<344064xi32, #tpu.memory_space<hbm>> -> memref<512xi32, #tpu.memory_space<hbm>>
          tpu.wait_dma2 semaphore(%run_scoped3A : memref<!tpu.dma_semaphore, #tpu.memory_space<semaphore_mem>>) src(%dma_wait3A_216 : memref<512xi32, #tpu.memory_space<hbm>>) dst(%arg14 : memref<512xi32, #tpu.memory_space<vmem>>)
          tpu.yield
        }) : () -> ()
        "tpu.region"() ({
          %run_scoped3A = tpu.sem_alloc : memref<!tpu.dma_semaphore, #tpu.memory_space<semaphore_mem>>
          %dma_start3A_213 = tpu.memref_slice %arg5[%rem3A_212] : memref<344064xi32, #tpu.memory_space<hbm>> -> memref<512xi32, #tpu.memory_space<hbm>>
          %dma_start3A_214 = tpu.memref_slice %arg5[%rem3A_212] : memref<344064xi32, #tpu.memory_space<hbm>> -> memref<512xi32, #tpu.memory_space<hbm>>
          tpu.enqueue_dma source(%dma_start3A_214 : memref<512xi32, #tpu.memory_space<hbm>>) target(%arg15 : memref<512xi32, #tpu.memory_space<vmem>>) target_semaphore(%run_scoped3A : memref<!tpu.dma_semaphore, #tpu.memory_space<semaphore_mem>>)
          %dma_wait3A_215 = tpu.memref_slice %arg5[%rem3A_212] : memref<344064xi32, #tpu.memory_space<hbm>> -> memref<512xi32, #tpu.memory_space<hbm>>
          %dma_wait3A_216 = tpu.memref_slice %arg5[%rem3A_212] : memref<344064xi32, #tpu.memory_space<hbm>> -> memref<512xi32, #tpu.memory_space<hbm>>
          tpu.wait_dma2 semaphore(%run_scoped3A : memref<!tpu.dma_semaphore, #tpu.memory_space<semaphore_mem>>) src(%dma_wait3A_216 : memref<512xi32, #tpu.memory_space<hbm>>) dst(%arg15 : memref<512xi32, #tpu.memory_space<vmem>>)
          tpu.yield
        }) : () -> ()
      } else {
      }
      %mul3A_179 = arith.constant 64 : i32
      %mul3A_180 = arith.muli %rem3A_173, %mul3A_179 : i32
      %scan3A_181 = arith.constant 0 : i32
      %scan3A_182 = arith.constant 0 : i32
      %scan3A_183 = arith.constant 4 : i32
      %scan3A_184 = arith.addi %scan3A_182, %scan3A_183 : i32
      %scan3A_185 = arith.constant 1 : i32
      %scan3A_186 = scf.for %scan3A_208 = %scan3A_182 to %scan3A_184 step %scan3A_185 iter_args(%scan3A_209 = %scan3A_181) -> (i32)  : i32 {
        %mul3A_210 = arith.constant 16 : i32
        %mul3A_211 = arith.muli %scan3A_208, %mul3A_210 : i32
        %add3A_212 = arith.addi %mul3A_180, %mul3A_211 : i32
        %mul3A_213 = arith.constant 16 : i32
        %mul3A_214 = arith.muli %scan3A_208, %mul3A_213 : i32
        %get3A_215 = arith.index_cast %add3A_212 : i32 to index
        %get3A_216 = tpu.vector_load %arg14[%get3A_215] {strides = array<i32>} : memref<512xi32, #tpu.memory_space<vmem>>, vector<16xi32>,
        %add3A_217 = vector.broadcast %mul3A_67 : i32 to vector<16xi32>
        %add3A_218 = arith.addi %get3A_216, %add3A_217 : vector<16xi32>
        %swap3A = arith.index_cast %mul3A_214 : i32 to index
        %swap3A_219 = tpu.vector_load %arg16[%swap3A] {strides = array<i32>} : memref<64xi32, #tpu.memory_space<vmem>>, vector<16xi32>,
        tpu.vector_store %arg16[%swap3A], %add3A_218 {strides = array<i32>} : memref<64xi32, #tpu.memory_space<vmem>>, vector<16xi32>,
        %get3A_220 = arith.index_cast %add3A_212 : i32 to index
        %get3A_221 = tpu.vector_load %arg15[%get3A_220] {strides = array<i32>} : memref<512xi32, #tpu.memory_space<vmem>>, vector<16xi32>,
        %add3A_222 = vector.broadcast %mul3A_67 : i32 to vector<16xi32>
        %add3A_223 = arith.addi %get3A_221, %add3A_222 : vector<16xi32>
        %swap3A_224 = arith.index_cast %mul3A_214 : i32 to index
        %swap3A_225 = tpu.vector_load %arg17[%swap3A_224] {strides = array<i32>} : memref<64xi32, #tpu.memory_space<vmem>>, vector<16xi32>,
        tpu.vector_store %arg17[%swap3A_224], %add3A_223 {strides = array<i32>} : memref<64xi32, #tpu.memory_space<vmem>>, vector<16xi32>,
        %get3A_226 = arith.index_cast %add3A_212 : i32 to index
        %get3A_227 = tpu.vector_load %arg15[%get3A_226] {strides = array<i32>} : memref<512xi32, #tpu.memory_space<vmem>>, vector<16xi32>,
        %add3A_228 = vector.broadcast %scan3A_105 : i32 to vector<16xi32>
        %add3A_229 = arith.addi %get3A_227, %add3A_228 : vector<16xi32>
        %swap3A_230 = arith.index_cast %mul3A_214 : i32 to index
        %swap3A_231 = tpu.vector_load %arg18[%swap3A_230] {strides = array<i32>} : memref<64xi32, #tpu.memory_space<vmem>>, vector<16xi32>,
        tpu.vector_store %arg18[%swap3A_230], %add3A_229 {strides = array<i32>} : memref<64xi32, #tpu.memory_space<vmem>>, vector<16xi32>,
        %scan3A_232 = arith.constant 0 : i32
        scf.yield %scan3A_232 : i32
      }
      %scan3A_187 = arith.constant 4 : i32
      %dma_start3A_188 = arith.constant 0 : i32
      %dma_start3A_189 = arith.constant 0 : i32
      %dma_start3A_190 = tpu.memref_slice %arg2[%dma_start3A_188, %dma_start3A_189] : memref<40960x64xf32, #tpu.memory_space<hbm>> -> memref<40960x64xf32, #tpu.memory_space<hbm>>
      tpu.enqueue_indirect_dma source(%dma_start3A_190 : memref<40960x64xf32, #tpu.memory_space<hbm>>) target(%arg22 : memref<64x64xf32, #tpu.memory_space<vmem>>) offsets(%arg16 : memref<64xi32, #tpu.memory_space<vmem>>) semaphore(%arg28 : memref<!tpu.dma_semaphore, #tpu.memory_space<semaphore_mem>>)
      %dma_start3A_191 = arith.constant 0 : i32
      %dma_start3A_192 = arith.constant 0 : i32
      %dma_start3A_193 = tpu.memref_slice %arg3[%dma_start3A_191, %dma_start3A_192] : memref<40960x64xf32, #tpu.memory_space<hbm>> -> memref<40960x64xf32, #tpu.memory_space<hbm>>
      tpu.enqueue_indirect_dma source(%dma_start3A_193 : memref<40960x64xf32, #tpu.memory_space<hbm>>) target(%arg23 : memref<64x64xf32, #tpu.memory_space<vmem>>) offsets(%arg17 : memref<64xi32, #tpu.memory_space<vmem>>) semaphore(%arg29 : memref<!tpu.dma_semaphore, #tpu.memory_space<semaphore_mem>>)
      %dma_wait3A_194 = arith.constant 0 : i32
      %dma_wait3A_195 = arith.constant 0 : i32
      %dma_wait3A_196 = tpu.memref_slice %arg2[%dma_wait3A_194, %dma_wait3A_195] : memref<40960x64xf32, #tpu.memory_space<hbm>> -> memref<40960x64xf32, #tpu.memory_space<hbm>>
      tpu.wait_indirect_dma semaphore(%arg30 : memref<!tpu.dma_semaphore, #tpu.memory_space<semaphore_mem>>) src(%dma_wait3A_196 : memref<40960x64xf32, #tpu.memory_space<hbm>>) dst(%arg24 : memref<64x64xf32, #tpu.memory_space<vmem>>)
      %dma_wait3A_197 = arith.constant 0 : i32
      %dma_wait3A_198 = arith.constant 0 : i32
      %dma_wait3A_199 = tpu.memref_slice %arg3[%dma_wait3A_197, %dma_wait3A_198] : memref<40960x64xf32, #tpu.memory_space<hbm>> -> memref<40960x64xf32, #tpu.memory_space<hbm>>
      tpu.wait_indirect_dma semaphore(%arg31 : memref<!tpu.dma_semaphore, #tpu.memory_space<semaphore_mem>>) src(%dma_wait3A_199 : memref<40960x64xf32, #tpu.memory_space<hbm>>) dst(%arg25 : memref<64x64xf32, #tpu.memory_space<vmem>>)
      %scan3A_200 = arith.constant 0 : i32
      %scan3A_201 = arith.constant 0 : i32
      %scan3A_202 = arith.constant 64 : i32
      %scan3A_203 = arith.addi %scan3A_201, %scan3A_202 : i32
      %scan3A_204 = arith.constant 1 : i32
      %scan3A_205 = scf.for %scan3A_208 = %scan3A_201 to %scan3A_203 step %scan3A_204 iter_args(%scan3A_209 = %scan3A_200) -> (i32)  : i32 {
        %broadcast_in_dim3A = arith.constant 0.000000e+00 : f32
        %broadcast_in_dim3A_210 = vector.broadcast %broadcast_in_dim3A : f32 to vector<16xf32>
        %get3A_211 = arith.index_cast %scan3A_208 : i32 to index
        %get3A_212 = arith.constant 0 : index
        %get3A_213 = tpu.vector_load %arg24[%get3A_211, %get3A_212] {strides = array<i32>} : memref<64x64xf32, #tpu.memory_space<vmem>>, vector<16xf32>,
        %get3A_214 = arith.index_cast %scan3A_208 : i32 to index
        %get3A_215 = arith.constant 0 : index
        %get3A_216 = tpu.vector_load %arg25[%get3A_214, %get3A_215] {strides = array<i32>} : memref<64x64xf32, #tpu.memory_space<vmem>>, vector<16xf32>,
        %add3A_217 = arith.addf %get3A_213, %get3A_216 : vector<16xf32>
        %mul3A_218 = arith.constant 2.000000e-01 : f32
        %mul3A_219 = vector.broadcast %mul3A_218 : f32 to vector<16xf32>
        %mul3A_220 = arith.mulf %mul3A_219, %add3A_217 : vector<16xf32>
        %max3A = arith.maximumf %add3A_217, %mul3A_220 : vector<16xf32>
        %mul3A_221 = arith.mulf %max3A, %get3A_70 : vector<16xf32>
        %add3A_222 = arith.addf %broadcast_in_dim3A_210, %mul3A_221 : vector<16xf32>
        %get3A_223 = arith.index_cast %scan3A_208 : i32 to index
        %get3A_224 = arith.constant 16 : index
        %get3A_225 = tpu.vector_load %arg24[%get3A_223, %get3A_224] {strides = array<i32>} : memref<64x64xf32, #tpu.memory_space<vmem>>, vector<16xf32>,
        %get3A_226 = arith.index_cast %scan3A_208 : i32 to index
        %get3A_227 = arith.constant 16 : index
        %get3A_228 = tpu.vector_load %arg25[%get3A_226, %get3A_227] {strides = array<i32>} : memref<64x64xf32, #tpu.memory_space<vmem>>, vector<16xf32>,
        %add3A_229 = arith.addf %get3A_225, %get3A_228 : vector<16xf32>
        %mul3A_230 = arith.constant 2.000000e-01 : f32
        %mul3A_231 = vector.broadcast %mul3A_230 : f32 to vector<16xf32>
        %mul3A_232 = arith.mulf %mul3A_231, %add3A_229 : vector<16xf32>
        %max3A_233 = arith.maximumf %add3A_229, %mul3A_232 : vector<16xf32>
        %mul3A_234 = arith.mulf %max3A_233, %get3A_73 : vector<16xf32>
        %add3A_235 = arith.addf %add3A_222, %mul3A_234 : vector<16xf32>
        %get3A_236 = arith.index_cast %scan3A_208 : i32 to index
        %get3A_237 = arith.constant 32 : index
        %get3A_238 = tpu.vector_load %arg24[%get3A_236, %get3A_237] {strides = array<i32>} : memref<64x64xf32, #tpu.memory_space<vmem>>, vector<16xf32>,
        %get3A_239 = arith.index_cast %scan3A_208 : i32 to index
        %get3A_240 = arith.constant 32 : index
        %get3A_241 = tpu.vector_load %arg25[%get3A_239, %get3A_240] {strides = array<i32>} : memref<64x64xf32, #tpu.memory_space<vmem>>, vector<16xf32>,
        %add3A_242 = arith.addf %get3A_238, %get3A_241 : vector<16xf32>
        %mul3A_243 = arith.constant 2.000000e-01 : f32
        %mul3A_244 = vector.broadcast %mul3A_243 : f32 to vector<16xf32>
        %mul3A_245 = arith.mulf %mul3A_244, %add3A_242 : vector<16xf32>
        %max3A_246 = arith.maximumf %add3A_242, %mul3A_245 : vector<16xf32>
        %mul3A_247 = arith.mulf %max3A_246, %get3A_76 : vector<16xf32>
        %add3A_248 = arith.addf %add3A_235, %mul3A_247 : vector<16xf32>
        %get3A_249 = arith.index_cast %scan3A_208 : i32 to index
        %get3A_250 = arith.constant 48 : index
        %get3A_251 = tpu.vector_load %arg24[%get3A_249, %get3A_250] {strides = array<i32>} : memref<64x64xf32, #tpu.memory_space<vmem>>, vector<16xf32>,
        %get3A_252 = arith.index_cast %scan3A_208 : i32 to index
        %get3A_253 = arith.constant 48 : index
        %get3A_254 = tpu.vector_load %arg25[%get3A_252, %get3A_253] {strides = array<i32>} : memref<64x64xf32, #tpu.memory_space<vmem>>, vector<16xf32>,
        %add3A_255 = arith.addf %get3A_251, %get3A_254 : vector<16xf32>
        %mul3A_256 = arith.constant 2.000000e-01 : f32
        %mul3A_257 = vector.broadcast %mul3A_256 : f32 to vector<16xf32>
        %mul3A_258 = arith.mulf %mul3A_257, %add3A_255 : vector<16xf32>
        %max3A_259 = arith.maximumf %add3A_255, %mul3A_258 : vector<16xf32>
        %mul3A_260 = arith.mulf %max3A_259, %get3A_79 : vector<16xf32>
        %add3A_261 = arith.addf %add3A_248, %mul3A_260 : vector<16xf32>
        %reduce_sum3A = arith.constant true
        %reduce_sum3A_262 = vector.broadcast %reduce_sum3A : i1 to vector<16xi1>
        %reduce_sum3A_263 = tpu.scan <sum>, %add3A_261 masked %reduce_sum3A_262 : vector<16xf32>, vector<16xi1> -> vector<16xf32>
        %reduce_sum3A_264 = vector.extract %reduce_sum3A_263[15] : f32 from vector<16xf32>
        %broadcast_in_dim3A_265 = vector.broadcast %reduce_sum3A_264 : f32 to vector<16xf32>
        %exp3A = math.exp %broadcast_in_dim3A_265 : vector<16xf32>
        %mul3A_266 = arith.mulf %get3A_213, %exp3A : vector<16xf32>
        %swap3A = arith.index_cast %scan3A_208 : i32 to index
        %swap3A_267 = arith.constant 0 : index
        %swap3A_268 = tpu.vector_load %arg26[%swap3A, %swap3A_267] {strides = array<i32>} : memref<64x64xf32, #tpu.memory_space<vmem>>, vector<16xf32>,
        tpu.vector_store %arg26[%swap3A, %swap3A_267], %mul3A_266 {strides = array<i32>} : memref<64x64xf32, #tpu.memory_space<vmem>>, vector<16xf32>,
        %mul3A_269 = arith.mulf %get3A_225, %exp3A : vector<16xf32>
        %swap3A_270 = arith.index_cast %scan3A_208 : i32 to index
        %swap3A_271 = arith.constant 16 : index
        %swap3A_272 = tpu.vector_load %arg26[%swap3A_270, %swap3A_271] {strides = array<i32>} : memref<64x64xf32, #tpu.memory_space<vmem>>, vector<16xf32>,
        tpu.vector_store %arg26[%swap3A_270, %swap3A_271], %mul3A_269 {strides = array<i32>} : memref<64x64xf32, #tpu.memory_space<vmem>>, vector<16xf32>,
        %mul3A_273 = arith.mulf %get3A_238, %exp3A : vector<16xf32>
        %swap3A_274 = arith.index_cast %scan3A_208 : i32 to index
        %swap3A_275 = arith.constant 32 : index
        %swap3A_276 = tpu.vector_load %arg26[%swap3A_274, %swap3A_275] {strides = array<i32>} : memref<64x64xf32, #tpu.memory_space<vmem>>, vector<16xf32>,
        tpu.vector_store %arg26[%swap3A_274, %swap3A_275], %mul3A_273 {strides = array<i32>} : memref<64x64xf32, #tpu.memory_space<vmem>>, vector<16xf32>,
        %mul3A_277 = arith.mulf %get3A_251, %exp3A : vector<16xf32>
        %swap3A_278 = arith.index_cast %scan3A_208 : i32 to index
        %swap3A_279 = arith.constant 48 : index
        %swap3A_280 = tpu.vector_load %arg26[%swap3A_278, %swap3A_279] {strides = array<i32>} : memref<64x64xf32, #tpu.memory_space<vmem>>, vector<16xf32>,
        tpu.vector_store %arg26[%swap3A_278, %swap3A_279], %mul3A_277 {strides = array<i32>} : memref<64x64xf32, #tpu.memory_space<vmem>>, vector<16xf32>,
        %jit3A = arith.constant 0.000000e+00 : f32
        %broadcast_in_dim3A_281 = vector.broadcast %jit3A : f32 to vector<16xf32>
        %select_n3A = arith.select %eq3A_8, %exp3A, %broadcast_in_dim3A_281 : vector<16xi1>, vector<16xf32>
        %swap3A_282 = arith.index_cast %scan3A_208 : i32 to index
        %swap3A_283 = arith.constant 0 : index
        %swap3A_284 = tpu.vector_load %arg27[%swap3A_282, %swap3A_283] {strides = array<i32>} : memref<64x16xf32, #tpu.memory_space<vmem>>, vector<16xf32>,
        tpu.vector_store %arg27[%swap3A_282, %swap3A_283], %select_n3A {strides = array<i32>} : memref<64x16xf32, #tpu.memory_space<vmem>>, vector<16xf32>,
        %scan3A_285 = arith.constant 0 : i32
        scf.yield %scan3A_285 : i32
      }
      %scan3A_206 = arith.constant 64 : i32
      "tpu.region"() ({
        %run_scoped3A = tpu.sem_alloc : memref<!tpu.dma_semaphore, #tpu.memory_space<semaphore_mem>>
        %dma_start3A_208 = arith.constant 0 : i32
        %dma_start3A_209 = arith.constant 0 : i32
        %dma_start3A_210 = tpu.memref_slice %arg11[%dma_start3A_208, %dma_start3A_209] : memref<20480x64xf32, #tpu.memory_space<vmem_shared>> -> memref<20480x64xf32, #tpu.memory_space<vmem_shared>>
        tpu.enqueue_indirect_dma source(%arg26 : memref<64x64xf32, #tpu.memory_space<vmem>>) target(%dma_start3A_210 : memref<20480x64xf32, #tpu.memory_space<vmem_shared>>) offsets(%arg21 : memref<64xi32, #tpu.memory_space<vmem>>) semaphore(%run_scoped3A : memref<!tpu.dma_semaphore, #tpu.memory_space<semaphore_mem>>) {add = true}
        %dma_wait3A_211 = arith.constant 0 : i32
        %dma_wait3A_212 = arith.constant 0 : i32
        %dma_wait3A_213 = tpu.memref_slice %arg11[%dma_wait3A_211, %dma_wait3A_212] : memref<20480x64xf32, #tpu.memory_space<vmem_shared>> -> memref<20480x64xf32, #tpu.memory_space<vmem_shared>>
        tpu.wait_indirect_dma semaphore(%run_scoped3A : memref<!tpu.dma_semaphore, #tpu.memory_space<semaphore_mem>>) src(%arg26 : memref<64x64xf32, #tpu.memory_space<vmem>>) dst(%dma_wait3A_213 : memref<20480x64xf32, #tpu.memory_space<vmem_shared>>)
        tpu.yield
      }) : () -> ()
      "tpu.region"() ({
        %run_scoped3A = tpu.sem_alloc : memref<!tpu.dma_semaphore, #tpu.memory_space<semaphore_mem>>
        %dma_start3A_208 = arith.constant 0 : i32
        %dma_start3A_209 = arith.constant 0 : i32
        %dma_start3A_210 = tpu.memref_slice %arg12[%dma_start3A_208, %dma_start3A_209] : memref<20480x16xf32, #tpu.memory_space<vmem_shared>> -> memref<20480x16xf32, #tpu.memory_space<vmem_shared>>
        tpu.enqueue_indirect_dma source(%arg27 : memref<64x16xf32, #tpu.memory_space<vmem>>) target(%dma_start3A_210 : memref<20480x16xf32, #tpu.memory_space<vmem_shared>>) offsets(%arg21 : memref<64xi32, #tpu.memory_space<vmem>>) semaphore(%run_scoped3A : memref<!tpu.dma_semaphore, #tpu.memory_space<semaphore_mem>>) {add = true}
        %dma_wait3A_211 = arith.constant 0 : i32
        %dma_wait3A_212 = arith.constant 0 : i32
        %dma_wait3A_213 = tpu.memref_slice %arg12[%dma_wait3A_211, %dma_wait3A_212] : memref<20480x16xf32, #tpu.memory_space<vmem_shared>> -> memref<20480x16xf32, #tpu.memory_space<vmem_shared>>
        tpu.wait_indirect_dma semaphore(%run_scoped3A : memref<!tpu.dma_semaphore, #tpu.memory_space<semaphore_mem>>) src(%arg27 : memref<64x16xf32, #tpu.memory_space<vmem>>) dst(%dma_wait3A_213 : memref<20480x16xf32, #tpu.memory_space<vmem_shared>>)
        tpu.yield
      }) : () -> ()
      %scan3A_207 = arith.constant 0 : i32
      scf.yield %scan3A_207 : i32
    }
    %scan3A_112 = arith.constant 168 : i32
    %dma_wait3A_113 = arith.constant 0 : i32
    %dma_wait3A_114 = arith.constant 0 : i32
    %dma_wait3A_115 = tpu.memref_slice %arg2[%dma_wait3A_113, %dma_wait3A_114] : memref<40960x64xf32, #tpu.memory_space<hbm>> -> memref<40960x64xf32, #tpu.memory_space<hbm>>
    tpu.wait_indirect_dma semaphore(%arg28 : memref<!tpu.dma_semaphore, #tpu.memory_space<semaphore_mem>>) src(%dma_wait3A_115 : memref<40960x64xf32, #tpu.memory_space<hbm>>) dst(%arg22 : memref<64x64xf32, #tpu.memory_space<vmem>>)
    %dma_wait3A_116 = arith.constant 0 : i32
    %dma_wait3A_117 = arith.constant 0 : i32
    %dma_wait3A_118 = tpu.memref_slice %arg3[%dma_wait3A_116, %dma_wait3A_117] : memref<40960x64xf32, #tpu.memory_space<hbm>> -> memref<40960x64xf32, #tpu.memory_space<hbm>>
    tpu.wait_indirect_dma semaphore(%arg29 : memref<!tpu.dma_semaphore, #tpu.memory_space<semaphore_mem>>) src(%dma_wait3A_118 : memref<40960x64xf32, #tpu.memory_space<hbm>>) dst(%arg23 : memref<64x64xf32, #tpu.memory_space<vmem>>)
    %barrier3A_119 = arith.constant 0 : index
    tpu.barrier barrier_id(%barrier3A_119)
    %mul3A_120 = arith.constant 20480 : i32
    %mul3A_121 = arith.muli %arg0, %mul3A_120 : i32
    %mul3A_122 = arith.constant 1280 : i32
    %mul3A_123 = arith.muli %arg1, %mul3A_122 : i32
    %add3A_124 = arith.addi %mul3A_121, %mul3A_123 : i32
    %mul3A_125 = arith.constant 1280 : i32
    %mul3A_126 = arith.muli %arg1, %mul3A_125 : i32
    "tpu.region"() ({
      %run_scoped3A = tpu.sem_alloc : memref<!tpu.dma_semaphore, #tpu.memory_space<semaphore_mem>>
      %dma_start3A_129 = arith.constant 0 : i32
      %dma_start3A_130 = tpu.memref_slice %arg9[%add3A_124, %dma_start3A_129] : memref<40960x64xf32, #tpu.memory_space<hbm>> -> memref<1280x64xf32, #tpu.memory_space<hbm>>
      %dma_start3A_131 = arith.constant 0 : i32
      %dma_start3A_132 = tpu.memref_slice %arg11[%mul3A_126, %dma_start3A_131] : memref<20480x64xf32, #tpu.memory_space<vmem_shared>> -> memref<1280x64xf32, #tpu.memory_space<vmem_shared>>
      tpu.enqueue_dma source(%dma_start3A_132 : memref<1280x64xf32, #tpu.memory_space<vmem_shared>>) target(%dma_start3A_130 : memref<1280x64xf32, #tpu.memory_space<hbm>>) target_semaphore(%run_scoped3A : memref<!tpu.dma_semaphore, #tpu.memory_space<semaphore_mem>>)
      %dma_wait3A_133 = arith.constant 0 : i32
      %dma_wait3A_134 = tpu.memref_slice %arg9[%add3A_124, %dma_wait3A_133] : memref<40960x64xf32, #tpu.memory_space<hbm>> -> memref<1280x64xf32, #tpu.memory_space<hbm>>
      %dma_wait3A_135 = arith.constant 0 : i32
      %dma_wait3A_136 = tpu.memref_slice %arg11[%mul3A_126, %dma_wait3A_135] : memref<20480x64xf32, #tpu.memory_space<vmem_shared>> -> memref<1280x64xf32, #tpu.memory_space<vmem_shared>>
      tpu.wait_dma2 semaphore(%run_scoped3A : memref<!tpu.dma_semaphore, #tpu.memory_space<semaphore_mem>>) src(%dma_wait3A_136 : memref<1280x64xf32, #tpu.memory_space<vmem_shared>>) dst(%dma_wait3A_134 : memref<1280x64xf32, #tpu.memory_space<hbm>>)
      tpu.yield
    }) : () -> ()
    %mul3A_127 = arith.constant 1280 : i32
    %mul3A_128 = arith.muli %arg1, %mul3A_127 : i32
    "tpu.region"() ({
      %run_scoped3A = tpu.sem_alloc : memref<!tpu.dma_semaphore, #tpu.memory_space<semaphore_mem>>
      %dma_start3A_129 = arith.constant 0 : i32
      %dma_start3A_130 = tpu.memref_slice %arg10[%add3A_124, %dma_start3A_129] : memref<40960x16xf32, #tpu.memory_space<hbm>> -> memref<1280x16xf32, #tpu.memory_space<hbm>>
      %dma_start3A_131 = arith.constant 0 : i32
      %dma_start3A_132 = tpu.memref_slice %arg12[%mul3A_128, %dma_start3A_131] : memref<20480x16xf32, #tpu.memory_space<vmem_shared>> -> memref<1280x16xf32, #tpu.memory_space<vmem_shared>>
      tpu.enqueue_dma source(%dma_start3A_132 : memref<1280x16xf32, #tpu.memory_space<vmem_shared>>) target(%dma_start3A_130 : memref<1280x16xf32, #tpu.memory_space<hbm>>) target_semaphore(%run_scoped3A : memref<!tpu.dma_semaphore, #tpu.memory_space<semaphore_mem>>)
      %dma_wait3A_133 = arith.constant 0 : i32
      %dma_wait3A_134 = tpu.memref_slice %arg10[%add3A_124, %dma_wait3A_133] : memref<40960x16xf32, #tpu.memory_space<hbm>> -> memref<1280x16xf32, #tpu.memory_space<hbm>>
      %dma_wait3A_135 = arith.constant 0 : i32
      %dma_wait3A_136 = tpu.memref_slice %arg12[%mul3A_128, %dma_wait3A_135] : memref<20480x16xf32, #tpu.memory_space<vmem_shared>> -> memref<1280x16xf32, #tpu.memory_space<vmem_shared>>
      tpu.wait_dma2 semaphore(%run_scoped3A : memref<!tpu.dma_semaphore, #tpu.memory_space<semaphore_mem>>) src(%dma_wait3A_136 : memref<1280x16xf32, #tpu.memory_space<vmem_shared>>) dst(%dma_wait3A_134 : memref<1280x16xf32, #tpu.memory_space<hbm>>)
      tpu.yield
    }) : () -> ()
    return
  }
}

#map = affine_map<(d0, d1) -> (0, 0)>
#map1 = affine_map<(d0, d1) -> (0)>
module attributes {stable_mosaic.version = 14 : i64} {
  func.func @k(%arg0: i32, %arg1: i32, %arg2: memref<10240x64xf32, #tpu.memory_space<hbm>>, %arg3: memref<10240x64xf32, #tpu.memory_space<hbm>>, %arg4: memref<344064xi32, #tpu.memory_space<hbm>>, %arg5: memref<344064xi32, #tpu.memory_space<hbm>>, %arg6: memref<1x64xf32, #tpu.memory_space<hbm>>, %arg7: memref<10240x64xf32, #tpu.memory_space<hbm>>, %arg8: memref<10240x16xf32, #tpu.memory_space<hbm>>, %arg9: memref<20480x64xf32, #tpu.memory_space<hbm>>, %arg10: memref<20480x16xf32, #tpu.memory_space<hbm>>, %arg11: memref<10240x64xf32, #tpu.memory_space<vmem_shared>>, %arg12: memref<10240x16xf32, #tpu.memory_space<vmem_shared>>, %arg13: memref<1x64xf32, #tpu.memory_space<vmem>>, %arg14: memref<512xi32, #tpu.memory_space<vmem>>, %arg15: memref<512xi32, #tpu.memory_space<vmem>>, %arg16: memref<64xi32, #tpu.memory_space<vmem>>, %arg17: memref<64xi32, #tpu.memory_space<vmem>>, %arg18: memref<64xi32, #tpu.memory_space<vmem>>, %arg19: memref<64xi32, #tpu.memory_space<vmem>>, %arg20: memref<64xi32, #tpu.memory_space<vmem>>, %arg21: memref<64xi32, #tpu.memory_space<vmem>>, %arg22: memref<64x64xf32, #tpu.memory_space<vmem>>, %arg23: memref<64x64xf32, #tpu.memory_space<vmem>>, %arg24: memref<64x64xf32, #tpu.memory_space<vmem>>, %arg25: memref<64x64xf32, #tpu.memory_space<vmem>>, %arg26: memref<64x64xf32, #tpu.memory_space<vmem>>, %arg27: memref<64x16xf32, #tpu.memory_space<vmem>>, %arg28: memref<!tpu.dma_semaphore, #tpu.memory_space<semaphore_mem>>, %arg29: memref<!tpu.dma_semaphore, #tpu.memory_space<semaphore_mem>>, %arg30: memref<!tpu.dma_semaphore, #tpu.memory_space<semaphore_mem>>, %arg31: memref<!tpu.dma_semaphore, #tpu.memory_space<semaphore_mem>>) attributes {dimension_semantics = [#tpu.dimension_semantics<core_parallel>, #tpu.dimension_semantics<subcore_parallel>], iteration_bounds = array<i64: 2, 16>, scalar_prefetch = 0 : i64, scratch_operands = 21 : i64, tpu.core_type = #tpu.core_type<sc_vector_subcore>, window_params = [{transform_indices = #map}, {transform_indices = #map}, {transform_indices = #map1}, {transform_indices = #map1}, {transform_indices = #map}, {transform_indices = #map}, {transform_indices = #map}, {transform_indices = #map}, {transform_indices = #map}]} {
    %mul3A = arith.constant 640 : i32
    %mul3A_0 = arith.muli %arg1, %mul3A : i32
    %mul3A_1 = arith.constant 640 : i32
    %mul3A_2 = arith.muli %arg1, %mul3A_1 : i32
    "tpu.region"() ({
      %run_scoped3A = tpu.sem_alloc : memref<!tpu.dma_semaphore, #tpu.memory_space<semaphore_mem>>
      %dma_start3A_73 = arith.constant 0 : i32
      %dma_start3A_74 = tpu.memref_slice %arg11[%mul3A_2, %dma_start3A_73] : memref<10240x64xf32, #tpu.memory_space<vmem_shared>> -> memref<640x64xf32, #tpu.memory_space<vmem_shared>>
      %dma_start3A_75 = arith.constant 0 : i32
      %dma_start3A_76 = tpu.memref_slice %arg7[%mul3A_0, %dma_start3A_75] : memref<10240x64xf32, #tpu.memory_space<hbm>> -> memref<640x64xf32, #tpu.memory_space<hbm>>
      tpu.enqueue_dma source(%dma_start3A_76 : memref<640x64xf32, #tpu.memory_space<hbm>>) target(%dma_start3A_74 : memref<640x64xf32, #tpu.memory_space<vmem_shared>>) target_semaphore(%run_scoped3A : memref<!tpu.dma_semaphore, #tpu.memory_space<semaphore_mem>>)
      %dma_wait3A_77 = arith.constant 0 : i32
      %dma_wait3A_78 = tpu.memref_slice %arg11[%mul3A_2, %dma_wait3A_77] : memref<10240x64xf32, #tpu.memory_space<vmem_shared>> -> memref<640x64xf32, #tpu.memory_space<vmem_shared>>
      %dma_wait3A_79 = arith.constant 0 : i32
      %dma_wait3A_80 = tpu.memref_slice %arg7[%mul3A_0, %dma_wait3A_79] : memref<10240x64xf32, #tpu.memory_space<hbm>> -> memref<640x64xf32, #tpu.memory_space<hbm>>
      tpu.wait_dma2 semaphore(%run_scoped3A : memref<!tpu.dma_semaphore, #tpu.memory_space<semaphore_mem>>) src(%dma_wait3A_80 : memref<640x64xf32, #tpu.memory_space<hbm>>) dst(%dma_wait3A_78 : memref<640x64xf32, #tpu.memory_space<vmem_shared>>)
      tpu.yield
    }) : () -> ()
    %mul3A_3 = arith.constant 640 : i32
    %mul3A_4 = arith.muli %arg1, %mul3A_3 : i32
    %mul3A_5 = arith.constant 640 : i32
    %mul3A_6 = arith.muli %arg1, %mul3A_5 : i32
    "tpu.region"() ({
      %run_scoped3A = tpu.sem_alloc : memref<!tpu.dma_semaphore, #tpu.memory_space<semaphore_mem>>
      %dma_start3A_73 = arith.constant 0 : i32
      %dma_start3A_74 = tpu.memref_slice %arg12[%mul3A_6, %dma_start3A_73] : memref<10240x16xf32, #tpu.memory_space<vmem_shared>> -> memref<640x16xf32, #tpu.memory_space<vmem_shared>>
      %dma_start3A_75 = arith.constant 0 : i32
      %dma_start3A_76 = tpu.memref_slice %arg8[%mul3A_4, %dma_start3A_75] : memref<10240x16xf32, #tpu.memory_space<hbm>> -> memref<640x16xf32, #tpu.memory_space<hbm>>
      tpu.enqueue_dma source(%dma_start3A_76 : memref<640x16xf32, #tpu.memory_space<hbm>>) target(%dma_start3A_74 : memref<640x16xf32, #tpu.memory_space<vmem_shared>>) target_semaphore(%run_scoped3A : memref<!tpu.dma_semaphore, #tpu.memory_space<semaphore_mem>>)
      %dma_wait3A_77 = arith.constant 0 : i32
      %dma_wait3A_78 = tpu.memref_slice %arg12[%mul3A_6, %dma_wait3A_77] : memref<10240x16xf32, #tpu.memory_space<vmem_shared>> -> memref<640x16xf32, #tpu.memory_space<vmem_shared>>
      %dma_wait3A_79 = arith.constant 0 : i32
      %dma_wait3A_80 = tpu.memref_slice %arg8[%mul3A_4, %dma_wait3A_79] : memref<10240x16xf32, #tpu.memory_space<hbm>> -> memref<640x16xf32, #tpu.memory_space<hbm>>
      tpu.wait_dma2 semaphore(%run_scoped3A : memref<!tpu.dma_semaphore, #tpu.memory_space<semaphore_mem>>) src(%dma_wait3A_80 : memref<640x16xf32, #tpu.memory_space<hbm>>) dst(%dma_wait3A_78 : memref<640x16xf32, #tpu.memory_space<vmem_shared>>)
      tpu.yield
    }) : () -> ()
    "tpu.region"() ({
      %run_scoped3A = tpu.sem_alloc : memref<!tpu.dma_semaphore, #tpu.memory_space<semaphore_mem>>
      tpu.enqueue_dma source(%arg6 : memref<1x64xf32, #tpu.memory_space<hbm>>) target(%arg13 : memref<1x64xf32, #tpu.memory_space<vmem>>) target_semaphore(%run_scoped3A : memref<!tpu.dma_semaphore, #tpu.memory_space<semaphore_mem>>)
      tpu.wait_dma2 semaphore(%run_scoped3A : memref<!tpu.dma_semaphore, #tpu.memory_space<semaphore_mem>>) src(%arg6 : memref<1x64xf32, #tpu.memory_space<hbm>>) dst(%arg13 : memref<1x64xf32, #tpu.memory_space<vmem>>)
      tpu.yield
    }) : () -> ()
    %barrier3A = arith.constant 0 : index
    tpu.barrier barrier_id(%barrier3A)
    %iota3A = tpu.iota {dimensions = array<i32: 0>} : vector<16xi32>
    %eq3A = arith.constant 0 : i32
    %eq3A_7 = vector.broadcast %eq3A : i32 to vector<16xi32>
    %eq3A_8 = arith.cmpi eq, %iota3A, %eq3A_7 : vector<16xi32>
    %mul3A_9 = arith.constant 16 : i32
    %mul3A_10 = arith.muli %arg0, %mul3A_9 : i32
    %add3A = arith.addi %mul3A_10, %arg1 : i32
    %mul3A_11 = arith.constant 10752 : i32
    %mul3A_12 = arith.muli %add3A, %mul3A_11 : i32
    %get3A = arith.constant 0 : i32
    %get3A_13 = arith.index_cast %get3A : i32 to index
    %get3A_14 = arith.constant 0 : index
    %get3A_15 = tpu.vector_load %arg13[%get3A_13, %get3A_14] {strides = array<i32>} : memref<1x64xf32, #tpu.memory_space<vmem>>, vector<16xf32>,
    %get3A_16 = arith.constant 0 : i32
    %get3A_17 = arith.index_cast %get3A_16 : i32 to index
    %get3A_18 = arith.constant 16 : index
    %get3A_19 = tpu.vector_load %arg13[%get3A_17, %get3A_18] {strides = array<i32>} : memref<1x64xf32, #tpu.memory_space<vmem>>, vector<16xf32>,
    %get3A_20 = arith.constant 0 : i32
    %get3A_21 = arith.index_cast %get3A_20 : i32 to index
    %get3A_22 = arith.constant 32 : index
    %get3A_23 = tpu.vector_load %arg13[%get3A_21, %get3A_22] {strides = array<i32>} : memref<1x64xf32, #tpu.memory_space<vmem>>, vector<16xf32>,
    %get3A_24 = arith.constant 0 : i32
    %get3A_25 = arith.index_cast %get3A_24 : i32 to index
    %get3A_26 = arith.constant 48 : index
    %get3A_27 = tpu.vector_load %arg13[%get3A_25, %get3A_26] {strides = array<i32>} : memref<1x64xf32, #tpu.memory_space<vmem>>, vector<16xf32>,
    %rem3A = arith.constant 0 : i32
    %rem3A_28 = arith.constant 8 : i32
    %rem3A_29 = arith.remsi %rem3A, %rem3A_28 : i32
    %eq3A_30 = arith.constant 0 : i32
    %eq3A_31 = arith.cmpi eq, %rem3A_29, %eq3A_30 : i32
    %convert_element_type3A = arith.extui %eq3A_31 : i1 to i32
    %cond3A = arith.constant 0 : i32
    %cond3A_32 = arith.constant 0 : i32
    %cond3A_33 = arith.cmpi ne, %convert_element_type3A, %cond3A_32 : i32
    scf.if %cond3A_33 {
      %mul3A_73 = arith.constant 64 : i32
      %mul3A_74 = arith.muli %cond3A, %mul3A_73 : i32
      %add3A_75 = arith.addi %mul3A_12, %mul3A_74 : i32
      %rem3A_76 = arith.constant 344064 : i32
      %rem3A_77 = arith.remsi %add3A_75, %rem3A_76 : i32
      "tpu.region"() ({
        %run_scoped3A = tpu.sem_alloc : memref<!tpu.dma_semaphore, #tpu.memory_space<semaphore_mem>>
        %dma_start3A_78 = tpu.memref_slice %arg4[%rem3A_77] : memref<344064xi32, #tpu.memory_space<hbm>> -> memref<512xi32, #tpu.memory_space<hbm>>
        %dma_start3A_79 = tpu.memref_slice %arg4[%rem3A_77] : memref<344064xi32, #tpu.memory_space<hbm>> -> memref<512xi32, #tpu.memory_space<hbm>>
        tpu.enqueue_dma source(%dma_start3A_79 : memref<512xi32, #tpu.memory_space<hbm>>) target(%arg14 : memref<512xi32, #tpu.memory_space<vmem>>) target_semaphore(%run_scoped3A : memref<!tpu.dma_semaphore, #tpu.memory_space<semaphore_mem>>)
        %dma_wait3A_80 = tpu.memref_slice %arg4[%rem3A_77] : memref<344064xi32, #tpu.memory_space<hbm>> -> memref<512xi32, #tpu.memory_space<hbm>>
        %dma_wait3A_81 = tpu.memref_slice %arg4[%rem3A_77] : memref<344064xi32, #tpu.memory_space<hbm>> -> memref<512xi32, #tpu.memory_space<hbm>>
        tpu.wait_dma2 semaphore(%run_scoped3A : memref<!tpu.dma_semaphore, #tpu.memory_space<semaphore_mem>>) src(%dma_wait3A_81 : memref<512xi32, #tpu.memory_space<hbm>>) dst(%arg14 : memref<512xi32, #tpu.memory_space<vmem>>)
        tpu.yield
      }) : () -> ()
      "tpu.region"() ({
        %run_scoped3A = tpu.sem_alloc : memref<!tpu.dma_semaphore, #tpu.memory_space<semaphore_mem>>
        %dma_start3A_78 = tpu.memref_slice %arg5[%rem3A_77] : memref<344064xi32, #tpu.memory_space<hbm>> -> memref<512xi32, #tpu.memory_space<hbm>>
        %dma_start3A_79 = tpu.memref_slice %arg5[%rem3A_77] : memref<344064xi32, #tpu.memory_space<hbm>> -> memref<512xi32, #tpu.memory_space<hbm>>
        tpu.enqueue_dma source(%dma_start3A_79 : memref<512xi32, #tpu.memory_space<hbm>>) target(%arg15 : memref<512xi32, #tpu.memory_space<vmem>>) target_semaphore(%run_scoped3A : memref<!tpu.dma_semaphore, #tpu.memory_space<semaphore_mem>>)
        %dma_wait3A_80 = tpu.memref_slice %arg5[%rem3A_77] : memref<344064xi32, #tpu.memory_space<hbm>> -> memref<512xi32, #tpu.memory_space<hbm>>
        %dma_wait3A_81 = tpu.memref_slice %arg5[%rem3A_77] : memref<344064xi32, #tpu.memory_space<hbm>> -> memref<512xi32, #tpu.memory_space<hbm>>
        tpu.wait_dma2 semaphore(%run_scoped3A : memref<!tpu.dma_semaphore, #tpu.memory_space<semaphore_mem>>) src(%dma_wait3A_81 : memref<512xi32, #tpu.memory_space<hbm>>) dst(%arg15 : memref<512xi32, #tpu.memory_space<vmem>>)
        tpu.yield
      }) : () -> ()
    } else {
    }
    %mul3A_34 = arith.constant 64 : i32
    %mul3A_35 = arith.muli %rem3A_29, %mul3A_34 : i32
    %scan3A = arith.constant 0 : i32
    %scan3A_36 = arith.constant 0 : i32
    %scan3A_37 = arith.constant 0 : i32
    %scan3A_38 = arith.constant 0 : i32
    %scan3A_39 = arith.constant 4 : i32
    %scan3A_40 = arith.addi %scan3A_38, %scan3A_39 : i32
    %scan3A_41 = arith.constant 1 : i32
    %scan3A_42 = scf.for %scan3A_73 = %scan3A_38 to %scan3A_40 step %scan3A_41 iter_args(%scan3A_74 = %scan3A_37) -> (i32)  : i32 {
      %mul3A_75 = arith.constant 16 : i32
      %mul3A_76 = arith.muli %scan3A_73, %mul3A_75 : i32
      %add3A_77 = arith.addi %mul3A_35, %mul3A_76 : i32
      %mul3A_78 = arith.constant 16 : i32
      %mul3A_79 = arith.muli %scan3A_73, %mul3A_78 : i32
      %get3A_80 = arith.index_cast %add3A_77 : i32 to index
      %get3A_81 = tpu.vector_load %arg14[%get3A_80] {strides = array<i32>} : memref<512xi32, #tpu.memory_space<vmem>>, vector<16xi32>,
      %add3A_82 = vector.broadcast %scan3A : i32 to vector<16xi32>
      %add3A_83 = arith.addi %get3A_81, %add3A_82 : vector<16xi32>
      %swap3A = arith.index_cast %mul3A_79 : i32 to index
      %swap3A_84 = tpu.vector_load %arg16[%swap3A] {strides = array<i32>} : memref<64xi32, #tpu.memory_space<vmem>>, vector<16xi32>,
      tpu.vector_store %arg16[%swap3A], %add3A_83 {strides = array<i32>} : memref<64xi32, #tpu.memory_space<vmem>>, vector<16xi32>,
      %get3A_85 = arith.index_cast %add3A_77 : i32 to index
      %get3A_86 = tpu.vector_load %arg15[%get3A_85] {strides = array<i32>} : memref<512xi32, #tpu.memory_space<vmem>>, vector<16xi32>,
      %add3A_87 = vector.broadcast %scan3A : i32 to vector<16xi32>
      %add3A_88 = arith.addi %get3A_86, %add3A_87 : vector<16xi32>
      %swap3A_89 = arith.index_cast %mul3A_79 : i32 to index
      %swap3A_90 = tpu.vector_load %arg17[%swap3A_89] {strides = array<i32>} : memref<64xi32, #tpu.memory_space<vmem>>, vector<16xi32>,
      tpu.vector_store %arg17[%swap3A_89], %add3A_88 {strides = array<i32>} : memref<64xi32, #tpu.memory_space<vmem>>, vector<16xi32>,
      %get3A_91 = arith.index_cast %add3A_77 : i32 to index
      %get3A_92 = tpu.vector_load %arg15[%get3A_91] {strides = array<i32>} : memref<512xi32, #tpu.memory_space<vmem>>, vector<16xi32>,
      %add3A_93 = vector.broadcast %scan3A_36 : i32 to vector<16xi32>
      %add3A_94 = arith.addi %get3A_92, %add3A_93 : vector<16xi32>
      %swap3A_95 = arith.index_cast %mul3A_79 : i32 to index
      %swap3A_96 = tpu.vector_load %arg18[%swap3A_95] {strides = array<i32>} : memref<64xi32, #tpu.memory_space<vmem>>, vector<16xi32>,
      tpu.vector_store %arg18[%swap3A_95], %add3A_94 {strides = array<i32>} : memref<64xi32, #tpu.memory_space<vmem>>, vector<16xi32>,
      %scan3A_97 = arith.constant 0 : i32
      scf.yield %scan3A_97 : i32
    }
    %scan3A_43 = arith.constant 4 : i32
    %dma_start3A = arith.constant 0 : i32
    %dma_start3A_44 = arith.constant 0 : i32
    %dma_start3A_45 = tpu.memref_slice %arg2[%dma_start3A, %dma_start3A_44] : memref<10240x64xf32, #tpu.memory_space<hbm>> -> memref<10240x64xf32, #tpu.memory_space<hbm>>
    tpu.enqueue_indirect_dma source(%dma_start3A_45 : memref<10240x64xf32, #tpu.memory_space<hbm>>) target(%arg22 : memref<64x64xf32, #tpu.memory_space<vmem>>) offsets(%arg16 : memref<64xi32, #tpu.memory_space<vmem>>) semaphore(%arg28 : memref<!tpu.dma_semaphore, #tpu.memory_space<semaphore_mem>>)
    %dma_start3A_46 = arith.constant 0 : i32
    %dma_start3A_47 = arith.constant 0 : i32
    %dma_start3A_48 = tpu.memref_slice %arg3[%dma_start3A_46, %dma_start3A_47] : memref<10240x64xf32, #tpu.memory_space<hbm>> -> memref<10240x64xf32, #tpu.memory_space<hbm>>
    tpu.enqueue_indirect_dma source(%dma_start3A_48 : memref<10240x64xf32, #tpu.memory_space<hbm>>) target(%arg23 : memref<64x64xf32, #tpu.memory_space<vmem>>) offsets(%arg17 : memref<64xi32, #tpu.memory_space<vmem>>) semaphore(%arg29 : memref<!tpu.dma_semaphore, #tpu.memory_space<semaphore_mem>>)
    %scan3A_49 = arith.constant 0 : i32
    %scan3A_50 = arith.constant 0 : i32
    %scan3A_51 = arith.constant 0 : i32
    %scan3A_52 = arith.constant 0 : i32
    %scan3A_53 = arith.constant 84 : i32
    %scan3A_54 = arith.addi %scan3A_52, %scan3A_53 : i32
    %scan3A_55 = arith.constant 1 : i32
    %scan3A_56 = scf.for %scan3A_73 = %scan3A_52 to %scan3A_54 step %scan3A_55 iter_args(%scan3A_74 = %scan3A_51) -> (i32)  : i32 {
      %mul3A_75 = arith.constant 2 : i32
      %mul3A_76 = arith.muli %scan3A_73, %mul3A_75 : i32
      %add3A_77 = arith.constant 1 : i32
      %add3A_78 = arith.addi %mul3A_76, %add3A_77 : i32
      %rem3A_79 = arith.constant 8 : i32
      %rem3A_80 = arith.remsi %add3A_78, %rem3A_79 : i32
      %eq3A_81 = arith.constant 0 : i32
      %eq3A_82 = arith.cmpi eq, %rem3A_80, %eq3A_81 : i32
      %convert_element_type3A_83 = arith.extui %eq3A_82 : i1 to i32
      %cond3A_84 = arith.constant 0 : i32
      %cond3A_85 = arith.cmpi ne, %convert_element_type3A_83, %cond3A_84 : i32
      scf.if %cond3A_85 {
        %mul3A_152 = arith.constant 64 : i32
        %mul3A_153 = arith.muli %add3A_78, %mul3A_152 : i32
        %add3A_154 = arith.addi %mul3A_12, %mul3A_153 : i32
        %rem3A_155 = arith.constant 344064 : i32
        %rem3A_156 = arith.remsi %add3A_154, %rem3A_155 : i32
        "tpu.region"() ({
          %run_scoped3A = tpu.sem_alloc : memref<!tpu.dma_semaphore, #tpu.memory_space<semaphore_mem>>
          %dma_start3A_157 = tpu.memref_slice %arg4[%rem3A_156] : memref<344064xi32, #tpu.memory_space<hbm>> -> memref<512xi32, #tpu.memory_space<hbm>>
          %dma_start3A_158 = tpu.memref_slice %arg4[%rem3A_156] : memref<344064xi32, #tpu.memory_space<hbm>> -> memref<512xi32, #tpu.memory_space<hbm>>
          tpu.enqueue_dma source(%dma_start3A_158 : memref<512xi32, #tpu.memory_space<hbm>>) target(%arg14 : memref<512xi32, #tpu.memory_space<vmem>>) target_semaphore(%run_scoped3A : memref<!tpu.dma_semaphore, #tpu.memory_space<semaphore_mem>>)
          %dma_wait3A_159 = tpu.memref_slice %arg4[%rem3A_156] : memref<344064xi32, #tpu.memory_space<hbm>> -> memref<512xi32, #tpu.memory_space<hbm>>
          %dma_wait3A_160 = tpu.memref_slice %arg4[%rem3A_156] : memref<344064xi32, #tpu.memory_space<hbm>> -> memref<512xi32, #tpu.memory_space<hbm>>
          tpu.wait_dma2 semaphore(%run_scoped3A : memref<!tpu.dma_semaphore, #tpu.memory_space<semaphore_mem>>) src(%dma_wait3A_160 : memref<512xi32, #tpu.memory_space<hbm>>) dst(%arg14 : memref<512xi32, #tpu.memory_space<vmem>>)
          tpu.yield
        }) : () -> ()
        "tpu.region"() ({
          %run_scoped3A = tpu.sem_alloc : memref<!tpu.dma_semaphore, #tpu.memory_space<semaphore_mem>>
          %dma_start3A_157 = tpu.memref_slice %arg5[%rem3A_156] : memref<344064xi32, #tpu.memory_space<hbm>> -> memref<512xi32, #tpu.memory_space<hbm>>
          %dma_start3A_158 = tpu.memref_slice %arg5[%rem3A_156] : memref<344064xi32, #tpu.memory_space<hbm>> -> memref<512xi32, #tpu.memory_space<hbm>>
          tpu.enqueue_dma source(%dma_start3A_158 : memref<512xi32, #tpu.memory_space<hbm>>) target(%arg15 : memref<512xi32, #tpu.memory_space<vmem>>) target_semaphore(%run_scoped3A : memref<!tpu.dma_semaphore, #tpu.memory_space<semaphore_mem>>)
          %dma_wait3A_159 = tpu.memref_slice %arg5[%rem3A_156] : memref<344064xi32, #tpu.memory_space<hbm>> -> memref<512xi32, #tpu.memory_space<hbm>>
          %dma_wait3A_160 = tpu.memref_slice %arg5[%rem3A_156] : memref<344064xi32, #tpu.memory_space<hbm>> -> memref<512xi32, #tpu.memory_space<hbm>>
          tpu.wait_dma2 semaphore(%run_scoped3A : memref<!tpu.dma_semaphore, #tpu.memory_space<semaphore_mem>>) src(%dma_wait3A_160 : memref<512xi32, #tpu.memory_space<hbm>>) dst(%arg15 : memref<512xi32, #tpu.memory_space<vmem>>)
          tpu.yield
        }) : () -> ()
      } else {
      }
      %mul3A_86 = arith.constant 64 : i32
      %mul3A_87 = arith.muli %rem3A_80, %mul3A_86 : i32
      %scan3A_88 = arith.constant 0 : i32
      %scan3A_89 = arith.constant 0 : i32
      %scan3A_90 = arith.constant 4 : i32
      %scan3A_91 = arith.addi %scan3A_89, %scan3A_90 : i32
      %scan3A_92 = arith.constant 1 : i32
      %scan3A_93 = scf.for %scan3A_152 = %scan3A_89 to %scan3A_91 step %scan3A_92 iter_args(%scan3A_153 = %scan3A_88) -> (i32)  : i32 {
        %mul3A_154 = arith.constant 16 : i32
        %mul3A_155 = arith.muli %scan3A_152, %mul3A_154 : i32
        %add3A_156 = arith.addi %mul3A_87, %mul3A_155 : i32
        %mul3A_157 = arith.constant 16 : i32
        %mul3A_158 = arith.muli %scan3A_152, %mul3A_157 : i32
        %get3A_159 = arith.index_cast %add3A_156 : i32 to index
        %get3A_160 = tpu.vector_load %arg14[%get3A_159] {strides = array<i32>} : memref<512xi32, #tpu.memory_space<vmem>>, vector<16xi32>,
        %add3A_161 = vector.broadcast %scan3A_49 : i32 to vector<16xi32>
        %add3A_162 = arith.addi %get3A_160, %add3A_161 : vector<16xi32>
        %swap3A = arith.index_cast %mul3A_158 : i32 to index
        %swap3A_163 = tpu.vector_load %arg19[%swap3A] {strides = array<i32>} : memref<64xi32, #tpu.memory_space<vmem>>, vector<16xi32>,
        tpu.vector_store %arg19[%swap3A], %add3A_162 {strides = array<i32>} : memref<64xi32, #tpu.memory_space<vmem>>, vector<16xi32>,
        %get3A_164 = arith.index_cast %add3A_156 : i32 to index
        %get3A_165 = tpu.vector_load %arg15[%get3A_164] {strides = array<i32>} : memref<512xi32, #tpu.memory_space<vmem>>, vector<16xi32>,
        %add3A_166 = vector.broadcast %scan3A_49 : i32 to vector<16xi32>
        %add3A_167 = arith.addi %get3A_165, %add3A_166 : vector<16xi32>
        %swap3A_168 = arith.index_cast %mul3A_158 : i32 to index
        %swap3A_169 = tpu.vector_load %arg20[%swap3A_168] {strides = array<i32>} : memref<64xi32, #tpu.memory_space<vmem>>, vector<16xi32>,
        tpu.vector_store %arg20[%swap3A_168], %add3A_167 {strides = array<i32>} : memref<64xi32, #tpu.memory_space<vmem>>, vector<16xi32>,
        %get3A_170 = arith.index_cast %add3A_156 : i32 to index
        %get3A_171 = tpu.vector_load %arg15[%get3A_170] {strides = array<i32>} : memref<512xi32, #tpu.memory_space<vmem>>, vector<16xi32>,
        %add3A_172 = vector.broadcast %scan3A_50 : i32 to vector<16xi32>
        %add3A_173 = arith.addi %get3A_171, %add3A_172 : vector<16xi32>
        %swap3A_174 = arith.index_cast %mul3A_158 : i32 to index
        %swap3A_175 = tpu.vector_load %arg21[%swap3A_174] {strides = array<i32>} : memref<64xi32, #tpu.memory_space<vmem>>, vector<16xi32>,
        tpu.vector_store %arg21[%swap3A_174], %add3A_173 {strides = array<i32>} : memref<64xi32, #tpu.memory_space<vmem>>, vector<16xi32>,
        %scan3A_176 = arith.constant 0 : i32
        scf.yield %scan3A_176 : i32
      }
      %scan3A_94 = arith.constant 4 : i32
      %dma_start3A_95 = arith.constant 0 : i32
      %dma_start3A_96 = arith.constant 0 : i32
      %dma_start3A_97 = tpu.memref_slice %arg2[%dma_start3A_95, %dma_start3A_96] : memref<10240x64xf32, #tpu.memory_space<hbm>> -> memref<10240x64xf32, #tpu.memory_space<hbm>>
      tpu.enqueue_indirect_dma source(%dma_start3A_97 : memref<10240x64xf32, #tpu.memory_space<hbm>>) target(%arg24 : memref<64x64xf32, #tpu.memory_space<vmem>>) offsets(%arg19 : memref<64xi32, #tpu.memory_space<vmem>>) semaphore(%arg30 : memref<!tpu.dma_semaphore, #tpu.memory_space<semaphore_mem>>)
      %dma_start3A_98 = arith.constant 0 : i32
      %dma_start3A_99 = arith.constant 0 : i32
      %dma_start3A_100 = tpu.memref_slice %arg3[%dma_start3A_98, %dma_start3A_99] : memref<10240x64xf32, #tpu.memory_space<hbm>> -> memref<10240x64xf32, #tpu.memory_space<hbm>>
      tpu.enqueue_indirect_dma source(%dma_start3A_100 : memref<10240x64xf32, #tpu.memory_space<hbm>>) target(%arg25 : memref<64x64xf32, #tpu.memory_space<vmem>>) offsets(%arg20 : memref<64xi32, #tpu.memory_space<vmem>>) semaphore(%arg31 : memref<!tpu.dma_semaphore, #tpu.memory_space<semaphore_mem>>)
      %dma_wait3A_101 = arith.constant 0 : i32
      %dma_wait3A_102 = arith.constant 0 : i32
      %dma_wait3A_103 = tpu.memref_slice %arg2[%dma_wait3A_101, %dma_wait3A_102] : memref<10240x64xf32, #tpu.memory_space<hbm>> -> memref<10240x64xf32, #tpu.memory_space<hbm>>
      tpu.wait_indirect_dma semaphore(%arg28 : memref<!tpu.dma_semaphore, #tpu.memory_space<semaphore_mem>>) src(%dma_wait3A_103 : memref<10240x64xf32, #tpu.memory_space<hbm>>) dst(%arg22 : memref<64x64xf32, #tpu.memory_space<vmem>>)
      %dma_wait3A_104 = arith.constant 0 : i32
      %dma_wait3A_105 = arith.constant 0 : i32
      %dma_wait3A_106 = tpu.memref_slice %arg3[%dma_wait3A_104, %dma_wait3A_105] : memref<10240x64xf32, #tpu.memory_space<hbm>> -> memref<10240x64xf32, #tpu.memory_space<hbm>>
      tpu.wait_indirect_dma semaphore(%arg29 : memref<!tpu.dma_semaphore, #tpu.memory_space<semaphore_mem>>) src(%dma_wait3A_106 : memref<10240x64xf32, #tpu.memory_space<hbm>>) dst(%arg23 : memref<64x64xf32, #tpu.memory_space<vmem>>)
      %scan3A_107 = arith.constant 0 : i32
      %scan3A_108 = arith.constant 0 : i32
      %scan3A_109 = arith.constant 64 : i32
      %scan3A_110 = arith.addi %scan3A_108, %scan3A_109 : i32
      %scan3A_111 = arith.constant 1 : i32
      %scan3A_112 = scf.for %scan3A_152 = %scan3A_108 to %scan3A_110 step %scan3A_111 iter_args(%scan3A_153 = %scan3A_107) -> (i32)  : i32 {
        %broadcast_in_dim3A = arith.constant 0.000000e+00 : f32
        %broadcast_in_dim3A_154 = vector.broadcast %broadcast_in_dim3A : f32 to vector<16xf32>
        %get3A_155 = arith.index_cast %scan3A_152 : i32 to index
        %get3A_156 = arith.constant 0 : index
        %get3A_157 = tpu.vector_load %arg22[%get3A_155, %get3A_156] {strides = array<i32>} : memref<64x64xf32, #tpu.memory_space<vmem>>, vector<16xf32>,
        %get3A_158 = arith.index_cast %scan3A_152 : i32 to index
        %get3A_159 = arith.constant 0 : index
        %get3A_160 = tpu.vector_load %arg23[%get3A_158, %get3A_159] {strides = array<i32>} : memref<64x64xf32, #tpu.memory_space<vmem>>, vector<16xf32>,
        %add3A_161 = arith.addf %get3A_157, %get3A_160 : vector<16xf32>
        %mul3A_162 = arith.constant 2.000000e-01 : f32
        %mul3A_163 = vector.broadcast %mul3A_162 : f32 to vector<16xf32>
        %mul3A_164 = arith.mulf %mul3A_163, %add3A_161 : vector<16xf32>
        %max3A = arith.maximumf %add3A_161, %mul3A_164 : vector<16xf32>
        %mul3A_165 = arith.mulf %max3A, %get3A_15 : vector<16xf32>
        %add3A_166 = arith.addf %broadcast_in_dim3A_154, %mul3A_165 : vector<16xf32>
        %get3A_167 = arith.index_cast %scan3A_152 : i32 to index
        %get3A_168 = arith.constant 16 : index
        %get3A_169 = tpu.vector_load %arg22[%get3A_167, %get3A_168] {strides = array<i32>} : memref<64x64xf32, #tpu.memory_space<vmem>>, vector<16xf32>,
        %get3A_170 = arith.index_cast %scan3A_152 : i32 to index
        %get3A_171 = arith.constant 16 : index
        %get3A_172 = tpu.vector_load %arg23[%get3A_170, %get3A_171] {strides = array<i32>} : memref<64x64xf32, #tpu.memory_space<vmem>>, vector<16xf32>,
        %add3A_173 = arith.addf %get3A_169, %get3A_172 : vector<16xf32>
        %mul3A_174 = arith.constant 2.000000e-01 : f32
        %mul3A_175 = vector.broadcast %mul3A_174 : f32 to vector<16xf32>
        %mul3A_176 = arith.mulf %mul3A_175, %add3A_173 : vector<16xf32>
        %max3A_177 = arith.maximumf %add3A_173, %mul3A_176 : vector<16xf32>
        %mul3A_178 = arith.mulf %max3A_177, %get3A_19 : vector<16xf32>
        %add3A_179 = arith.addf %add3A_166, %mul3A_178 : vector<16xf32>
        %get3A_180 = arith.index_cast %scan3A_152 : i32 to index
        %get3A_181 = arith.constant 32 : index
        %get3A_182 = tpu.vector_load %arg22[%get3A_180, %get3A_181] {strides = array<i32>} : memref<64x64xf32, #tpu.memory_space<vmem>>, vector<16xf32>,
        %get3A_183 = arith.index_cast %scan3A_152 : i32 to index
        %get3A_184 = arith.constant 32 : index
        %get3A_185 = tpu.vector_load %arg23[%get3A_183, %get3A_184] {strides = array<i32>} : memref<64x64xf32, #tpu.memory_space<vmem>>, vector<16xf32>,
        %add3A_186 = arith.addf %get3A_182, %get3A_185 : vector<16xf32>
        %mul3A_187 = arith.constant 2.000000e-01 : f32
        %mul3A_188 = vector.broadcast %mul3A_187 : f32 to vector<16xf32>
        %mul3A_189 = arith.mulf %mul3A_188, %add3A_186 : vector<16xf32>
        %max3A_190 = arith.maximumf %add3A_186, %mul3A_189 : vector<16xf32>
        %mul3A_191 = arith.mulf %max3A_190, %get3A_23 : vector<16xf32>
        %add3A_192 = arith.addf %add3A_179, %mul3A_191 : vector<16xf32>
        %get3A_193 = arith.index_cast %scan3A_152 : i32 to index
        %get3A_194 = arith.constant 48 : index
        %get3A_195 = tpu.vector_load %arg22[%get3A_193, %get3A_194] {strides = array<i32>} : memref<64x64xf32, #tpu.memory_space<vmem>>, vector<16xf32>,
        %get3A_196 = arith.index_cast %scan3A_152 : i32 to index
        %get3A_197 = arith.constant 48 : index
        %get3A_198 = tpu.vector_load %arg23[%get3A_196, %get3A_197] {strides = array<i32>} : memref<64x64xf32, #tpu.memory_space<vmem>>, vector<16xf32>,
        %add3A_199 = arith.addf %get3A_195, %get3A_198 : vector<16xf32>
        %mul3A_200 = arith.constant 2.000000e-01 : f32
        %mul3A_201 = vector.broadcast %mul3A_200 : f32 to vector<16xf32>
        %mul3A_202 = arith.mulf %mul3A_201, %add3A_199 : vector<16xf32>
        %max3A_203 = arith.maximumf %add3A_199, %mul3A_202 : vector<16xf32>
        %mul3A_204 = arith.mulf %max3A_203, %get3A_27 : vector<16xf32>
        %add3A_205 = arith.addf %add3A_192, %mul3A_204 : vector<16xf32>
        %reduce_sum3A = arith.constant true
        %reduce_sum3A_206 = vector.broadcast %reduce_sum3A : i1 to vector<16xi1>
        %reduce_sum3A_207 = tpu.scan <sum>, %add3A_205 masked %reduce_sum3A_206 : vector<16xf32>, vector<16xi1> -> vector<16xf32>
        %reduce_sum3A_208 = vector.extract %reduce_sum3A_207[15] : f32 from vector<16xf32>
        %broadcast_in_dim3A_209 = vector.broadcast %reduce_sum3A_208 : f32 to vector<16xf32>
        %exp3A = math.exp %broadcast_in_dim3A_209 : vector<16xf32>
        %mul3A_210 = arith.mulf %get3A_157, %exp3A : vector<16xf32>
        %swap3A = arith.index_cast %scan3A_152 : i32 to index
        %swap3A_211 = arith.constant 0 : index
        %swap3A_212 = tpu.vector_load %arg26[%swap3A, %swap3A_211] {strides = array<i32>} : memref<64x64xf32, #tpu.memory_space<vmem>>, vector<16xf32>,
        tpu.vector_store %arg26[%swap3A, %swap3A_211], %mul3A_210 {strides = array<i32>} : memref<64x64xf32, #tpu.memory_space<vmem>>, vector<16xf32>,
        %mul3A_213 = arith.mulf %get3A_169, %exp3A : vector<16xf32>
        %swap3A_214 = arith.index_cast %scan3A_152 : i32 to index
        %swap3A_215 = arith.constant 16 : index
        %swap3A_216 = tpu.vector_load %arg26[%swap3A_214, %swap3A_215] {strides = array<i32>} : memref<64x64xf32, #tpu.memory_space<vmem>>, vector<16xf32>,
        tpu.vector_store %arg26[%swap3A_214, %swap3A_215], %mul3A_213 {strides = array<i32>} : memref<64x64xf32, #tpu.memory_space<vmem>>, vector<16xf32>,
        %mul3A_217 = arith.mulf %get3A_182, %exp3A : vector<16xf32>
        %swap3A_218 = arith.index_cast %scan3A_152 : i32 to index
        %swap3A_219 = arith.constant 32 : index
        %swap3A_220 = tpu.vector_load %arg26[%swap3A_218, %swap3A_219] {strides = array<i32>} : memref<64x64xf32, #tpu.memory_space<vmem>>, vector<16xf32>,
        tpu.vector_store %arg26[%swap3A_218, %swap3A_219], %mul3A_217 {strides = array<i32>} : memref<64x64xf32, #tpu.memory_space<vmem>>, vector<16xf32>,
        %mul3A_221 = arith.mulf %get3A_195, %exp3A : vector<16xf32>
        %swap3A_222 = arith.index_cast %scan3A_152 : i32 to index
        %swap3A_223 = arith.constant 48 : index
        %swap3A_224 = tpu.vector_load %arg26[%swap3A_222, %swap3A_223] {strides = array<i32>} : memref<64x64xf32, #tpu.memory_space<vmem>>, vector<16xf32>,
        tpu.vector_store %arg26[%swap3A_222, %swap3A_223], %mul3A_221 {strides = array<i32>} : memref<64x64xf32, #tpu.memory_space<vmem>>, vector<16xf32>,
        %jit3A = arith.constant 0.000000e+00 : f32
        %broadcast_in_dim3A_225 = vector.broadcast %jit3A : f32 to vector<16xf32>
        %select_n3A = arith.select %eq3A_8, %exp3A, %broadcast_in_dim3A_225 : vector<16xi1>, vector<16xf32>
        %swap3A_226 = arith.index_cast %scan3A_152 : i32 to index
        %swap3A_227 = arith.constant 0 : index
        %swap3A_228 = tpu.vector_load %arg27[%swap3A_226, %swap3A_227] {strides = array<i32>} : memref<64x16xf32, #tpu.memory_space<vmem>>, vector<16xf32>,
        tpu.vector_store %arg27[%swap3A_226, %swap3A_227], %select_n3A {strides = array<i32>} : memref<64x16xf32, #tpu.memory_space<vmem>>, vector<16xf32>,
        %scan3A_229 = arith.constant 0 : i32
        scf.yield %scan3A_229 : i32
      }
      %scan3A_113 = arith.constant 64 : i32
      "tpu.region"() ({
        %run_scoped3A = tpu.sem_alloc : memref<!tpu.dma_semaphore, #tpu.memory_space<semaphore_mem>>
        %dma_start3A_152 = arith.constant 0 : i32
        %dma_start3A_153 = arith.constant 0 : i32
        %dma_start3A_154 = tpu.memref_slice %arg11[%dma_start3A_152, %dma_start3A_153] : memref<10240x64xf32, #tpu.memory_space<vmem_shared>> -> memref<10240x64xf32, #tpu.memory_space<vmem_shared>>
        tpu.enqueue_indirect_dma source(%arg26 : memref<64x64xf32, #tpu.memory_space<vmem>>) target(%dma_start3A_154 : memref<10240x64xf32, #tpu.memory_space<vmem_shared>>) offsets(%arg18 : memref<64xi32, #tpu.memory_space<vmem>>) semaphore(%run_scoped3A : memref<!tpu.dma_semaphore, #tpu.memory_space<semaphore_mem>>) {add = true}
        %dma_wait3A_155 = arith.constant 0 : i32
        %dma_wait3A_156 = arith.constant 0 : i32
        %dma_wait3A_157 = tpu.memref_slice %arg11[%dma_wait3A_155, %dma_wait3A_156] : memref<10240x64xf32, #tpu.memory_space<vmem_shared>> -> memref<10240x64xf32, #tpu.memory_space<vmem_shared>>
        tpu.wait_indirect_dma semaphore(%run_scoped3A : memref<!tpu.dma_semaphore, #tpu.memory_space<semaphore_mem>>) src(%arg26 : memref<64x64xf32, #tpu.memory_space<vmem>>) dst(%dma_wait3A_157 : memref<10240x64xf32, #tpu.memory_space<vmem_shared>>)
        tpu.yield
      }) : () -> ()
      "tpu.region"() ({
        %run_scoped3A = tpu.sem_alloc : memref<!tpu.dma_semaphore, #tpu.memory_space<semaphore_mem>>
        %dma_start3A_152 = arith.constant 0 : i32
        %dma_start3A_153 = arith.constant 0 : i32
        %dma_start3A_154 = tpu.memref_slice %arg12[%dma_start3A_152, %dma_start3A_153] : memref<10240x16xf32, #tpu.memory_space<vmem_shared>> -> memref<10240x16xf32, #tpu.memory_space<vmem_shared>>
        tpu.enqueue_indirect_dma source(%arg27 : memref<64x16xf32, #tpu.memory_space<vmem>>) target(%dma_start3A_154 : memref<10240x16xf32, #tpu.memory_space<vmem_shared>>) offsets(%arg18 : memref<64xi32, #tpu.memory_space<vmem>>) semaphore(%run_scoped3A : memref<!tpu.dma_semaphore, #tpu.memory_space<semaphore_mem>>) {add = true}
        %dma_wait3A_155 = arith.constant 0 : i32
        %dma_wait3A_156 = arith.constant 0 : i32
        %dma_wait3A_157 = tpu.memref_slice %arg12[%dma_wait3A_155, %dma_wait3A_156] : memref<10240x16xf32, #tpu.memory_space<vmem_shared>> -> memref<10240x16xf32, #tpu.memory_space<vmem_shared>>
        tpu.wait_indirect_dma semaphore(%run_scoped3A : memref<!tpu.dma_semaphore, #tpu.memory_space<semaphore_mem>>) src(%arg27 : memref<64x16xf32, #tpu.memory_space<vmem>>) dst(%dma_wait3A_157 : memref<10240x16xf32, #tpu.memory_space<vmem_shared>>)
        tpu.yield
      }) : () -> ()
      %add3A_114 = arith.constant 2 : i32
      %add3A_115 = arith.addi %mul3A_76, %add3A_114 : i32
      %rem3A_116 = arith.constant 8 : i32
      %rem3A_117 = arith.remsi %add3A_115, %rem3A_116 : i32
      %eq3A_118 = arith.constant 0 : i32
      %eq3A_119 = arith.cmpi eq, %rem3A_117, %eq3A_118 : i32
      %convert_element_type3A_120 = arith.extui %eq3A_119 : i1 to i32
      %cond3A_121 = arith.constant 0 : i32
      %cond3A_122 = arith.cmpi ne, %convert_element_type3A_120, %cond3A_121 : i32
      scf.if %cond3A_122 {
        %mul3A_152 = arith.constant 64 : i32
        %mul3A_153 = arith.muli %add3A_115, %mul3A_152 : i32
        %add3A_154 = arith.addi %mul3A_12, %mul3A_153 : i32
        %rem3A_155 = arith.constant 344064 : i32
        %rem3A_156 = arith.remsi %add3A_154, %rem3A_155 : i32
        "tpu.region"() ({
          %run_scoped3A = tpu.sem_alloc : memref<!tpu.dma_semaphore, #tpu.memory_space<semaphore_mem>>
          %dma_start3A_157 = tpu.memref_slice %arg4[%rem3A_156] : memref<344064xi32, #tpu.memory_space<hbm>> -> memref<512xi32, #tpu.memory_space<hbm>>
          %dma_start3A_158 = tpu.memref_slice %arg4[%rem3A_156] : memref<344064xi32, #tpu.memory_space<hbm>> -> memref<512xi32, #tpu.memory_space<hbm>>
          tpu.enqueue_dma source(%dma_start3A_158 : memref<512xi32, #tpu.memory_space<hbm>>) target(%arg14 : memref<512xi32, #tpu.memory_space<vmem>>) target_semaphore(%run_scoped3A : memref<!tpu.dma_semaphore, #tpu.memory_space<semaphore_mem>>)
          %dma_wait3A_159 = tpu.memref_slice %arg4[%rem3A_156] : memref<344064xi32, #tpu.memory_space<hbm>> -> memref<512xi32, #tpu.memory_space<hbm>>
          %dma_wait3A_160 = tpu.memref_slice %arg4[%rem3A_156] : memref<344064xi32, #tpu.memory_space<hbm>> -> memref<512xi32, #tpu.memory_space<hbm>>
          tpu.wait_dma2 semaphore(%run_scoped3A : memref<!tpu.dma_semaphore, #tpu.memory_space<semaphore_mem>>) src(%dma_wait3A_160 : memref<512xi32, #tpu.memory_space<hbm>>) dst(%arg14 : memref<512xi32, #tpu.memory_space<vmem>>)
          tpu.yield
        }) : () -> ()
        "tpu.region"() ({
          %run_scoped3A = tpu.sem_alloc : memref<!tpu.dma_semaphore, #tpu.memory_space<semaphore_mem>>
          %dma_start3A_157 = tpu.memref_slice %arg5[%rem3A_156] : memref<344064xi32, #tpu.memory_space<hbm>> -> memref<512xi32, #tpu.memory_space<hbm>>
          %dma_start3A_158 = tpu.memref_slice %arg5[%rem3A_156] : memref<344064xi32, #tpu.memory_space<hbm>> -> memref<512xi32, #tpu.memory_space<hbm>>
          tpu.enqueue_dma source(%dma_start3A_158 : memref<512xi32, #tpu.memory_space<hbm>>) target(%arg15 : memref<512xi32, #tpu.memory_space<vmem>>) target_semaphore(%run_scoped3A : memref<!tpu.dma_semaphore, #tpu.memory_space<semaphore_mem>>)
          %dma_wait3A_159 = tpu.memref_slice %arg5[%rem3A_156] : memref<344064xi32, #tpu.memory_space<hbm>> -> memref<512xi32, #tpu.memory_space<hbm>>
          %dma_wait3A_160 = tpu.memref_slice %arg5[%rem3A_156] : memref<344064xi32, #tpu.memory_space<hbm>> -> memref<512xi32, #tpu.memory_space<hbm>>
          tpu.wait_dma2 semaphore(%run_scoped3A : memref<!tpu.dma_semaphore, #tpu.memory_space<semaphore_mem>>) src(%dma_wait3A_160 : memref<512xi32, #tpu.memory_space<hbm>>) dst(%arg15 : memref<512xi32, #tpu.memory_space<vmem>>)
          tpu.yield
        }) : () -> ()
      } else {
      }
      %mul3A_123 = arith.constant 64 : i32
      %mul3A_124 = arith.muli %rem3A_117, %mul3A_123 : i32
      %scan3A_125 = arith.constant 0 : i32
      %scan3A_126 = arith.constant 0 : i32
      %scan3A_127 = arith.constant 4 : i32
      %scan3A_128 = arith.addi %scan3A_126, %scan3A_127 : i32
      %scan3A_129 = arith.constant 1 : i32
      %scan3A_130 = scf.for %scan3A_152 = %scan3A_126 to %scan3A_128 step %scan3A_129 iter_args(%scan3A_153 = %scan3A_125) -> (i32)  : i32 {
        %mul3A_154 = arith.constant 16 : i32
        %mul3A_155 = arith.muli %scan3A_152, %mul3A_154 : i32
        %add3A_156 = arith.addi %mul3A_124, %mul3A_155 : i32
        %mul3A_157 = arith.constant 16 : i32
        %mul3A_158 = arith.muli %scan3A_152, %mul3A_157 : i32
        %get3A_159 = arith.index_cast %add3A_156 : i32 to index
        %get3A_160 = tpu.vector_load %arg14[%get3A_159] {strides = array<i32>} : memref<512xi32, #tpu.memory_space<vmem>>, vector<16xi32>,
        %add3A_161 = vector.broadcast %scan3A_49 : i32 to vector<16xi32>
        %add3A_162 = arith.addi %get3A_160, %add3A_161 : vector<16xi32>
        %swap3A = arith.index_cast %mul3A_158 : i32 to index
        %swap3A_163 = tpu.vector_load %arg16[%swap3A] {strides = array<i32>} : memref<64xi32, #tpu.memory_space<vmem>>, vector<16xi32>,
        tpu.vector_store %arg16[%swap3A], %add3A_162 {strides = array<i32>} : memref<64xi32, #tpu.memory_space<vmem>>, vector<16xi32>,
        %get3A_164 = arith.index_cast %add3A_156 : i32 to index
        %get3A_165 = tpu.vector_load %arg15[%get3A_164] {strides = array<i32>} : memref<512xi32, #tpu.memory_space<vmem>>, vector<16xi32>,
        %add3A_166 = vector.broadcast %scan3A_49 : i32 to vector<16xi32>
        %add3A_167 = arith.addi %get3A_165, %add3A_166 : vector<16xi32>
        %swap3A_168 = arith.index_cast %mul3A_158 : i32 to index
        %swap3A_169 = tpu.vector_load %arg17[%swap3A_168] {strides = array<i32>} : memref<64xi32, #tpu.memory_space<vmem>>, vector<16xi32>,
        tpu.vector_store %arg17[%swap3A_168], %add3A_167 {strides = array<i32>} : memref<64xi32, #tpu.memory_space<vmem>>, vector<16xi32>,
        %get3A_170 = arith.index_cast %add3A_156 : i32 to index
        %get3A_171 = tpu.vector_load %arg15[%get3A_170] {strides = array<i32>} : memref<512xi32, #tpu.memory_space<vmem>>, vector<16xi32>,
        %add3A_172 = vector.broadcast %scan3A_50 : i32 to vector<16xi32>
        %add3A_173 = arith.addi %get3A_171, %add3A_172 : vector<16xi32>
        %swap3A_174 = arith.index_cast %mul3A_158 : i32 to index
        %swap3A_175 = tpu.vector_load %arg18[%swap3A_174] {strides = array<i32>} : memref<64xi32, #tpu.memory_space<vmem>>, vector<16xi32>,
        tpu.vector_store %arg18[%swap3A_174], %add3A_173 {strides = array<i32>} : memref<64xi32, #tpu.memory_space<vmem>>, vector<16xi32>,
        %scan3A_176 = arith.constant 0 : i32
        scf.yield %scan3A_176 : i32
      }
      %scan3A_131 = arith.constant 4 : i32
      %dma_start3A_132 = arith.constant 0 : i32
      %dma_start3A_133 = arith.constant 0 : i32
      %dma_start3A_134 = tpu.memref_slice %arg2[%dma_start3A_132, %dma_start3A_133] : memref<10240x64xf32, #tpu.memory_space<hbm>> -> memref<10240x64xf32, #tpu.memory_space<hbm>>
      tpu.enqueue_indirect_dma source(%dma_start3A_134 : memref<10240x64xf32, #tpu.memory_space<hbm>>) target(%arg22 : memref<64x64xf32, #tpu.memory_space<vmem>>) offsets(%arg16 : memref<64xi32, #tpu.memory_space<vmem>>) semaphore(%arg28 : memref<!tpu.dma_semaphore, #tpu.memory_space<semaphore_mem>>)
      %dma_start3A_135 = arith.constant 0 : i32
      %dma_start3A_136 = arith.constant 0 : i32
      %dma_start3A_137 = tpu.memref_slice %arg3[%dma_start3A_135, %dma_start3A_136] : memref<10240x64xf32, #tpu.memory_space<hbm>> -> memref<10240x64xf32, #tpu.memory_space<hbm>>
      tpu.enqueue_indirect_dma source(%dma_start3A_137 : memref<10240x64xf32, #tpu.memory_space<hbm>>) target(%arg23 : memref<64x64xf32, #tpu.memory_space<vmem>>) offsets(%arg17 : memref<64xi32, #tpu.memory_space<vmem>>) semaphore(%arg29 : memref<!tpu.dma_semaphore, #tpu.memory_space<semaphore_mem>>)
      %dma_wait3A_138 = arith.constant 0 : i32
      %dma_wait3A_139 = arith.constant 0 : i32
      %dma_wait3A_140 = tpu.memref_slice %arg2[%dma_wait3A_138, %dma_wait3A_139] : memref<10240x64xf32, #tpu.memory_space<hbm>> -> memref<10240x64xf32, #tpu.memory_space<hbm>>
      tpu.wait_indirect_dma semaphore(%arg30 : memref<!tpu.dma_semaphore, #tpu.memory_space<semaphore_mem>>) src(%dma_wait3A_140 : memref<10240x64xf32, #tpu.memory_space<hbm>>) dst(%arg24 : memref<64x64xf32, #tpu.memory_space<vmem>>)
      %dma_wait3A_141 = arith.constant 0 : i32
      %dma_wait3A_142 = arith.constant 0 : i32
      %dma_wait3A_143 = tpu.memref_slice %arg3[%dma_wait3A_141, %dma_wait3A_142] : memref<10240x64xf32, #tpu.memory_space<hbm>> -> memref<10240x64xf32, #tpu.memory_space<hbm>>
      tpu.wait_indirect_dma semaphore(%arg31 : memref<!tpu.dma_semaphore, #tpu.memory_space<semaphore_mem>>) src(%dma_wait3A_143 : memref<10240x64xf32, #tpu.memory_space<hbm>>) dst(%arg25 : memref<64x64xf32, #tpu.memory_space<vmem>>)
      %scan3A_144 = arith.constant 0 : i32
      %scan3A_145 = arith.constant 0 : i32
      %scan3A_146 = arith.constant 64 : i32
      %scan3A_147 = arith.addi %scan3A_145, %scan3A_146 : i32
      %scan3A_148 = arith.constant 1 : i32
      %scan3A_149 = scf.for %scan3A_152 = %scan3A_145 to %scan3A_147 step %scan3A_148 iter_args(%scan3A_153 = %scan3A_144) -> (i32)  : i32 {
        %broadcast_in_dim3A = arith.constant 0.000000e+00 : f32
        %broadcast_in_dim3A_154 = vector.broadcast %broadcast_in_dim3A : f32 to vector<16xf32>
        %get3A_155 = arith.index_cast %scan3A_152 : i32 to index
        %get3A_156 = arith.constant 0 : index
        %get3A_157 = tpu.vector_load %arg24[%get3A_155, %get3A_156] {strides = array<i32>} : memref<64x64xf32, #tpu.memory_space<vmem>>, vector<16xf32>,
        %get3A_158 = arith.index_cast %scan3A_152 : i32 to index
        %get3A_159 = arith.constant 0 : index
        %get3A_160 = tpu.vector_load %arg25[%get3A_158, %get3A_159] {strides = array<i32>} : memref<64x64xf32, #tpu.memory_space<vmem>>, vector<16xf32>,
        %add3A_161 = arith.addf %get3A_157, %get3A_160 : vector<16xf32>
        %mul3A_162 = arith.constant 2.000000e-01 : f32
        %mul3A_163 = vector.broadcast %mul3A_162 : f32 to vector<16xf32>
        %mul3A_164 = arith.mulf %mul3A_163, %add3A_161 : vector<16xf32>
        %max3A = arith.maximumf %add3A_161, %mul3A_164 : vector<16xf32>
        %mul3A_165 = arith.mulf %max3A, %get3A_15 : vector<16xf32>
        %add3A_166 = arith.addf %broadcast_in_dim3A_154, %mul3A_165 : vector<16xf32>
        %get3A_167 = arith.index_cast %scan3A_152 : i32 to index
        %get3A_168 = arith.constant 16 : index
        %get3A_169 = tpu.vector_load %arg24[%get3A_167, %get3A_168] {strides = array<i32>} : memref<64x64xf32, #tpu.memory_space<vmem>>, vector<16xf32>,
        %get3A_170 = arith.index_cast %scan3A_152 : i32 to index
        %get3A_171 = arith.constant 16 : index
        %get3A_172 = tpu.vector_load %arg25[%get3A_170, %get3A_171] {strides = array<i32>} : memref<64x64xf32, #tpu.memory_space<vmem>>, vector<16xf32>,
        %add3A_173 = arith.addf %get3A_169, %get3A_172 : vector<16xf32>
        %mul3A_174 = arith.constant 2.000000e-01 : f32
        %mul3A_175 = vector.broadcast %mul3A_174 : f32 to vector<16xf32>
        %mul3A_176 = arith.mulf %mul3A_175, %add3A_173 : vector<16xf32>
        %max3A_177 = arith.maximumf %add3A_173, %mul3A_176 : vector<16xf32>
        %mul3A_178 = arith.mulf %max3A_177, %get3A_19 : vector<16xf32>
        %add3A_179 = arith.addf %add3A_166, %mul3A_178 : vector<16xf32>
        %get3A_180 = arith.index_cast %scan3A_152 : i32 to index
        %get3A_181 = arith.constant 32 : index
        %get3A_182 = tpu.vector_load %arg24[%get3A_180, %get3A_181] {strides = array<i32>} : memref<64x64xf32, #tpu.memory_space<vmem>>, vector<16xf32>,
        %get3A_183 = arith.index_cast %scan3A_152 : i32 to index
        %get3A_184 = arith.constant 32 : index
        %get3A_185 = tpu.vector_load %arg25[%get3A_183, %get3A_184] {strides = array<i32>} : memref<64x64xf32, #tpu.memory_space<vmem>>, vector<16xf32>,
        %add3A_186 = arith.addf %get3A_182, %get3A_185 : vector<16xf32>
        %mul3A_187 = arith.constant 2.000000e-01 : f32
        %mul3A_188 = vector.broadcast %mul3A_187 : f32 to vector<16xf32>
        %mul3A_189 = arith.mulf %mul3A_188, %add3A_186 : vector<16xf32>
        %max3A_190 = arith.maximumf %add3A_186, %mul3A_189 : vector<16xf32>
        %mul3A_191 = arith.mulf %max3A_190, %get3A_23 : vector<16xf32>
        %add3A_192 = arith.addf %add3A_179, %mul3A_191 : vector<16xf32>
        %get3A_193 = arith.index_cast %scan3A_152 : i32 to index
        %get3A_194 = arith.constant 48 : index
        %get3A_195 = tpu.vector_load %arg24[%get3A_193, %get3A_194] {strides = array<i32>} : memref<64x64xf32, #tpu.memory_space<vmem>>, vector<16xf32>,
        %get3A_196 = arith.index_cast %scan3A_152 : i32 to index
        %get3A_197 = arith.constant 48 : index
        %get3A_198 = tpu.vector_load %arg25[%get3A_196, %get3A_197] {strides = array<i32>} : memref<64x64xf32, #tpu.memory_space<vmem>>, vector<16xf32>,
        %add3A_199 = arith.addf %get3A_195, %get3A_198 : vector<16xf32>
        %mul3A_200 = arith.constant 2.000000e-01 : f32
        %mul3A_201 = vector.broadcast %mul3A_200 : f32 to vector<16xf32>
        %mul3A_202 = arith.mulf %mul3A_201, %add3A_199 : vector<16xf32>
        %max3A_203 = arith.maximumf %add3A_199, %mul3A_202 : vector<16xf32>
        %mul3A_204 = arith.mulf %max3A_203, %get3A_27 : vector<16xf32>
        %add3A_205 = arith.addf %add3A_192, %mul3A_204 : vector<16xf32>
        %reduce_sum3A = arith.constant true
        %reduce_sum3A_206 = vector.broadcast %reduce_sum3A : i1 to vector<16xi1>
        %reduce_sum3A_207 = tpu.scan <sum>, %add3A_205 masked %reduce_sum3A_206 : vector<16xf32>, vector<16xi1> -> vector<16xf32>
        %reduce_sum3A_208 = vector.extract %reduce_sum3A_207[15] : f32 from vector<16xf32>
        %broadcast_in_dim3A_209 = vector.broadcast %reduce_sum3A_208 : f32 to vector<16xf32>
        %exp3A = math.exp %broadcast_in_dim3A_209 : vector<16xf32>
        %mul3A_210 = arith.mulf %get3A_157, %exp3A : vector<16xf32>
        %swap3A = arith.index_cast %scan3A_152 : i32 to index
        %swap3A_211 = arith.constant 0 : index
        %swap3A_212 = tpu.vector_load %arg26[%swap3A, %swap3A_211] {strides = array<i32>} : memref<64x64xf32, #tpu.memory_space<vmem>>, vector<16xf32>,
        tpu.vector_store %arg26[%swap3A, %swap3A_211], %mul3A_210 {strides = array<i32>} : memref<64x64xf32, #tpu.memory_space<vmem>>, vector<16xf32>,
        %mul3A_213 = arith.mulf %get3A_169, %exp3A : vector<16xf32>
        %swap3A_214 = arith.index_cast %scan3A_152 : i32 to index
        %swap3A_215 = arith.constant 16 : index
        %swap3A_216 = tpu.vector_load %arg26[%swap3A_214, %swap3A_215] {strides = array<i32>} : memref<64x64xf32, #tpu.memory_space<vmem>>, vector<16xf32>,
        tpu.vector_store %arg26[%swap3A_214, %swap3A_215], %mul3A_213 {strides = array<i32>} : memref<64x64xf32, #tpu.memory_space<vmem>>, vector<16xf32>,
        %mul3A_217 = arith.mulf %get3A_182, %exp3A : vector<16xf32>
        %swap3A_218 = arith.index_cast %scan3A_152 : i32 to index
        %swap3A_219 = arith.constant 32 : index
        %swap3A_220 = tpu.vector_load %arg26[%swap3A_218, %swap3A_219] {strides = array<i32>} : memref<64x64xf32, #tpu.memory_space<vmem>>, vector<16xf32>,
        tpu.vector_store %arg26[%swap3A_218, %swap3A_219], %mul3A_217 {strides = array<i32>} : memref<64x64xf32, #tpu.memory_space<vmem>>, vector<16xf32>,
        %mul3A_221 = arith.mulf %get3A_195, %exp3A : vector<16xf32>
        %swap3A_222 = arith.index_cast %scan3A_152 : i32 to index
        %swap3A_223 = arith.constant 48 : index
        %swap3A_224 = tpu.vector_load %arg26[%swap3A_222, %swap3A_223] {strides = array<i32>} : memref<64x64xf32, #tpu.memory_space<vmem>>, vector<16xf32>,
        tpu.vector_store %arg26[%swap3A_222, %swap3A_223], %mul3A_221 {strides = array<i32>} : memref<64x64xf32, #tpu.memory_space<vmem>>, vector<16xf32>,
        %jit3A = arith.constant 0.000000e+00 : f32
        %broadcast_in_dim3A_225 = vector.broadcast %jit3A : f32 to vector<16xf32>
        %select_n3A = arith.select %eq3A_8, %exp3A, %broadcast_in_dim3A_225 : vector<16xi1>, vector<16xf32>
        %swap3A_226 = arith.index_cast %scan3A_152 : i32 to index
        %swap3A_227 = arith.constant 0 : index
        %swap3A_228 = tpu.vector_load %arg27[%swap3A_226, %swap3A_227] {strides = array<i32>} : memref<64x16xf32, #tpu.memory_space<vmem>>, vector<16xf32>,
        tpu.vector_store %arg27[%swap3A_226, %swap3A_227], %select_n3A {strides = array<i32>} : memref<64x16xf32, #tpu.memory_space<vmem>>, vector<16xf32>,
        %scan3A_229 = arith.constant 0 : i32
        scf.yield %scan3A_229 : i32
      }
      %scan3A_150 = arith.constant 64 : i32
      "tpu.region"() ({
        %run_scoped3A = tpu.sem_alloc : memref<!tpu.dma_semaphore, #tpu.memory_space<semaphore_mem>>
        %dma_start3A_152 = arith.constant 0 : i32
        %dma_start3A_153 = arith.constant 0 : i32
        %dma_start3A_154 = tpu.memref_slice %arg11[%dma_start3A_152, %dma_start3A_153] : memref<10240x64xf32, #tpu.memory_space<vmem_shared>> -> memref<10240x64xf32, #tpu.memory_space<vmem_shared>>
        tpu.enqueue_indirect_dma source(%arg26 : memref<64x64xf32, #tpu.memory_space<vmem>>) target(%dma_start3A_154 : memref<10240x64xf32, #tpu.memory_space<vmem_shared>>) offsets(%arg21 : memref<64xi32, #tpu.memory_space<vmem>>) semaphore(%run_scoped3A : memref<!tpu.dma_semaphore, #tpu.memory_space<semaphore_mem>>) {add = true}
        %dma_wait3A_155 = arith.constant 0 : i32
        %dma_wait3A_156 = arith.constant 0 : i32
        %dma_wait3A_157 = tpu.memref_slice %arg11[%dma_wait3A_155, %dma_wait3A_156] : memref<10240x64xf32, #tpu.memory_space<vmem_shared>> -> memref<10240x64xf32, #tpu.memory_space<vmem_shared>>
        tpu.wait_indirect_dma semaphore(%run_scoped3A : memref<!tpu.dma_semaphore, #tpu.memory_space<semaphore_mem>>) src(%arg26 : memref<64x64xf32, #tpu.memory_space<vmem>>) dst(%dma_wait3A_157 : memref<10240x64xf32, #tpu.memory_space<vmem_shared>>)
        tpu.yield
      }) : () -> ()
      "tpu.region"() ({
        %run_scoped3A = tpu.sem_alloc : memref<!tpu.dma_semaphore, #tpu.memory_space<semaphore_mem>>
        %dma_start3A_152 = arith.constant 0 : i32
        %dma_start3A_153 = arith.constant 0 : i32
        %dma_start3A_154 = tpu.memref_slice %arg12[%dma_start3A_152, %dma_start3A_153] : memref<10240x16xf32, #tpu.memory_space<vmem_shared>> -> memref<10240x16xf32, #tpu.memory_space<vmem_shared>>
        tpu.enqueue_indirect_dma source(%arg27 : memref<64x16xf32, #tpu.memory_space<vmem>>) target(%dma_start3A_154 : memref<10240x16xf32, #tpu.memory_space<vmem_shared>>) offsets(%arg21 : memref<64xi32, #tpu.memory_space<vmem>>) semaphore(%run_scoped3A : memref<!tpu.dma_semaphore, #tpu.memory_space<semaphore_mem>>) {add = true}
        %dma_wait3A_155 = arith.constant 0 : i32
        %dma_wait3A_156 = arith.constant 0 : i32
        %dma_wait3A_157 = tpu.memref_slice %arg12[%dma_wait3A_155, %dma_wait3A_156] : memref<10240x16xf32, #tpu.memory_space<vmem_shared>> -> memref<10240x16xf32, #tpu.memory_space<vmem_shared>>
        tpu.wait_indirect_dma semaphore(%run_scoped3A : memref<!tpu.dma_semaphore, #tpu.memory_space<semaphore_mem>>) src(%arg27 : memref<64x16xf32, #tpu.memory_space<vmem>>) dst(%dma_wait3A_157 : memref<10240x16xf32, #tpu.memory_space<vmem_shared>>)
        tpu.yield
      }) : () -> ()
      %scan3A_151 = arith.constant 0 : i32
      scf.yield %scan3A_151 : i32
    }
    %scan3A_57 = arith.constant 84 : i32
    %dma_wait3A = arith.constant 0 : i32
    %dma_wait3A_58 = arith.constant 0 : i32
    %dma_wait3A_59 = tpu.memref_slice %arg2[%dma_wait3A, %dma_wait3A_58] : memref<10240x64xf32, #tpu.memory_space<hbm>> -> memref<10240x64xf32, #tpu.memory_space<hbm>>
    tpu.wait_indirect_dma semaphore(%arg28 : memref<!tpu.dma_semaphore, #tpu.memory_space<semaphore_mem>>) src(%dma_wait3A_59 : memref<10240x64xf32, #tpu.memory_space<hbm>>) dst(%arg22 : memref<64x64xf32, #tpu.memory_space<vmem>>)
    %dma_wait3A_60 = arith.constant 0 : i32
    %dma_wait3A_61 = arith.constant 0 : i32
    %dma_wait3A_62 = tpu.memref_slice %arg3[%dma_wait3A_60, %dma_wait3A_61] : memref<10240x64xf32, #tpu.memory_space<hbm>> -> memref<10240x64xf32, #tpu.memory_space<hbm>>
    tpu.wait_indirect_dma semaphore(%arg29 : memref<!tpu.dma_semaphore, #tpu.memory_space<semaphore_mem>>) src(%dma_wait3A_62 : memref<10240x64xf32, #tpu.memory_space<hbm>>) dst(%arg23 : memref<64x64xf32, #tpu.memory_space<vmem>>)
    %barrier3A_63 = arith.constant 0 : index
    tpu.barrier barrier_id(%barrier3A_63)
    %mul3A_64 = arith.constant 10240 : i32
    %mul3A_65 = arith.muli %arg0, %mul3A_64 : i32
    %mul3A_66 = arith.constant 640 : i32
    %mul3A_67 = arith.muli %arg1, %mul3A_66 : i32
    %add3A_68 = arith.addi %mul3A_65, %mul3A_67 : i32
    %mul3A_69 = arith.constant 640 : i32
    %mul3A_70 = arith.muli %arg1, %mul3A_69 : i32
    "tpu.region"() ({
      %run_scoped3A = tpu.sem_alloc : memref<!tpu.dma_semaphore, #tpu.memory_space<semaphore_mem>>
      %dma_start3A_73 = arith.constant 0 : i32
      %dma_start3A_74 = tpu.memref_slice %arg9[%add3A_68, %dma_start3A_73] : memref<20480x64xf32, #tpu.memory_space<hbm>> -> memref<640x64xf32, #tpu.memory_space<hbm>>
      %dma_start3A_75 = arith.constant 0 : i32
      %dma_start3A_76 = tpu.memref_slice %arg11[%mul3A_70, %dma_start3A_75] : memref<10240x64xf32, #tpu.memory_space<vmem_shared>> -> memref<640x64xf32, #tpu.memory_space<vmem_shared>>
      tpu.enqueue_dma source(%dma_start3A_76 : memref<640x64xf32, #tpu.memory_space<vmem_shared>>) target(%dma_start3A_74 : memref<640x64xf32, #tpu.memory_space<hbm>>) target_semaphore(%run_scoped3A : memref<!tpu.dma_semaphore, #tpu.memory_space<semaphore_mem>>)
      %dma_wait3A_77 = arith.constant 0 : i32
      %dma_wait3A_78 = tpu.memref_slice %arg9[%add3A_68, %dma_wait3A_77] : memref<20480x64xf32, #tpu.memory_space<hbm>> -> memref<640x64xf32, #tpu.memory_space<hbm>>
      %dma_wait3A_79 = arith.constant 0 : i32
      %dma_wait3A_80 = tpu.memref_slice %arg11[%mul3A_70, %dma_wait3A_79] : memref<10240x64xf32, #tpu.memory_space<vmem_shared>> -> memref<640x64xf32, #tpu.memory_space<vmem_shared>>
      tpu.wait_dma2 semaphore(%run_scoped3A : memref<!tpu.dma_semaphore, #tpu.memory_space<semaphore_mem>>) src(%dma_wait3A_80 : memref<640x64xf32, #tpu.memory_space<vmem_shared>>) dst(%dma_wait3A_78 : memref<640x64xf32, #tpu.memory_space<hbm>>)
      tpu.yield
    }) : () -> ()
    %mul3A_71 = arith.constant 640 : i32
    %mul3A_72 = arith.muli %arg1, %mul3A_71 : i32
    "tpu.region"() ({
      %run_scoped3A = tpu.sem_alloc : memref<!tpu.dma_semaphore, #tpu.memory_space<semaphore_mem>>
      %dma_start3A_73 = arith.constant 0 : i32
      %dma_start3A_74 = tpu.memref_slice %arg10[%add3A_68, %dma_start3A_73] : memref<20480x16xf32, #tpu.memory_space<hbm>> -> memref<640x16xf32, #tpu.memory_space<hbm>>
      %dma_start3A_75 = arith.constant 0 : i32
      %dma_start3A_76 = tpu.memref_slice %arg12[%mul3A_72, %dma_start3A_75] : memref<10240x16xf32, #tpu.memory_space<vmem_shared>> -> memref<640x16xf32, #tpu.memory_space<vmem_shared>>
      tpu.enqueue_dma source(%dma_start3A_76 : memref<640x16xf32, #tpu.memory_space<vmem_shared>>) target(%dma_start3A_74 : memref<640x16xf32, #tpu.memory_space<hbm>>) target_semaphore(%run_scoped3A : memref<!tpu.dma_semaphore, #tpu.memory_space<semaphore_mem>>)
      %dma_wait3A_77 = arith.constant 0 : i32
      %dma_wait3A_78 = tpu.memref_slice %arg10[%add3A_68, %dma_wait3A_77] : memref<20480x16xf32, #tpu.memory_space<hbm>> -> memref<640x16xf32, #tpu.memory_space<hbm>>
      %dma_wait3A_79 = arith.constant 0 : i32
      %dma_wait3A_80 = tpu.memref_slice %arg12[%mul3A_72, %dma_wait3A_79] : memref<10240x16xf32, #tpu.memory_space<vmem_shared>> -> memref<640x16xf32, #tpu.memory_space<vmem_shared>>
      tpu.wait_dma2 semaphore(%run_scoped3A : memref<!tpu.dma_semaphore, #tpu.memory_space<semaphore_mem>>) src(%dma_wait3A_80 : memref<640x16xf32, #tpu.memory_space<vmem_shared>>) dst(%dma_wait3A_78 : memref<640x16xf32, #tpu.memory_space<hbm>>)
      tpu.yield
    }) : () -> ()
    return
  }
}

module attributes {stable_mosaic.version = 14 : i64} {
  func.func @_proj_body(%arg0: i32, %arg1: i32, %arg2: memref<1024x128xf32, #tpu.memory_space<vmem>>, %arg3: memref<1x128x64xf32, #tpu.memory_space<vmem>>, %arg4: memref<1x1x64xf32, #tpu.memory_space<vmem>>, %arg5: memref<1x1024x64xf32, #tpu.memory_space<vmem>>) attributes {dimension_semantics = [#tpu.dimension_semantics<arbitrary>, #tpu.dimension_semantics<arbitrary>], iteration_bounds = array<i64: 9, 10>, scalar_prefetch = 0 : i64, scratch_operands = 0 : i64, tpu.core_type = #tpu.core_type<tc>, window_params = [{transform_indices = @transform_0, window_bounds = array<i64: 1024, 128>}, {transform_indices = @transform_1, window_bounds = array<i64: 1, 128, 64>}, {transform_indices = @transform_2, window_bounds = array<i64: 1, 1, 64>}, {transform_indices = @transform_3, window_bounds = array<i64: 1, 1024, 64>}]} {
    %get3A = arith.constant 0 : index
    %get3A_0 = arith.constant 0 : index
    %get3A_1 = vector.load %arg2[%get3A, %get3A_0] : memref<1024x128xf32, #tpu.memory_space<vmem>>, vector<1024x128xf32>
    %get3A_2 = arith.constant 0 : index
    %get3A_3 = arith.constant 0 : index
    %get3A_4 = arith.constant 0 : index
    %get3A_5 = vector.load %arg3[%get3A_2, %get3A_3, %get3A_4] : memref<1x128x64xf32, #tpu.memory_space<vmem>>, vector<1x128x64xf32>
    %get3A_6 = vector.shape_cast %get3A_5 : vector<1x128x64xf32> to vector<128x64xf32>
    %dot_general3A = arith.constant dense<0.000000e+00> : vector<1024x64xf32>
    %dot_general3A_7 = tpu.matmul %get3A_1, %get3A_6, %dot_general3A {dimension_numbers = #tpu.dot_dimension_numbers<[1], [0], [0], [1], [0, 0, 1, 1], [], []>, transpose_lhs_hint = false} : vector<1024x128xf32>, vector<128x64xf32>, vector<1024x64xf32> -> vector<1024x64xf32>
    %get3A_8 = arith.constant 0 : index
    %get3A_9 = arith.constant 0 : index
    %get3A_10 = arith.constant 0 : index
    %get3A_11 = vector.load %arg4[%get3A_8, %get3A_9, %get3A_10] : memref<1x1x64xf32, #tpu.memory_space<vmem>>, vector<1x1x64xf32>
    %get3A_12 = vector.shape_cast %get3A_11 : vector<1x1x64xf32> to vector<1x64xf32>
    %add3A = vector.broadcast %get3A_12 : vector<1x64xf32> to vector<1024x64xf32>
    %add3A_13 = arith.addf %dot_general3A_7, %add3A : vector<1024x64xf32>
    %broadcast_in_dim3A = vector.shape_cast %add3A_13 : vector<1024x64xf32> to vector<1x1024x64xf32>
    %swap3A = arith.constant 0 : index
    %swap3A_14 = arith.constant 0 : index
    %swap3A_15 = arith.constant 0 : index
    %swap3A_16 = vector.load %arg5[%swap3A, %swap3A_14, %swap3A_15] : memref<1x1024x64xf32, #tpu.memory_space<vmem>>, vector<1x1024x64xf32>
    tpu.vector_store %arg5[%swap3A, %swap3A_14, %swap3A_15], %broadcast_in_dim3A {strides = array<i32>} : memref<1x1024x64xf32, #tpu.memory_space<vmem>>, vector<1x1024x64xf32>,
    return
  }
  func.func @transform_0(%arg0: i32, %arg1: i32) -> (i32, i32) {
    %c0_i32 = arith.constant 0 : i32
    %c0_i32_0 = arith.constant 0 : i32
    return %arg1, %c0_i32 : i32, i32
  }
  func.func @transform_1(%arg0: i32, %arg1: i32) -> (i32, i32, i32) {
    %c0_i32 = arith.constant 0 : i32
    %c0_i32_0 = arith.constant 0 : i32
    %c0_i32_1 = arith.constant 0 : i32
    return %arg0, %c0_i32, %c0_i32_0 : i32, i32, i32
  }
  func.func @transform_2(%arg0: i32, %arg1: i32) -> (i32, i32, i32) {
    %c0_i32 = arith.constant 0 : i32
    %c0_i32_0 = arith.constant 0 : i32
    %c0_i32_1 = arith.constant 0 : i32
    return %arg0, %c0_i32, %c0_i32_0 : i32, i32, i32
  }
  func.func @transform_3(%arg0: i32, %arg1: i32) -> (i32, i32, i32) {
    %c0_i32 = arith.constant 0 : i32
    %c0_i32_0 = arith.constant 0 : i32
    return %arg0, %arg1, %c0_i32 : i32, i32, i32
  }
}

module attributes {stable_mosaic.version = 14 : i64} {
  func.func @_mid_body(%arg0: i32, %arg1: memref<4x1024x64xf32, #tpu.memory_space<vmem>>, %arg2: memref<4x1024x16xf32, #tpu.memory_space<vmem>>, %arg3: memref<4x64xf32, #tpu.memory_space<vmem>>, %arg4: memref<4x64x128xf32, #tpu.memory_space<vmem>>, %arg5: memref<1x128xf32, #tpu.memory_space<vmem>>, %arg6: memref<1024x64xf32, #tpu.memory_space<vmem>>, %arg7: memref<1024x64xf32, #tpu.memory_space<vmem>>) attributes {dimension_semantics = [#tpu.dimension_semantics<arbitrary>], iteration_bounds = array<i64: 10>, scalar_prefetch = 0 : i64, scratch_operands = 0 : i64, tpu.core_type = #tpu.core_type<tc>, window_params = [{transform_indices = @transform_0, window_bounds = array<i64: 4, 1024, 64>}, {transform_indices = @transform_1, window_bounds = array<i64: 4, 1024, 16>}, {pipeline_mode = #tpu.pipeline_mode<synchronous>, transform_indices = @transform_2, window_bounds = array<i64: 4, 64>}, {pipeline_mode = #tpu.pipeline_mode<synchronous>, transform_indices = @transform_3, window_bounds = array<i64: 4, 64, 128>}, {pipeline_mode = #tpu.pipeline_mode<synchronous>, transform_indices = @transform_4, window_bounds = array<i64: 1, 128>}, {transform_indices = @transform_5, window_bounds = array<i64: 1024, 64>}, {transform_indices = @transform_6, window_bounds = array<i64: 1024, 64>}]} {
    %get3A = arith.constant 0 : index
    %get3A_0 = arith.constant 0 : index
    %get3A_1 = arith.constant 0 : index
    %get3A_2 = vector.load %arg1[%get3A, %get3A_0, %get3A_1] : memref<4x1024x64xf32, #tpu.memory_space<vmem>>, vector<4x1024x64xf32>
    %get3A_3 = arith.constant 0 : index
    %get3A_4 = arith.constant 0 : index
    %get3A_5 = arith.constant 0 : index
    %get3A_6 = vector.load %arg2[%get3A_3, %get3A_4, %get3A_5] : memref<4x1024x16xf32, #tpu.memory_space<vmem>>, vector<4x1024x16xf32>
    %slice3A = vector.extract_strided_slice %get3A_6 {offsets = [0, 0, 0], sizes = [4, 1024, 1], strides = [1, 1, 1]} : vector<4x1024x16xf32> to vector<4x1024x1xf32>
    %add3A = arith.constant 1.000000e-16 : f32
    %add3A_7 = vector.broadcast %add3A : f32 to vector<4x1024x1xf32>
    %add3A_8 = arith.addf %slice3A, %add3A_7 : vector<4x1024x1xf32>
    %div3A = vector.broadcast %add3A_8 : vector<4x1024x1xf32> to vector<4x1024x64xf32>
    %div3A_9 = arith.divf %get3A_2, %div3A : vector<4x1024x64xf32>
    %get3A_10 = arith.constant 0 : index
    %get3A_11 = arith.constant 0 : index
    %get3A_12 = vector.load %arg3[%get3A_10, %get3A_11] : memref<4x64xf32, #tpu.memory_space<vmem>>, vector<4x64xf32>
    %broadcast_in_dim3A = vector.shape_cast %get3A_12 : vector<4x64xf32> to vector<4x1x64xf32>
    %add3A_13 = vector.broadcast %broadcast_in_dim3A : vector<4x1x64xf32> to vector<4x1024x64xf32>
    %add3A_14 = arith.addf %div3A_9, %add3A_13 : vector<4x1024x64xf32>
    %mul3A = arith.constant 0.00999999977 : f32
    %mul3A_15 = vector.broadcast %mul3A : f32 to vector<4x1024x64xf32>
    %mul3A_16 = arith.mulf %mul3A_15, %add3A_14 : vector<4x1024x64xf32>
    %max3A = arith.maximumf %add3A_14, %mul3A_16 : vector<4x1024x64xf32>
    %broadcast_in_dim3A_17 = arith.constant 0.000000e+00 : f32
    %broadcast_in_dim3A_18 = vector.broadcast %broadcast_in_dim3A_17 : f32 to vector<1024x128xf32>
    %slice3A_19 = vector.extract_strided_slice %max3A {offsets = [0, 0, 0], sizes = [1, 1024, 64], strides = [1, 1, 1]} : vector<4x1024x64xf32> to vector<1x1024x64xf32>
    %squeeze3A = vector.shape_cast %slice3A_19 : vector<1x1024x64xf32> to vector<1024x64xf32>
    %get3A_20 = arith.constant 0 : index
    %get3A_21 = arith.constant 0 : index
    %get3A_22 = arith.constant 0 : index
    %get3A_23 = vector.load %arg4[%get3A_20, %get3A_21, %get3A_22] : memref<4x64x128xf32, #tpu.memory_space<vmem>>, vector<1x64x128xf32>
    %get3A_24 = vector.shape_cast %get3A_23 : vector<1x64x128xf32> to vector<64x128xf32>
    %dot_general3A = arith.constant dense<0.000000e+00> : vector<1024x128xf32>
    %dot_general3A_25 = tpu.matmul %squeeze3A, %get3A_24, %dot_general3A {dimension_numbers = #tpu.dot_dimension_numbers<[1], [0], [0], [1], [0, 0, 1, 1], [], []>, transpose_lhs_hint = false} : vector<1024x64xf32>, vector<64x128xf32>, vector<1024x128xf32> -> vector<1024x128xf32>
    %add3A_26 = arith.addf %broadcast_in_dim3A_18, %dot_general3A_25 : vector<1024x128xf32>
    %slice3A_27 = vector.extract_strided_slice %max3A {offsets = [1, 0, 0], sizes = [1, 1024, 64], strides = [1, 1, 1]} : vector<4x1024x64xf32> to vector<1x1024x64xf32>
    %squeeze3A_28 = vector.shape_cast %slice3A_27 : vector<1x1024x64xf32> to vector<1024x64xf32>
    %get3A_29 = arith.constant 1 : index
    %get3A_30 = arith.constant 0 : index
    %get3A_31 = arith.constant 0 : index
    %get3A_32 = vector.load %arg4[%get3A_29, %get3A_30, %get3A_31] : memref<4x64x128xf32, #tpu.memory_space<vmem>>, vector<1x64x128xf32>
    %get3A_33 = vector.shape_cast %get3A_32 : vector<1x64x128xf32> to vector<64x128xf32>
    %dot_general3A_34 = arith.constant dense<0.000000e+00> : vector<1024x128xf32>
    %dot_general3A_35 = tpu.matmul %squeeze3A_28, %get3A_33, %dot_general3A_34 {dimension_numbers = #tpu.dot_dimension_numbers<[1], [0], [0], [1], [0, 0, 1, 1], [], []>, transpose_lhs_hint = false} : vector<1024x64xf32>, vector<64x128xf32>, vector<1024x128xf32> -> vector<1024x128xf32>
    %add3A_36 = arith.addf %add3A_26, %dot_general3A_35 : vector<1024x128xf32>
    %slice3A_37 = vector.extract_strided_slice %max3A {offsets = [2, 0, 0], sizes = [1, 1024, 64], strides = [1, 1, 1]} : vector<4x1024x64xf32> to vector<1x1024x64xf32>
    %squeeze3A_38 = vector.shape_cast %slice3A_37 : vector<1x1024x64xf32> to vector<1024x64xf32>
    %get3A_39 = arith.constant 2 : index
    %get3A_40 = arith.constant 0 : index
    %get3A_41 = arith.constant 0 : index
    %get3A_42 = vector.load %arg4[%get3A_39, %get3A_40, %get3A_41] : memref<4x64x128xf32, #tpu.memory_space<vmem>>, vector<1x64x128xf32>
    %get3A_43 = vector.shape_cast %get3A_42 : vector<1x64x128xf32> to vector<64x128xf32>
    %dot_general3A_44 = arith.constant dense<0.000000e+00> : vector<1024x128xf32>
    %dot_general3A_45 = tpu.matmul %squeeze3A_38, %get3A_43, %dot_general3A_44 {dimension_numbers = #tpu.dot_dimension_numbers<[1], [0], [0], [1], [0, 0, 1, 1], [], []>, transpose_lhs_hint = false} : vector<1024x64xf32>, vector<64x128xf32>, vector<1024x128xf32> -> vector<1024x128xf32>
    %add3A_46 = arith.addf %add3A_36, %dot_general3A_45 : vector<1024x128xf32>
    %slice3A_47 = vector.extract_strided_slice %max3A {offsets = [3, 0, 0], sizes = [1, 1024, 64], strides = [1, 1, 1]} : vector<4x1024x64xf32> to vector<1x1024x64xf32>
    %squeeze3A_48 = vector.shape_cast %slice3A_47 : vector<1x1024x64xf32> to vector<1024x64xf32>
    %get3A_49 = arith.constant 3 : index
    %get3A_50 = arith.constant 0 : index
    %get3A_51 = arith.constant 0 : index
    %get3A_52 = vector.load %arg4[%get3A_49, %get3A_50, %get3A_51] : memref<4x64x128xf32, #tpu.memory_space<vmem>>, vector<1x64x128xf32>
    %get3A_53 = vector.shape_cast %get3A_52 : vector<1x64x128xf32> to vector<64x128xf32>
    %dot_general3A_54 = arith.constant dense<0.000000e+00> : vector<1024x128xf32>
    %dot_general3A_55 = tpu.matmul %squeeze3A_48, %get3A_53, %dot_general3A_54 {dimension_numbers = #tpu.dot_dimension_numbers<[1], [0], [0], [1], [0, 0, 1, 1], [], []>, transpose_lhs_hint = false} : vector<1024x64xf32>, vector<64x128xf32>, vector<1024x128xf32> -> vector<1024x128xf32>
    %add3A_56 = arith.addf %add3A_46, %dot_general3A_55 : vector<1024x128xf32>
    %get3A_57 = arith.constant 0 : index
    %get3A_58 = arith.constant 0 : index
    %get3A_59 = vector.load %arg5[%get3A_57, %get3A_58] : memref<1x128xf32, #tpu.memory_space<vmem>>, vector<1x128xf32>
    %add3A_60 = vector.broadcast %get3A_59 : vector<1x128xf32> to vector<1024x128xf32>
    %add3A_61 = arith.addf %add3A_56, %add3A_60 : vector<1024x128xf32>
    %slice3A_62 = vector.extract_strided_slice %add3A_61 {offsets = [0, 0], sizes = [1024, 64], strides = [1, 1]} : vector<1024x128xf32> to vector<1024x64xf32>
    %swap3A = arith.constant 0 : index
    %swap3A_63 = arith.constant 0 : index
    %swap3A_64 = vector.load %arg6[%swap3A, %swap3A_63] : memref<1024x64xf32, #tpu.memory_space<vmem>>, vector<1024x64xf32>
    tpu.vector_store %arg6[%swap3A, %swap3A_63], %slice3A_62 {strides = array<i32>} : memref<1024x64xf32, #tpu.memory_space<vmem>>, vector<1024x64xf32>,
    %slice3A_65 = vector.extract_strided_slice %add3A_61 {offsets = [0, 64], sizes = [1024, 64], strides = [1, 1]} : vector<1024x128xf32> to vector<1024x64xf32>
    %swap3A_66 = arith.constant 0 : index
    %swap3A_67 = arith.constant 0 : index
    %swap3A_68 = vector.load %arg7[%swap3A_66, %swap3A_67] : memref<1024x64xf32, #tpu.memory_space<vmem>>, vector<1024x64xf32>
    tpu.vector_store %arg7[%swap3A_66, %swap3A_67], %slice3A_65 {strides = array<i32>} : memref<1024x64xf32, #tpu.memory_space<vmem>>, vector<1024x64xf32>,
    return
  }
  func.func @transform_0(%arg0: i32) -> (i32, i32, i32) {
    %c0_i32 = arith.constant 0 : i32
    %c0_i32_0 = arith.constant 0 : i32
    %c0_i32_1 = arith.constant 0 : i32
    return %c0_i32, %arg0, %c0_i32_0 : i32, i32, i32
  }
  func.func @transform_1(%arg0: i32) -> (i32, i32, i32) {
    %c0_i32 = arith.constant 0 : i32
    %c0_i32_0 = arith.constant 0 : i32
    %c0_i32_1 = arith.constant 0 : i32
    return %c0_i32, %arg0, %c0_i32_0 : i32, i32, i32
  }
  func.func @transform_2(%arg0: i32) -> (i32, i32) {
    %c0_i32 = arith.constant 0 : i32
    %c0_i32_0 = arith.constant 0 : i32
    %c0_i32_1 = arith.constant 0 : i32
    return %c0_i32, %c0_i32_0 : i32, i32
  }
  func.func @transform_3(%arg0: i32) -> (i32, i32, i32) {
    %c0_i32 = arith.constant 0 : i32
    %c0_i32_0 = arith.constant 0 : i32
    %c0_i32_1 = arith.constant 0 : i32
    %c0_i32_2 = arith.constant 0 : i32
    return %c0_i32, %c0_i32_0, %c0_i32_1 : i32, i32, i32
  }
  func.func @transform_4(%arg0: i32) -> (i32, i32) {
    %c0_i32 = arith.constant 0 : i32
    %c0_i32_0 = arith.constant 0 : i32
    %c0_i32_1 = arith.constant 0 : i32
    return %c0_i32, %c0_i32_0 : i32, i32
  }
  func.func @transform_5(%arg0: i32) -> (i32, i32) {
    %c0_i32 = arith.constant 0 : i32
    %c0_i32_0 = arith.constant 0 : i32
    return %arg0, %c0_i32 : i32, i32
  }
  func.func @transform_6(%arg0: i32) -> (i32, i32) {
    %c0_i32 = arith.constant 0 : i32
    %c0_i32_0 = arith.constant 0 : i32
    return %arg0, %c0_i32 : i32, i32
  }
}

module attributes {stable_mosaic.version = 14 : i64} {
  func.func @_fin_body(%arg0: i32, %arg1: memref<2x1024x64xf32, #tpu.memory_space<vmem>>, %arg2: memref<2x1024x16xf32, #tpu.memory_space<vmem>>, %arg3: memref<1x64xf32, #tpu.memory_space<vmem>>, %arg4: memref<1024x64xf32, #tpu.memory_space<vmem>>, %arg5: memref<64x32xf32, #tpu.memory_space<vmem>>, %arg6: memref<1x32xf32, #tpu.memory_space<vmem>>, %arg7: memref<32x8xf32, #tpu.memory_space<vmem>>, %arg8: memref<1x8xf32, #tpu.memory_space<vmem>>, %arg9: memref<1024x64xf32, #tpu.memory_space<vmem>>, %arg10: memref<1024x8xf32, #tpu.memory_space<vmem>>) attributes {dimension_semantics = [#tpu.dimension_semantics<arbitrary>], iteration_bounds = array<i64: 10>, scalar_prefetch = 0 : i64, scratch_operands = 0 : i64, tpu.core_type = #tpu.core_type<tc>, window_params = [{transform_indices = @transform_0, window_bounds = array<i64: 2, 1024, 64>}, {transform_indices = @transform_1, window_bounds = array<i64: 2, 1024, 16>}, {pipeline_mode = #tpu.pipeline_mode<synchronous>, transform_indices = @transform_2, window_bounds = array<i64: 1, 64>}, {transform_indices = @transform_3, window_bounds = array<i64: 1024, 64>}, {pipeline_mode = #tpu.pipeline_mode<synchronous>, transform_indices = @transform_4, window_bounds = array<i64: 64, 32>}, {pipeline_mode = #tpu.pipeline_mode<synchronous>, transform_indices = @transform_5, window_bounds = array<i64: 1, 32>}, {pipeline_mode = #tpu.pipeline_mode<synchronous>, transform_indices = @transform_6, window_bounds = array<i64: 32, 8>}, {pipeline_mode = #tpu.pipeline_mode<synchronous>, transform_indices = @transform_7, window_bounds = array<i64: 1, 8>}, {transform_indices = @transform_8, window_bounds = array<i64: 1024, 64>}, {transform_indices = @transform_9, window_bounds = array<i64: 1024, 8>}]} {
    %get3A = arith.constant 0 : index
    %get3A_0 = arith.constant 0 : index
    %get3A_1 = arith.constant 0 : index
    %get3A_2 = vector.load %arg1[%get3A, %get3A_0, %get3A_1] : memref<2x1024x64xf32, #tpu.memory_space<vmem>>, vector<1x1024x64xf32>
    %get3A_3 = vector.shape_cast %get3A_2 : vector<1x1024x64xf32> to vector<1024x64xf32>
    %get3A_4 = arith.constant 1 : index
    %get3A_5 = arith.constant 0 : index
    %get3A_6 = arith.constant 0 : index
    %get3A_7 = vector.load %arg1[%get3A_4, %get3A_5, %get3A_6] : memref<2x1024x64xf32, #tpu.memory_space<vmem>>, vector<1x1024x64xf32>
    %get3A_8 = vector.shape_cast %get3A_7 : vector<1x1024x64xf32> to vector<1024x64xf32>
    %add3A = arith.addf %get3A_3, %get3A_8 : vector<1024x64xf32>
    %get3A_9 = arith.constant 0 : index
    %get3A_10 = arith.constant 0 : index
    %get3A_11 = arith.constant 0 : index
    %get3A_12 = vector.load %arg2[%get3A_9, %get3A_10, %get3A_11] : memref<2x1024x16xf32, #tpu.memory_space<vmem>>, vector<1x1024x1xf32>
    %get3A_13 = vector.shape_cast %get3A_12 : vector<1x1024x1xf32> to vector<1024x1xf32>
    %get3A_14 = arith.constant 1 : index
    %get3A_15 = arith.constant 0 : index
    %get3A_16 = arith.constant 0 : index
    %get3A_17 = vector.load %arg2[%get3A_14, %get3A_15, %get3A_16] : memref<2x1024x16xf32, #tpu.memory_space<vmem>>, vector<1x1024x1xf32>
    %get3A_18 = vector.shape_cast %get3A_17 : vector<1x1024x1xf32> to vector<1024x1xf32>
    %add3A_19 = arith.addf %get3A_13, %get3A_18 : vector<1024x1xf32>
    %add3A_20 = arith.constant 1.000000e-16 : f32
    %add3A_21 = vector.broadcast %add3A_20 : f32 to vector<1024x1xf32>
    %add3A_22 = arith.addf %add3A_19, %add3A_21 : vector<1024x1xf32>
    %div3A = vector.broadcast %add3A_22 : vector<1024x1xf32> to vector<1024x64xf32>
    %div3A_23 = arith.divf %add3A, %div3A : vector<1024x64xf32>
    %get3A_24 = arith.constant 0 : index
    %get3A_25 = arith.constant 0 : index
    %get3A_26 = vector.load %arg3[%get3A_24, %get3A_25] : memref<1x64xf32, #tpu.memory_space<vmem>>, vector<1x64xf32>
    %add3A_27 = vector.broadcast %get3A_26 : vector<1x64xf32> to vector<1024x64xf32>
    %add3A_28 = arith.addf %div3A_23, %add3A_27 : vector<1024x64xf32>
    %get3A_29 = arith.constant 0 : index
    %get3A_30 = arith.constant 0 : index
    %get3A_31 = vector.load %arg4[%get3A_29, %get3A_30] : memref<1024x64xf32, #tpu.memory_space<vmem>>, vector<1024x64xf32>
    %add3A_32 = arith.addf %add3A_28, %get3A_31 : vector<1024x64xf32>
    %swap3A = arith.constant 0 : index
    %swap3A_33 = arith.constant 0 : index
    %swap3A_34 = vector.load %arg9[%swap3A, %swap3A_33] : memref<1024x64xf32, #tpu.memory_space<vmem>>, vector<1024x64xf32>
    tpu.vector_store %arg9[%swap3A, %swap3A_33], %add3A_32 {strides = array<i32>} : memref<1024x64xf32, #tpu.memory_space<vmem>>, vector<1024x64xf32>,
    %get3A_35 = arith.constant 0 : index
    %get3A_36 = arith.constant 0 : index
    %get3A_37 = vector.load %arg5[%get3A_35, %get3A_36] : memref<64x32xf32, #tpu.memory_space<vmem>>, vector<64x32xf32>
    %dot_general3A = arith.constant dense<0.000000e+00> : vector<1024x32xf32>
    %dot_general3A_38 = tpu.matmul %add3A_32, %get3A_37, %dot_general3A {dimension_numbers = #tpu.dot_dimension_numbers<[1], [0], [0], [1], [0, 0, 1, 1], [], []>, transpose_lhs_hint = false} : vector<1024x64xf32>, vector<64x32xf32>, vector<1024x32xf32> -> vector<1024x32xf32>
    %get3A_39 = arith.constant 0 : index
    %get3A_40 = arith.constant 0 : index
    %get3A_41 = vector.load %arg6[%get3A_39, %get3A_40] : memref<1x32xf32, #tpu.memory_space<vmem>>, vector<1x32xf32>
    %add3A_42 = vector.broadcast %get3A_41 : vector<1x32xf32> to vector<1024x32xf32>
    %add3A_43 = arith.addf %dot_general3A_38, %add3A_42 : vector<1024x32xf32>
    %mul3A = arith.constant 0.00999999977 : f32
    %mul3A_44 = vector.broadcast %mul3A : f32 to vector<1024x32xf32>
    %mul3A_45 = arith.mulf %mul3A_44, %add3A_43 : vector<1024x32xf32>
    %max3A = arith.maximumf %add3A_43, %mul3A_45 : vector<1024x32xf32>
    %get3A_46 = arith.constant 0 : index
    %get3A_47 = arith.constant 0 : index
    %get3A_48 = vector.load %arg7[%get3A_46, %get3A_47] : memref<32x8xf32, #tpu.memory_space<vmem>>, vector<32x8xf32>
    %dot_general3A_49 = arith.constant dense<0.000000e+00> : vector<1024x8xf32>
    %dot_general3A_50 = tpu.matmul %max3A, %get3A_48, %dot_general3A_49 {dimension_numbers = #tpu.dot_dimension_numbers<[1], [0], [0], [1], [0, 0, 1, 1], [], []>, transpose_lhs_hint = false} : vector<1024x32xf32>, vector<32x8xf32>, vector<1024x8xf32> -> vector<1024x8xf32>
    %get3A_51 = arith.constant 0 : index
    %get3A_52 = arith.constant 0 : index
    %get3A_53 = vector.load %arg8[%get3A_51, %get3A_52] : memref<1x8xf32, #tpu.memory_space<vmem>>, vector<1x8xf32>
    %add3A_54 = vector.broadcast %get3A_53 : vector<1x8xf32> to vector<1024x8xf32>
    %add3A_55 = arith.addf %dot_general3A_50, %add3A_54 : vector<1024x8xf32>
    %swap3A_56 = arith.constant 0 : index
    %swap3A_57 = arith.constant 0 : index
    %swap3A_58 = vector.load %arg10[%swap3A_56, %swap3A_57] : memref<1024x8xf32, #tpu.memory_space<vmem>>, vector<1024x8xf32>
    tpu.vector_store %arg10[%swap3A_56, %swap3A_57], %add3A_55 {strides = array<i32>} : memref<1024x8xf32, #tpu.memory_space<vmem>>, vector<1024x8xf32>,
    return
  }
  func.func @transform_0(%arg0: i32) -> (i32, i32, i32) {
    %c0_i32 = arith.constant 0 : i32
    %c0_i32_0 = arith.constant 0 : i32
    %c0_i32_1 = arith.constant 0 : i32
    return %c0_i32, %arg0, %c0_i32_0 : i32, i32, i32
  }
  func.func @transform_1(%arg0: i32) -> (i32, i32, i32) {
    %c0_i32 = arith.constant 0 : i32
    %c0_i32_0 = arith.constant 0 : i32
    %c0_i32_1 = arith.constant 0 : i32
    return %c0_i32, %arg0, %c0_i32_0 : i32, i32, i32
  }
  func.func @transform_2(%arg0: i32) -> (i32, i32) {
    %c0_i32 = arith.constant 0 : i32
    %c0_i32_0 = arith.constant 0 : i32
    %c0_i32_1 = arith.constant 0 : i32
    return %c0_i32, %c0_i32_0 : i32, i32
  }
  func.func @transform_3(%arg0: i32) -> (i32, i32) {
    %c0_i32 = arith.constant 0 : i32
    %c0_i32_0 = arith.constant 0 : i32
    return %arg0, %c0_i32 : i32, i32
  }
  func.func @transform_4(%arg0: i32) -> (i32, i32) {
    %c0_i32 = arith.constant 0 : i32
    %c0_i32_0 = arith.constant 0 : i32
    %c0_i32_1 = arith.constant 0 : i32
    return %c0_i32, %c0_i32_0 : i32, i32
  }
  func.func @transform_5(%arg0: i32) -> (i32, i32) {
    %c0_i32 = arith.constant 0 : i32
    %c0_i32_0 = arith.constant 0 : i32
    %c0_i32_1 = arith.constant 0 : i32
    return %c0_i32, %c0_i32_0 : i32, i32
  }
  func.func @transform_6(%arg0: i32) -> (i32, i32) {
    %c0_i32 = arith.constant 0 : i32
    %c0_i32_0 = arith.constant 0 : i32
    %c0_i32_1 = arith.constant 0 : i32
    return %c0_i32, %c0_i32_0 : i32, i32
  }
  func.func @transform_7(%arg0: i32) -> (i32, i32) {
    %c0_i32 = arith.constant 0 : i32
    %c0_i32_0 = arith.constant 0 : i32
    %c0_i32_1 = arith.constant 0 : i32
    return %c0_i32, %c0_i32_0 : i32, i32
  }
  func.func @transform_8(%arg0: i32) -> (i32, i32) {
    %c0_i32 = arith.constant 0 : i32
    %c0_i32_0 = arith.constant 0 : i32
    return %arg0, %c0_i32 : i32, i32
  }
  func.func @transform_9(%arg0: i32) -> (i32, i32) {
    %c0_i32 = arith.constant 0 : i32
    %c0_i32_0 = arith.constant 0 : i32
    return %arg0, %c0_i32 : i32, i32
  }
}

</mosaic_0001>

<sc_bundles>
// kernel: kernel.10.cloned.1.call-start
scs
__scs_entry_jumppad:
0x0: {  	(pc) =	sbr.rel $0x88, $3  }
0x1: {  	(tag) =	ssettag $0x0;
	lr =	simm.s32 $0x1  }
0x2: {  	[smem:$0x3F8D] =	sst lr;
	_ =	strace $0xD0000000  }
0x3: {  	_ = 	snop  }
0x4: {  	_ = 	snop  }
0x5: {  	_ = 	snop  }
0x6: {  	_ = 	snop  }
0x7: {  	_ = 	snop  }
__scs_overlays_trampoline_lowered:
0x8: {  	[smem:$0x3F9C] =	sst s0  }
0x9: {  	[smem:$0x3F9D] =	sst s1  }
0xa: {  	[smem:$0x3F9E] =	sst s2  }
0xb: {  	[smem:$0x3F9F] =	sst s3  }
0xc: {  	[smem:$0x3FA0] =	sst s4  }
0xd: {  	[smem:$0x3FA1] =	sst s5  }
0xe: {  	[smem:$0x3FA2] =	sst s6  }
0xf: {  	[smem:$0x3FA3] =	sst s7  }
0x10: {  	[smem:$0x3FA4] =	sst s8  }
0x11: {  	[smem:$0x3FA5] =	sst s9;
	s0 =	simm.s32 @!p0 $0x0  }
0x12: {  	s1 =	sld [smem:$0x3F8B];
	s0 =	simm.s32 @p0 $0x1  }
0x13: {  	[smem:$0x3FA6] =	sst s0;
	s0 =	simm.s32 @!p1 $0x0  }
0x14: {  	s2 =	sld [smem:$0x3F8A];
	s0 =	simm.s32 @p1 $0x1  }
0x15: {  	[smem:$0x3FA7] =	sst s0;
	s0 =	simm.s32 @!p2 $0x0  }
0x16: {  	s3 =	sld [smem:$0x3FDB];
	s0 =	simm.s32 @p2 $0x1  }
0x17: {  	s4 =	simm.s32 $0x1BF5;
	[smem:$0x3FA9] =	sst s0  }
0x18: {  	s0 =	sld [smem:$0x3F8C];
	_ =	swait.ge [sflag:s4], $0x0  }
0x19: {  	s7 =	sld [smem:$0x3F8D]  }
0x1a: {  	s8 =	sadd.s32 $0xFFFFE003, lr  }
0x1b: {  	s9 =	sadd.s32 $0xFFFFFEF7, lr;
	s5 =	simm.s32 $0xFFFFFFFF;
	p2 =	slt.u32 s8, $0xFFFFF086  }
0x1c: {  	p1 =	slt.u32 s9, $0xF7A;
	s5 =	simm.s32 @!p2 $0x0  }
0x1d: {  	s5 =	simm.s32 @p1 $0x1;
	p0 =	seq.s32 s7, s2  }
0x1e: {  	s7 =	smul.u32 @!p0 $0xF7A, s2;
	p2 =	seq.s32 @!p0 s5, $0x0  }
0x1f: {  	s9 =	smul.u32 $0xF7A, s1;
	s8 =	simm.s32 @!p0 $0x1BF5;
	p2 =	por !p2, p0  }
0x20: {  	[sflag:s8] =	ssyncset.s32 @!p0 $0xFFFFF086;
	s6 =	sadd.s32 @!p0 s3, s7;
	s7 =	simm.s32 @!p0 $0x108  }
0x21: {  	s3 =	sadd.s32 s3, s9;
	s6 =	sadd.s32 @!p0 $0x88, s6;
	s7 =	simm.s32 @p2 $0x1082  }
0x22: {  	[simem:s7], [sflag:s8] =	dma.local @!p0 [hbm:s6], $0xF7A  }
0x23: {  	s9 =	sor.u32 $0xD0000000, s2;
	s6 =	simm.s32 $0x108;
	_ =	swait.ge @!p0 [sflag:s8], $0x0  }
0x24: {  	s3 =	sadd.s32 $0x88, s3;
	s6 =	simm.s32 @!p1 $0x1082;
	[sflag:s4] =	ssyncset.s32 $0xFFFFF086  }
0x25: {  	[simem:s6], [sflag:s4] =	dma.local [hbm:s3], $0xF7A  }
0x26: {  	[smem:$0x3F8D] =	sst s1;
	(tag) =	ssettag s2;
	_ =	strace s9  }
0x27: {  	s1 =	sld [smem:$0x3F9D]  }
0x28: {  	s2 =	sld [smem:$0x3F9E]  }
0x29: {  	s4 =	sld [smem:$0x3FA0]  }
0x2a: {  	p0 =	seq.s32 s5, $0x0;
	s5 =	sld [smem:$0x3FA1]  }
0x2b: {  	s6 =	sld [smem:$0x3FA2]  }
0x2c: {  	s7 =	sld [smem:$0x3FA3]  }
0x2d: {  	s3 =	simm.s32 $0x108;
	s8 =	sld [smem:$0x3FA4]  }
0x2e: {  	s3 =	simm.s32 @!p0 $0x1082;
	s9 =	sld [smem:$0x3FA5]  }
0x2f: {  	lr =	sadd.s32 s0, s3;
	s0 =	sld [smem:$0x3F9C]  }
0x30: {  	s3 =	sld [smem:$0x3F9F]  }
0x31: {  	[smem:$0x3FA8] =	sst s10  }
0x32: {  	s10 =	sld [smem:$0x3FA6];
	_ =	sdelay $0x3  }
0x33: {  	p0 =	seq.s32 s10, $0x1;
	s10 =	sld [smem:$0x3FA8];
	_ =	sdelay $0x3  }
0x34: {  	[smem:$0x3FA8] =	sst s10  }
0x35: {  	s10 =	sld [smem:$0x3FA7];
	_ =	sdelay $0x3  }
0x36: {  	p1 =	seq.s32 s10, $0x1;
	s10 =	sld [smem:$0x3FA8];
	_ =	sdelay $0x3  }
0x37: {  	[smem:$0x3FA8] =	sst s10  }
0x38: {  	s10 =	sld [smem:$0x3FA9]  }
0x39: {  	_ = 	snop;
	(pc) =	sbr.ind lr, $3  }
0x3a: {  	_ = 	snop  }
0x3b: {  	_ = 	snop  }
0x3c: {  	p2 =	seq.s32 s10, $0x1;
	s10 =	sld [smem:$0x3FA8]  }
0x3d: {  	_ =	shalt  }
0x3e: {  	_ =	shalt  }
0x3f: {  	_ =	shalt  }
0x40: {  	_ =	shalt  }
0x41: {  	_ =	shalt  }
0x42: {  	_ =	shalt  }
0x43: {  	_ =	shalt  }
0x44: {  	_ =	shalt  }
0x45: {  	_ =	shalt  }
0x46: {  	_ =	shalt  }
0x47: {  	_ =	shalt  }
0x48: {  	_ =	shalt  }
0x49: {  	_ =	shalt  }
0x4a: {  	_ =	shalt  }
0x4b: {  	_ =	shalt  }
0x4c: {  	_ =	shalt  }
0x4d: {  	_ =	shalt  }
0x4e: {  	_ =	shalt  }
0x4f: {  	_ =	shalt  }
0x50: {  	_ =	shalt  }
0x51: {  	_ =	shalt  }
0x52: {  	_ =	shalt  }
0x53: {  	_ =	shalt  }
0x54: {  	_ =	shalt  }
0x55: {  	_ =	shalt  }
0x56: {  	_ =	shalt  }
0x57: {  	_ =	shalt  }
0x58: {  	_ =	shalt  }
0x59: {  	_ =	shalt  }
0x5a: {  	_ =	shalt  }
0x5b: {  	_ =	shalt  }
0x5c: {  	_ =	shalt  }
0x5d: {  	_ =	shalt  }
0x5e: {  	_ =	shalt  }
0x5f: {  	_ =	shalt  }
0x60: {  	_ =	shalt  }
0x61: {  	_ =	shalt  }
0x62: {  	_ =	shalt  }
0x63: {  	_ =	shalt  }
0x64: {  	_ =	shalt  }
0x65: {  	_ =	shalt  }
0x66: {  	_ =	shalt  }
0x67: {  	_ =	shalt  }
0x68: {  	_ =	shalt  }
0x69: {  	_ =	shalt  }
0x6a: {  	_ =	shalt  }
0x6b: {  	_ =	shalt  }
0x6c: {  	_ =	shalt  }
0x6d: {  	_ =	shalt  }
0x6e: {  	_ =	shalt  }
0x6f: {  	_ =	shalt  }
0x70: {  	_ =	shalt  }
0x71: {  	_ =	shalt  }
0x72: {  	_ =	shalt  }
0x73: {  	_ =	shalt  }
0x74: {  	_ =	shalt  }
0x75: {  	_ =	shalt  }
0x76: {  	_ =	shalt  }
0x77: {  	_ =	shalt  }
0x78: {  	_ =	shalt  }
0x79: {  	_ =	shalt  }
0x7a: {  	_ =	shalt  }
0x7b: {  	_ =	shalt  }
0x7c: {  	_ =	shalt  }
0x7d: {  	_ =	shalt  }
0x7e: {  	_ =	shalt  }
0x7f: {  	_ =	shalt  }
0x80: {  	_ =	shalt  }
0x81: {  	_ =	shalt  }
0x82: {  	_ =	shalt  }
0x83: {  	_ =	shalt  }
0x84: {  	_ =	shalt  }
0x85: {  	_ =	shalt  }
0x86: {  	_ =	shalt  }
0x87: {  	_ =	shalt  }
.Lfunc_end0:
.L_simem_size_0:
called_computation.1_lowered:
.L_overlay_start_0:
0x88: {  	s2 =	sld [smem:$0x3FD9]  }
0x89: {  	s3 =	sld [smem:$0x3FFE];
	_ =	sdelay $0x1  }
0x8a: {  	s1 =	srdreg.scid  }
0x8b: {  	s0 =	sand.u32 $0x1, s1  }
0x8c: {  	s14 =	sshll.u32 s0, $0xA;
	s2 =	sadd.s32 s3, s2  }
0x8d: {  	s2 =	sadd.s32 s2, s14  }
0x8e: {  	[smem:$0x3FB4] =	sst s2  }
0x8f: {  	_ = 	snop  }
0x90: {  	s2 =	sld [smem:$0x3FD0];
	_ =	sdelay $0x2  }
0x91: {  	s4 =	simm.s32 $0xA;
	s5 =	simm.s32 $0x10;
	s15 =	sld [smem:$0x3FBD]  }
0x92: {  	[smem:s5], [sflag:s4] =	dma.local [hbm:s2], $0x1  }
0x93: {  	_ =	swait.eq [sflag:s4], $0x1  }
0x94: {  	[sflag:s4] =	ssyncset.done $0x0  }
0x95: {  	[sflag:s4] =	ssyncadd.s32 $0xFFFFFFFF  }
0x96: {  	s16 =	sld [smem:$0x11];
	(tm) =	ssettm $0x1  }
0x97: {  	s17 =	sld [smem:$0x3FFB];
	_ =	sdelay $0x3  }
0x98: {  	_ =	strace s17  }
0x99: {  	s4 =	sld [smem:$0x3FFC];
	_ =	sdelay $0x3  }
0x9a: {  	_ =	strace s4  }
0x9b: {  	s4 =	sld [smem:$0x3FFD];
	_ =	sdelay $0x3  }
0x9c: {  	_ =	strace s4  }
0x9d: {  	_ =	strace $0x8FFFFFFF  }
0x9e: {  	s18 =	sld [smem:$0x3FDB];
	_ =	sdelay $0x1  }
0x9f: {  	s19 =	simm.s32 $_scs_section_size  }
0xa0: {  	s6 =	simm.s32 $_size__tile_overlayer_lowered;
	s7 =	simm.s32 $_tile_overlayer_lowered  }
0xa1: {  	s22 =	simm.s32 $0x1BFF;
	s21 =	sshll.u32 s7, $0x1;
	s4 =	sadd.s32 s19, s18  }
0xa2: {  	s8 =	simm.s32 $0x0;
	s20 =	sshll.u32 s6, $0x1;
	s6 =	sadd.s32 s21, s4  }
0xa3: {  	[timem:s8], [sflag:s22] =	dma.local [hbm:s6], s20  }
0xa4: {  	_ =	swait.ge [sflag:s22], s20  }
0xa5: {  	s5 =	ssub.s32 $0x0, s20;
	[sflag:s22] =	ssyncset.done $0x0  }
0xa6: {  	[sflag:s22] =	ssyncadd.s32 s5;
	_ =	sdelay $0x1  }
0xa7: {  	s23 =	simm.s32 $0x1B8B  }
0xa8: {  	_ =	swait.ge [sflag:s23], $0x1  }
0xa9: {  	[sflag:s23] =	ssyncset.done $0x0  }
0xaa: {  	s25 =	simm.s32 $0x1B8E;
	s24 =	sld [smem:$0x3FFE];
	[sflag:s23] =	ssyncadd.s32 $0xFFFFFFFF  }
0xab: {  	s26 =	simm.s32 $execute0_lowered;
	[smem:$0x3FD2] =	sst s25  }
0xac: {  	s6 =	sshll.u32 s26, $0x1;
	_ =	strace $0x80000049;
	[dreg:$0x1] =	wrdreg $0xFFFFFFFF  }
0xad: {  	s28 =	simm.s32 $_size_execute0_lowered;
	s4 =	sadd.s32 s4, s6;
	[dreg:$0x0] =	wrdreg $0x0  }
0xae: {  	s6 =	sshll.u32 s28, $0x1;
	[dreg:$0x2] =	wrdreg s4  }
0xaf: {  	[dreg:$0x3] =	wrdreg s6  }
0xb0: {  	[dreg:$0x4] =	wrdreg $0xC0  }
0xb1: {  	_ =	task [dreg:s8], $0x5FFFF  }
0xb2: {  	[dreg:$0x1] =	wrdreg $0xFFFFFFFF  }
0xb3: {  	[dreg:$0x0] =	wrdreg $0x60  }
0xb4: {  	[dreg:$0x2] =	wrdreg s24  }
0xb5: {  	[dreg:$0x3] =	wrdreg s16  }
0xb6: {  	[dreg:$0x4] =	wrdreg s15  }
0xb7: {  	[dreg:$0x5] =	wrdreg $0x0  }
0xb8: {  	[dreg:$0x6] =	wrdreg $0xA0000  }
0xb9: {  	[dreg:$0x7] =	wrdreg $0x9  }
0xba: {  	_ =	task.clear_ibuf [dreg:s8], $0x8FFFF;
	_ =	strace $0x90000049  }
0xbb: {  	s29 =	simm.s32 $0x9;
	_ =	strace $0x8000004B  }
0xbc: {  	_ =	swait.ge [sflag:s29], $0x1  }
0xbd: {  	[sflag:s29] =	ssyncadd.s32 $0xFFFFFFFF  }
0xbe: {  	_ =	strace $0x9000004B  }
0xbf: {  	_ =	sfence  }
0xc0: {  	s30 =	sld [smem:$0x0];
	_ =	sdelay $0x2  }
0xc1: {  	s31 =	sshll.u32 s1, $0xD;
	s1 =	sshrl.u32 s1, $0x2  }
0xc2: {  	s3 =	sand.u32 $0x4000, s31;
	s1 =	sadd.s32 s1, s30  }
0xc3: {  	s0 =	sor.u32 s3, s0;
	s1 =	sshll.u32 s1, $0x11  }
0xc4: {  	s0 =	sor.u32 s1, s0  }
0xc5: {  	s0 =	sadd.s32 $0x8F2B, s0  }
0xc6: {  	[sflag:s0] =	ssyncadd.remote.s32 $0x1  }
0xc7: {  	_ =	sfence.sel $0xFFFF  }
0xc8: {  	[dreg:$0x0] =	wrdreg $0xFFFFFFFF;
	(pc) =	sbr.abs _section_cstart, $3  }
0xc9: {  	[dreg:$0x1] =	wrdreg $0xFFFFFFFF  }
0xca: {  	_ =	task.clear_ibuf [dreg:s8], $0x2FFFF;
	_ =	strace $0x9FFFFFFF  }
0xcb: {  	(tm) =	ssettm $0x7FFFFFFF  }
tec
execute0_lowered:
.L_overlay_start_1:
0x0: {  	(tag) =	ssettag $0x1  }
0x1: {  	s0 =	rddreg [dreg:$0x0]  }
0x2: {  	s1 =	rddreg [dreg:$0x1]  }
0x3: {  	s4 =	rddreg [dreg:$0x3]  }
0x4: {  	s5 =	rddreg [dreg:$0x4];
	s2 =	simm.s32 $0x0;
	s16 =	stileid.u32  }
0x5: {  	s6 =	srdreg.scid;
	s28 =	simm.s32 $0xCDC0;
	s26 =	smul.u32 $0xA000, s16  }
0x6: {  	s29 =	simm.s32 $0xCC80;
	s30 =	simm.s32 $0xDDC0;
	s3 =	smul.u32 $0x2800, s16  }
0x7: {  	s31 =	simm.s32 $0xCD00;
	[smem:$0x7FF] =	sst s2;
	s10 =	smul.u32 $0x280, s16  }
0x8: {  	s6 =	sand.u32 $0x1, s6;
	s7 =	sadd.s32 $0x189600, s0;
	s8 =	sadd.s32 $0x175600, s0  }
0x9: {  	s9 =	sadd.s32 $0x2E00, s0;
	s21 =	sshll.u32 s16, $0x6;
	_ =	strace $0x8000004A  }
0xa: {  	s11 =	smul.u32 $0x2800, s6;
	s19 =	ssub.s32 $0x2, s6;
	s6 =	sshll.u32 s6, $0x4  }
0xb: {  	s12 =	sshrl.u32 s26, $0x3;
	s13 =	sshrl.u32 s3, $0x3;
	s15 =	sshrl.u32 s19, $0x1  }
0xc: {  	s6 =	sor.u32 s16, s6;
	s2 =	sadd.s32 s26, s4;
	s3 =	sadd.s32 s3, s5  }
0xd: {  	s16 =	simm.s32 $0xCD80;
	s10 =	sadd.s32 s10, s11;
	s17 =	sadd.s32 s12, s0  }
0xe: {  	s13 =	sadd.s32 s13, s0;
	s15 =	ssub.s32 s19, s15;
	s12 =	sor.u32 $0x1C05, s21  }
0xf: {  	s11 =	simm.s32 $0x10DC0;
	s19 =	simm.s32 $0x0;
	s18 =	sshll.u32 s10, $0x3  }
0x10: {  	s10 =	sshll.u32 s10, $0x1;
	s20 =	sadd.s32 $0x19D600, s17;
	s23 =	sadd.s32 $0x1B1600, s13  }
0x11: {  	s26 =	smax.u32 s15, $0x1;
	s17 =	sshrl.u32 s2, $0x3;
	[dreg:$0x7] =	wrdreg s12  }
0x12: {  	s2 =	simm.s32 $0xFDC0;
	s13 =	simm.s32 $0x11DC0;
	[dreg:$0x6] =	wrdreg s20  }
0x13: {  	s15 =	simm.s32 $0x4;
	s14 =	sadd.s32 s18, s0;
	[dreg:$0x8] =	wrdreg s23  }
0x14: {  	s0 =	sadd.s32 s10, s0;
	s10 =	smul.u32 $0x2A00, s6;
	[dreg:$0xd] =	wrdreg s26  }
0x15: {  	s20 =	simm.s32 $0x5;
	s18 =	sshrl.u32 s3, $0x3;
	s26 =	simm.s32 $0xCC40  }
0x16: {  	s3 =	simm.s32 $0xCD40;
	s23 =	simm.s32 $0x2;
	[dreg:$0xe] =	wrdreg s17  }
0x17: {  	s25 =	sadd.s32 $0x1B6600, s14;
	s0 =	sadd.s32 $0x1DE600, s0;
	[dreg:$0xf] =	wrdreg s18  }
0x18: {  	s14 =	simm.s32 $0x3;
	s22 =	sshrl.u32 s10, $0x3;
	[dreg:$0xb] =	wrdreg s25  }
0x19: {  	[dreg:$0xc] =	wrdreg s0;
	s25 =	simm.s32 $0x40;
	s24 =	sadd.s32 s1, s22  }
0x1a: {  	s0 =	simm.s32 $0xEDC0;
	s6 =	sadd.s32 s9, s22;
	[dreg:$0x9] =	wrdreg s24  }
0x1b: {  	vm0 =	vmmov $0x1;
	s22 =	simm.s32 $0x1;
	[dreg:$0xa] =	wrdreg s6;
	s24 =	simm.s32 $0xCCC0  }
.LBB2_1:
0x1c: {  	[dreg:$0x10] =	wrdreg s19  }
0x1d: {  	s6 =	rddreg [dreg:$0x6]  }
0x1e: {  	[spmem:s17], [sflag:s12] =	dma.local [hbm:s6], $0x1400  }
0x1f: {  	_ =	swait.ge [sflag:s20], $0x1400  }
0x20: {  	[sflag:s20] =	ssyncset.done $0x0  }
0x21: {  	s17 =	rddreg [dreg:$0x8];
	[sflag:s20] =	ssyncadd.s32 $0xFFFFEC00  }
0x22: {  	[spmem:s18], [sflag:s12] =	dma.local [hbm:s17], $0x500  }
0x23: {  	_ =	swait.ge [sflag:s20], $0x500  }
0x24: {  	[sflag:s20] =	ssyncset.done $0x0  }
0x25: {  	[sflag:s20] =	ssyncadd.s32 $0xFFFFFB00  }
0x26: {  	s21 =	simm.s32 $0xC800;
	s12 =	simm.s32 $0x0;
	s19 =	rddreg [dreg:$0x2]  }
0x27: {  	[tilespmem:s21], [sflag:$0x5] =	stream.linear.gather [hbm4b:s19+s12], $0x40, $0x38;
	[tilespmem:$0x121C0] =	vst v63  }
0x28: {  	_ =	swait.ge [sflag:s20], $0x40  }
0x29: {  	[sflag:s20] =	ssyncset.done $0x0  }
0x2a: {  	[sflag:s20] =	ssyncadd.s32 $0xFFFFFFC0  }
0x2b: {  	[bflag:$0x0] =	sbarrier.arrive $0xFFFF  }
0x2c: {  	v0 =	vld [tilespmem:$0xC800]  }
0x2d: {  	v1 =	vld [tilespmem:$0xC810]  }
0x2e: {  	s18 =	simm.s32 $0xC840;
	v2 =	vld [tilespmem:$0xC820];
	s17 =	rddreg [dreg:$0x9]  }
0x2f: {  	v3 =	vld [tilespmem:$0xC830];
	[tilespmem:s18], [sflag:$0x5] =	stream.linear.gather [hbm4b:s17+s12], $0x200, $0x38  }
0x30: {  	_ =	swait.ge [sflag:s20], $0x200  }
0x31: {  	[sflag:s20] =	ssyncset.done $0x0  }
0x32: {  	s21 =	simm.s32 $0xCA40;
	s19 =	rddreg [dreg:$0xa];
	[sflag:s20] =	ssyncadd.s32 $0xFFFFFE00  }
0x33: {  	[tilespmem:s21], [sflag:$0x5] =	stream.linear.gather [hbm4b:s19+s12], $0x200, $0x38;
	[tilespmem:$0x121C0] =	vst v63  }
0x34: {  	_ =	swait.ge [sflag:s20], $0x200  }
0x35: {  	[sflag:s20] =	ssyncset.done $0x0  }
0x36: {  	[sflag:s20] =	ssyncadd.s32 $0xFFFFFE00  }
0x37: {  	v4 =	vld [tilespmem:$0xC840]  }
0x38: {  	v5 =	vld [tilespmem:$0xCA40];
	_ =	sdelay $0x1  }
0x39: {  	v6 =	vld [tilespmem:$0xC850]  }
0x3a: {  	v7 =	vld [tilespmem:$0xCA50]  }
0x3b: {  	[tilespmem:$0xCC40] =	vst v4  }
0x3c: {  	v62 =	vld [tilespmem:$0xC870];
	[tilespmem:$0xCC80] =	vst v5  }
0x3d: {  	v63 =	vld [tilespmem:$0xCA70];
	[tilespmem:$0xCCC0] =	vst v5  }
0x3e: {  	[tilespmem:$0xCC50] =	vst v6  }
0x3f: {  	v4 =	vld [tilespmem:$0xC860];
	[tilespmem:$0xCC90] =	vst v7  }
0x40: {  	v5 =	vld [tilespmem:$0xCA60];
	[tilespmem:$0xCCD0] =	vst v7  }
0x41: {  	[tilespmem:$0xCC70] =	vst v62  }
0x42: {  	[tilespmem:$0xCCB0] =	vst v63  }
0x43: {  	[tilespmem:$0xCCF0] =	vst v63  }
0x44: {  	[tilespmem:$0xCC60] =	vst v4  }
0x45: {  	[tilespmem:$0xCCA0] =	vst v5  }
0x46: {  	[tilespmem:$0xCCE0] =	vst v5  }
0x47: {  	[tilespmem:s28], [sflag:$0x1] =	stream.indirect.gather [hbm4b:s7+s25], $0x40, s26, s25, $0xb8;
	[tilespmem:$0x121C0] =	vst v63  }
0x48: {  	s18 =	simm.s32 $0x0  }
0x49: {  	[tilespmem:s30], [sflag:$0x2] =	stream.indirect.gather [hbm4b:s8+s25], $0x40, s29, s25, $0xb8;
	[tilespmem:$0x121C0] =	vst v63  }
.LBB2_2:
0x4a: {  	s6 =	sshll.u32 s18, $0x7  }
0x4b: {  	s6 =	sand.u32 $0x180, s6  }
0x4c: {  	v4 =	vld [tilespmem:s6+$0xC880];
	_ =	sdelay $0x4  }
0x4d: {  	[tilespmem:$0xCD00] =	vst v4  }
0x4e: {  	v4 =	vld [tilespmem:s6+$0xCA80];
	_ =	sdelay $0x4  }
0x4f: {  	[tilespmem:$0xCD40] =	vst v4  }
0x50: {  	[tilespmem:$0xCD80] =	vst v4  }
0x51: {  	v4 =	vld [tilespmem:s6+$0xC890];
	_ =	sdelay $0x4  }
0x52: {  	[tilespmem:$0xCD10] =	vst v4  }
0x53: {  	v4 =	vld [tilespmem:s6+$0xCA90];
	_ =	sdelay $0x4  }
0x54: {  	[tilespmem:$0xCD50] =	vst v4  }
0x55: {  	[tilespmem:$0xCD90] =	vst v4  }
0x56: {  	v4 =	vld [tilespmem:s6+$0xC8A0];
	_ =	sdelay $0x4  }
0x57: {  	[tilespmem:$0xCD20] =	vst v4  }
0x58: {  	v4 =	vld [tilespmem:s6+$0xCAA0];
	_ =	sdelay $0x4  }
0x59: {  	[tilespmem:$0xCD60] =	vst v4  }
0x5a: {  	[tilespmem:$0xCDA0] =	vst v4  }
0x5b: {  	v4 =	vld [tilespmem:s6+$0xC8B0];
	_ =	sdelay $0x4  }
0x5c: {  	[tilespmem:$0xCD30] =	vst v4  }
0x5d: {  	v4 =	vld [tilespmem:s6+$0xCAB0];
	_ =	sdelay $0x4  }
0x5e: {  	[tilespmem:$0xCD70] =	vst v4  }
0x5f: {  	[tilespmem:$0xCDB0] =	vst v4  }
0x60: {  	[tilespmem:s0], [sflag:$0x3] =	stream.indirect.gather [hbm4b:s7+s25], $0x40, s31, s25, $0xb8;
	[tilespmem:$0x121C0] =	vst v63  }
0x61: {  	_ = 	snop  }
0x62: {  	[tilespmem:s2], [sflag:$0x4] =	stream.indirect.gather [hbm4b:s8+s25], $0x40, s3, s25, $0xb8;
	[tilespmem:$0x121C0] =	vst v63  }
0x63: {  	_ =	swait.ge [sflag:s22], $0x1000  }
0x64: {  	[sflag:s22] =	ssyncset.done $0x0  }
0x65: {  	[sflag:s22] =	ssyncadd.s32 $0xFFFFF000  }
0x66: {  	_ =	swait.ge [sflag:s23], $0x1000  }
0x67: {  	[sflag:s23] =	ssyncset.done $0x0  }
0x68: {  	s19 =	simm.s32 $0x0;
	[sflag:s23] =	ssyncadd.s32 $0xFFFFF000  }
0x69: {  	v4 =	vld [tilespmem:s19+$0xDDC0]  }
0x6a: {  	v5 =	vld [tilespmem:s19+$0xCDC0]  }
0x6b: {  	v6 =	vld [tilespmem:s19+$0xDDD0]  }
0x6c: {  	v7 =	vld [tilespmem:s19+$0xCDD0]  }
0x6d: {  	v8 =	vld [tilespmem:s19+$0xDDE0]  }
0x6e: {  	v9 =	vld [tilespmem:s19+$0xCDE0]  }
0x6f: {  	v10 =	vld [tilespmem:s19+$0xDDF0];
	v4 =	vadd.f32 v4, v5  }
0x70: {  	v11 =	vld [tilespmem:s19+$0xCDF0]  }
0x71: {  	v6 =	vadd.f32 v6, v7;
	v12 =	vmul.f32 $2.000000030e-01, v4;
	_ =	sdelay $0x1  }
0x72: {  	v8 =	vadd.f32 v8, v9;
	v61 =	vmul.f32 $2.000000030e-01, v6;
	v4 =	vmax.f32 v4, v12  }
0x73: {  	v4 =	vmul.f32 v4, v0  }
0x74: {  	v10 =	vadd.f32 v10, v11;
	v62 =	vmul.f32 $2.000000030e-01, v8;
	v6 =	vmax.f32 v6, v61  }
0x75: {  	v6 =	vmul.f32 v6, v1;
	v4 =	vadd.f32 $0.0e+00, v4  }
0x76: {  	v63 =	vmul.f32 $2.000000030e-01, v10;
	v8 =	vmax.f32 v8, v62  }
0x77: {  	v4 =	vadd.f32 v6, v4;
	v6 =	vmul.f32 v8, v2  }
0x78: {  	v8 =	vmax.f32 v10, v63  }
0x79: {  	v4 =	vadd.f32 v6, v4;
	v6 =	vmul.f32 v8, v3;
	_ =	sdelay $0x1  }
0x7a: {  	v4 =	vadd.f32 v6, v4;
	_ =	sdelay $0x1  }
0x7b: {  	(xrf2) =	vadd.scan.msk.f32 $0xffff, v4;
	_ =	sdelay $0x9  }
0x7c: {  	v4, _, _ =	vpop (xrf2)  }
0x7d: {  	v4 =	vmul.f32 $1.442695020e+00, v4;
	_ =	sdelay $0x1  }
0x7e: {  	v4 =	vbroadcast v4, $0xF;
	_ =	sdelay $0x1  }
0x7f: {  	(erf) = vpow2.f32 v4;
	_ =	sdelay $0x8  }
0x80: {  	v4 =	vpop (erf)  }
0x81: {  	v5 =	vmul.f32 v4, v5  }
0x82: {  	v6 =	vmul.f32 v4, v7  }
0x83: {  	[tilespmem:s19+$0x10DC0] =	vst v5;
	v5 =	vmul.f32 v4, v9  }
0x84: {  	[tilespmem:s19+$0x10DD0] =	vst v6;
	v6 =	vmul.f32 v4, v11  }
0x85: {  	[tilespmem:s19+$0x10DE0] =	vst v5  }
0x86: {  	s6 =	simm.s32 $0x11DC0;
	v4 =	vnsel vm0, $0x0, v4;
	[tilespmem:s19+$0x10DF0] =	vst v6  }
0x87: {  	s19 =	simm.s32 $0x40;
	[tilespmem:s6+$0x0] =	vst v4  }
0x88: {  	v8 =	vld [tilespmem:s19+$0xDDC0]  }
0x89: {  	v4 =	vld [tilespmem:s19+$0xCDC0]  }
0x8a: {  	v7 =	vld [tilespmem:s19+$0xDDD0]  }
0x8b: {  	v5 =	vld [tilespmem:s19+$0xCDD0]  }
0x8c: {  	s21 =	simm.s32 $0x200;
	v6 =	vld [tilespmem:s19+$0xDDE0]  }
.LBB2_3:
0x8d: {  	p0 =	sne.s32 s21, $0x3F00;
	v9 =	vld [tilespmem:s19+$0xCDE0]  }
0x8e: {  	v8 =	vadd.f32 v8, v4;
	v10 =	vld [tilespmem:s19+$0xDDF0]  }
0x8f: {  	v11 =	vld [tilespmem:s19+$0xCDF0]  }
0x90: {  	v12 =	vmul.f32 $2.000000030e-01, v8;
	v7 =	vadd.f32 v7, v5;
	_ =	sdelay $0x1  }
0x91: {  	v8 =	vmax.f32 v8, v12;
	v12 =	vmul.f32 $2.000000030e-01, v7;
	v6 =	vadd.f32 v6, v9  }
0x92: {  	v8 =	vmul.f32 v8, v0  }
0x93: {  	v7 =	vmax.f32 v7, v12;
	v12 =	vmul.f32 $2.000000030e-01, v6;
	v10 =	vadd.f32 v10, v11  }
0x94: {  	v8 =	vadd.f32 $0.0e+00, v8;
	v7 =	vmul.f32 v7, v1  }
0x95: {  	v6 =	vmax.f32 v6, v12;
	v12 =	vmul.f32 $2.000000030e-01, v10  }
0x96: {  	v7 =	vadd.f32 v7, v8;
	v6 =	vmul.f32 v6, v2  }
0x97: {  	v8 =	vmax.f32 v10, v12  }
0x98: {  	v6 =	vadd.f32 v6, v7;
	v7 =	vmul.f32 v8, v3;
	_ =	sdelay $0x1  }
0x99: {  	v6 =	vadd.f32 v7, v6;
	_ =	sdelay $0x1  }
0x9a: {  	(xrf2) =	vadd.scan.msk.f32 $0xffff, v6;
	_ =	sdelay $0x9  }
0x9b: {  	v6, _, _ =	vpop (xrf2)  }
0x9c: {  	v6 =	vmul.f32 $1.442695020e+00, v6;
	_ =	sdelay $0x1  }
0x9d: {  	v6 =	vbroadcast v6, $0xF;
	_ =	sdelay $0x1  }
0x9e: {  	(erf) = vpow2.f32 v6;
	_ =	sdelay $0x8  }
0x9f: {  	v6 =	vpop (erf)  }
0xa0: {  	v4 =	vmul.f32 v6, v4  }
0xa1: {  	v5 =	vmul.f32 v6, v5  }
0xa2: {  	[tilespmem:s19+$0x10DC0] =	vst v4;
	v4 =	vmul.f32 v6, v9  }
0xa3: {  	[tilespmem:s19+$0x10DD0] =	vst v5;
	v5 =	vmul.f32 v6, v11  }
0xa4: {  	[tilespmem:s19+$0x10DE0] =	vst v4  }
0xa5: {  	s6 =	sadd.s32 $0x10, s6;
	v4 =	vnsel vm0, $0x0, v6;
	[tilespmem:s19+$0x10DF0] =	vst v5  }
0xa6: {  	s19 =	sshra.s32 s21, $0x2;
	[tilespmem:s6+$0x0] =	vst v4  }
.Ltmp0:
0xa7: {  	v8 =	vld [tilespmem:s19+$0xDDC0];
	(pc) =	sbr.rel @p0 .LBB2_3-.Ltmp0, $4  }
0xa8: {  	v4 =	vld [tilespmem:s19+$0xCDC0]  }
0xa9: {  	v7 =	vld [tilespmem:s19+$0xDDD0]  }
0xaa: {  	v5 =	vld [tilespmem:s19+$0xCDD0]  }
0xab: {  	s21 =	sadd.s32 $0x100, s21;
	v6 =	vld [tilespmem:s19+$0xDDE0]  }
0xac: {  	v9 =	vld [tilespmem:s19+$0xCDE0]  }
0xad: {  	v10 =	vld [tilespmem:s19+$0xDDF0];
	v8 =	vadd.f32 v8, v4  }
0xae: {  	v11 =	vld [tilespmem:s19+$0xCDF0]  }
0xaf: {  	v12 =	vmul.f32 $2.000000030e-01, v8;
	v7 =	vadd.f32 v7, v5;
	_ =	sdelay $0x1  }
0xb0: {  	v8 =	vmax.f32 v8, v12;
	v57 =	vmul.f32 $2.000000030e-01, v7;
	v6 =	vadd.f32 v6, v9  }
0xb1: {  	v8 =	vmul.f32 v8, v0  }
0xb2: {  	v10 =	vadd.f32 v10, v11;
	v7 =	vmax.f32 v7, v57;
	v58 =	vmul.f32 $2.000000030e-01, v6  }
0xb3: {  	v8 =	vadd.f32 $0.0e+00, v8;
	v7 =	vmul.f32 v7, v1  }
0xb4: {  	v59 =	vmul.f32 $2.000000030e-01, v10;
	v6 =	vmax.f32 v6, v58  }
0xb5: {  	v7 =	vadd.f32 v7, v8;
	v6 =	vmul.f32 v6, v2  }
0xb6: {  	v8 =	vmax.f32 v10, v59  }
0xb7: {  	v6 =	vadd.f32 v6, v7;
	v7 =	vmul.f32 v8, v3;
	_ =	sdelay $0x1  }
0xb8: {  	v6 =	vadd.f32 v7, v6;
	_ =	sdelay $0x1  }
0xb9: {  	(xrf2) =	vadd.scan.msk.f32 $0xffff, v6;
	_ =	sdelay $0x9  }
0xba: {  	v6, _, _ =	vpop (xrf2)  }
0xbb: {  	v6 =	vmul.f32 $1.442695020e+00, v6;
	_ =	sdelay $0x1  }
0xbc: {  	v6 =	vbroadcast v6, $0xF;
	_ =	sdelay $0x1  }
0xbd: {  	(erf) = vpow2.f32 v6;
	_ =	sdelay $0x8  }
0xbe: {  	v6 =	vpop (erf)  }
0xbf: {  	v4 =	vmul.f32 v6, v4  }
0xc0: {  	v5 =	vmul.f32 v6, v5  }
0xc1: {  	[tilespmem:s19+$0x10DC0] =	vst v4;
	v4 =	vmul.f32 v6, v9  }
0xc2: {  	[tilespmem:s19+$0x10DD0] =	vst v5;
	v5 =	vmul.f32 v6, v11  }
0xc3: {  	[tilespmem:s19+$0x10DE0] =	vst v4  }
0xc4: {  	s6 =	sadd.s32 $0x10, s6;
	s17 =	sshll.u32 s18, $0x1;
	[tilespmem:s19+$0x10DF0] =	vst v5;
	v4 =	vnsel vm0, $0x0, v6  }
0xc5: {  	[tilespmem:s6+$0x0] =	vst v4;
	s6 =	sadd.s32 $0x2, s17  }
0xc6: {  	[spmem:s4] =	stream.indirect.scatter.add.f32 [tilespmem:s11], [sflag:$0x5], $0x40, s24, s25, $0xb8;
	[tilespmem:$0x121C0] =	vst v63  }
0xc7: {  	s19 =	sand.u32 $0x6, s6  }
0xc8: {  	_ =	swait.ge [sflag:s20], $0x1000;
	p0 =	sne.s32 s19, $0x0  }
0xc9: {  	[sflag:s20] =	ssyncset.done $0x0;
	s6 =	sshll.u32 @!p0 s6, $0x6  }
0xca: {  	[sflag:s20] =	ssyncadd.s32 $0xFFFFF000;
	s6 =	sadd.s32 @!p0 s10, s6  }
0xcb: {  	[spmem:s5] =	stream.indirect.scatter.add.f32 [tilespmem:s13], [sflag:$0x5], $0x10, s24, s25, $0xb8;
	[tilespmem:$0x121C0] =	vst v63  }
0xcc: {  	p1 =	seq.s32 @!p0 s6, $0x54000  }
0xcd: {  	s6 =	sshrl.u32 @!p0 s6, $0x3;
	_ =	swait.ge [sflag:s20], $0x400;
	p1 =	por !p1, p0  }
0xce: {  	s12 =	simm.s32 @!p0 $0x0;
	[sflag:s20] =	ssyncset.done $0x0;
	s6 =	simm.s32 @!p1 $0x0  }
0xcf: {  	s17 =	simm.s32 @!p0 $0xC840;
	[sflag:s20] =	ssyncadd.s32 $0xFFFFFC00;
	s21 =	sadd.s32 @!p0 s1, s6  }
0xd0: {  	[tilespmem:s17], [sflag:$0x5] =	stream.linear.gather @!p0 [hbm4b:s21+s12], $0x200, $0x38;
	[tilespmem:$0x121C0] =	vst v63  }
0xd1: {  	s17 =	simm.s32 @!p0 $0x5  }
0xd2: {  	_ =	swait.ge @!p0 [sflag:s17], $0x200  }
0xd3: {  	[sflag:s17] =	ssyncset.done @!p0 $0x0  }
0xd4: {  	s6 =	sadd.s32 @!p0 s9, s6;
	s21 =	simm.s32 @!p0 $0xCA40;
	[sflag:s17] =	ssyncadd.s32 @!p0 $0xFFFFFE00  }
0xd5: {  	[tilespmem:s21], [sflag:$0x5] =	stream.linear.gather @!p0 [hbm4b:s6+s12], $0x200, $0x38;
	[tilespmem:$0x121C0] =	vst v63  }
0xd6: {  	_ =	swait.ge @!p0 [sflag:s17], $0x200  }
0xd7: {  	[sflag:s17] =	ssyncset.done @!p0 $0x0  }
0xd8: {  	s19 =	sshll.u32 s19, $0x6;
	[sflag:s17] =	ssyncadd.s32 @!p0 $0xFFFFFE00  }
0xd9: {  	v4 =	vld [tilespmem:s19+$0xC840];
	_ =	sdelay $0x4  }
0xda: {  	[tilespmem:$0xCC40] =	vst v4  }
0xdb: {  	v4 =	vld [tilespmem:s19+$0xCA40];
	_ =	sdelay $0x4  }
0xdc: {  	[tilespmem:$0xCC80] =	vst v4  }
0xdd: {  	[tilespmem:$0xCCC0] =	vst v4  }
0xde: {  	v4 =	vld [tilespmem:s19+$0xC850];
	_ =	sdelay $0x4  }
0xdf: {  	[tilespmem:$0xCC50] =	vst v4  }
0xe0: {  	v4 =	vld [tilespmem:s19+$0xCA50];
	_ =	sdelay $0x4  }
0xe1: {  	[tilespmem:$0xCC90] =	vst v4  }
0xe2: {  	[tilespmem:$0xCCD0] =	vst v4  }
0xe3: {  	v4 =	vld [tilespmem:s19+$0xC860];
	_ =	sdelay $0x4  }
0xe4: {  	[tilespmem:$0xCC60] =	vst v4  }
0xe5: {  	v4 =	vld [tilespmem:s19+$0xCA60];
	_ =	sdelay $0x4  }
0xe6: {  	[tilespmem:$0xCCA0] =	vst v4  }
0xe7: {  	[tilespmem:$0xCCE0] =	vst v4  }
0xe8: {  	v4 =	vld [tilespmem:s19+$0xC870];
	_ =	sdelay $0x4  }
0xe9: {  	[tilespmem:$0xCC70] =	vst v4  }
0xea: {  	v4 =	vld [tilespmem:s19+$0xCA70];
	_ =	sdelay $0x4  }
0xeb: {  	[tilespmem:$0xCCB0] =	vst v4  }
0xec: {  	[tilespmem:$0xCCF0] =	vst v4  }
0xed: {  	[tilespmem:s28], [sflag:$0x1] =	stream.indirect.gather [hbm4b:s7+s25], $0x40, s26, s25, $0xb8;
	[tilespmem:$0x121C0] =	vst v63  }
0xee: {  	_ = 	snop  }
0xef: {  	[tilespmem:s30], [sflag:$0x2] =	stream.indirect.gather [hbm4b:s8+s25], $0x40, s29, s25, $0xb8;
	[tilespmem:$0x121C0] =	vst v63  }
0xf0: {  	_ =	swait.ge [sflag:s14], $0x1000  }
0xf1: {  	[sflag:s14] =	ssyncset.done $0x0  }
0xf2: {  	[sflag:s14] =	ssyncadd.s32 $0xFFFFF000  }
0xf3: {  	_ =	swait.ge [sflag:s15], $0x1000  }
0xf4: {  	[sflag:s15] =	ssyncset.done $0x0  }
0xf5: {  	s21 =	simm.s32 $0x0;
	[sflag:s15] =	ssyncadd.s32 $0xFFFFF000  }
0xf6: {  	v4 =	vld [tilespmem:s21+$0xFDC0]  }
0xf7: {  	v5 =	vld [tilespmem:s21+$0xEDC0]  }
0xf8: {  	v6 =	vld [tilespmem:s21+$0xFDD0]  }
0xf9: {  	v7 =	vld [tilespmem:s21+$0xEDD0]  }
0xfa: {  	v8 =	vld [tilespmem:s21+$0xFDE0]  }
0xfb: {  	v9 =	vld [tilespmem:s21+$0xEDE0]  }
0xfc: {  	v10 =	vld [tilespmem:s21+$0xFDF0];
	v4 =	vadd.f32 v4, v5  }
0xfd: {  	v11 =	vld [tilespmem:s21+$0xEDF0]  }
0xfe: {  	v6 =	vadd.f32 v6, v7;
	v60 =	vmul.f32 $2.000000030e-01, v4;
	_ =	sdelay $0x1  }
0xff: {  	v8 =	vadd.f32 v8, v9;
	v61 =	vmul.f32 $2.000000030e-01, v6;
	v4 =	vmax.f32 v4, v60  }
0x100: {  	v4 =	vmul.f32 v4, v0  }
0x101: {  	v10 =	vadd.f32 v10, v11;
	v62 =	vmul.f32 $2.000000030e-01, v8;
	v6 =	vmax.f32 v6, v61  }
0x102: {  	v6 =	vmul.f32 v6, v1;
	v4 =	vadd.f32 $0.0e+00, v4  }
0x103: {  	v63 =	vmul.f32 $2.000000030e-01, v10;
	v8 =	vmax.f32 v8, v62  }
0x104: {  	v4 =	vadd.f32 v6, v4;
	v6 =	vmul.f32 v8, v2  }
0x105: {  	v8 =	vmax.f32 v10, v63  }
0x106: {  	v4 =	vadd.f32 v6, v4;
	v6 =	vmul.f32 v8, v3;
	_ =	sdelay $0x1  }
0x107: {  	v4 =	vadd.f32 v6, v4;
	_ =	sdelay $0x1  }
0x108: {  	(xrf2) =	vadd.scan.msk.f32 $0xffff, v4;
	_ =	sdelay $0x9  }
0x109: {  	v4, _, _ =	vpop (xrf2)  }
0x10a: {  	v4 =	vmul.f32 $1.442695020e+00, v4;
	_ =	sdelay $0x1  }
0x10b: {  	v4 =	vbroadcast v4, $0xF;
	_ =	sdelay $0x1  }
0x10c: {  	(erf) = vpow2.f32 v4;
	_ =	sdelay $0x8  }
0x10d: {  	v4 =	vpop (erf)  }
0x10e: {  	v5 =	vmul.f32 v4, v5  }
0x10f: {  	v6 =	vmul.f32 v4, v7  }
0x110: {  	[tilespmem:s21+$0x10DC0] =	vst v5;
	v5 =	vmul.f32 v4, v9  }
0x111: {  	[tilespmem:s21+$0x10DD0] =	vst v6;
	v6 =	vmul.f32 v4, v11  }
0x112: {  	[tilespmem:s21+$0x10DE0] =	vst v5  }
0x113: {  	s6 =	simm.s32 $0x11DC0;
	v4 =	vnsel vm0, $0x0, v4;
	[tilespmem:s21+$0x10DF0] =	vst v6  }
0x114: {  	s19 =	simm.s32 $0x40;
	[tilespmem:s6+$0x0] =	vst v4  }
0x115: {  	v8 =	vld [tilespmem:s19+$0xFDC0]  }
0x116: {  	v4 =	vld [tilespmem:s19+$0xEDC0]  }
0x117: {  	v7 =	vld [tilespmem:s19+$0xFDD0]  }
0x118: {  	v5 =	vld [tilespmem:s19+$0xEDD0]  }
0x119: {  	s21 =	simm.s32 $0x200;
	v6 =	vld [tilespmem:s19+$0xFDE0]  }
.LBB2_5:
0x11a: {  	p0 =	sne.s32 s21, $0x3F00;
	v9 =	vld [tilespmem:s19+$0xEDE0]  }
0x11b: {  	v8 =	vadd.f32 v8, v4;
	v10 =	vld [tilespmem:s19+$0xFDF0]  }
0x11c: {  	v11 =	vld [tilespmem:s19+$0xEDF0]  }
0x11d: {  	v12 =	vmul.f32 $2.000000030e-01, v8;
	v7 =	vadd.f32 v7, v5;
	_ =	sdelay $0x1  }
0x11e: {  	v8 =	vmax.f32 v8, v12;
	v12 =	vmul.f32 $2.000000030e-01, v7;
	v6 =	vadd.f32 v6, v9  }
0x11f: {  	v8 =	vmul.f32 v8, v0  }
0x120: {  	v7 =	vmax.f32 v7, v12;
	v12 =	vmul.f32 $2.000000030e-01, v6;
	v10 =	vadd.f32 v10, v11  }
0x121: {  	v8 =	vadd.f32 $0.0e+00, v8;
	v7 =	vmul.f32 v7, v1  }
0x122: {  	v6 =	vmax.f32 v6, v12;
	v12 =	vmul.f32 $2.000000030e-01, v10  }
0x123: {  	v7 =	vadd.f32 v7, v8;
	v6 =	vmul.f32 v6, v2  }
0x124: {  	v8 =	vmax.f32 v10, v12  }
0x125: {  	v6 =	vadd.f32 v6, v7;
	v7 =	vmul.f32 v8, v3;
	_ =	sdelay $0x1  }
0x126: {  	v6 =	vadd.f32 v7, v6;
	_ =	sdelay $0x1  }
0x127: {  	(xrf2) =	vadd.scan.msk.f32 $0xffff, v6;
	_ =	sdelay $0x9  }
0x128: {  	v6, _, _ =	vpop (xrf2)  }
0x129: {  	v6 =	vmul.f32 $1.442695020e+00, v6;
	_ =	sdelay $0x1  }
0x12a: {  	v6 =	vbroadcast v6, $0xF;
	_ =	sdelay $0x1  }
0x12b: {  	(erf) = vpow2.f32 v6;
	_ =	sdelay $0x8  }
0x12c: {  	v6 =	vpop (erf)  }
0x12d: {  	v4 =	vmul.f32 v6, v4  }
0x12e: {  	v5 =	vmul.f32 v6, v5  }
0x12f: {  	[tilespmem:s19+$0x10DC0] =	vst v4;
	v4 =	vmul.f32 v6, v9  }
0x130: {  	[tilespmem:s19+$0x10DD0] =	vst v5;
	v5 =	vmul.f32 v6, v11  }
0x131: {  	[tilespmem:s19+$0x10DE0] =	vst v4  }
0x132: {  	s6 =	sadd.s32 $0x10, s6;
	v4 =	vnsel vm0, $0x0, v6;
	[tilespmem:s19+$0x10DF0] =	vst v5  }
0x133: {  	s19 =	sshra.s32 s21, $0x2;
	[tilespmem:s6+$0x0] =	vst v4  }
.Ltmp1:
0x134: {  	v8 =	vld [tilespmem:s19+$0xFDC0];
	(pc) =	sbr.rel @p0 .LBB2_5-.Ltmp1, $4  }
0x135: {  	v4 =	vld [tilespmem:s19+$0xEDC0]  }
0x136: {  	v7 =	vld [tilespmem:s19+$0xFDD0]  }
0x137: {  	v5 =	vld [tilespmem:s19+$0xEDD0]  }
0x138: {  	s21 =	sadd.s32 $0x100, s21;
	v6 =	vld [tilespmem:s19+$0xFDE0]  }
0x139: {  	v9 =	vld [tilespmem:s19+$0xEDE0]  }
0x13a: {  	v10 =	vld [tilespmem:s19+$0xFDF0];
	v8 =	vadd.f32 v8, v4  }
0x13b: {  	v11 =	vld [tilespmem:s19+$0xEDF0]  }
0x13c: {  	v12 =	vmul.f32 $2.000000030e-01, v8;
	v7 =	vadd.f32 v7, v5;
	_ =	sdelay $0x1  }
0x13d: {  	v8 =	vmax.f32 v8, v12;
	v59 =	vmul.f32 $2.000000030e-01, v7;
	v6 =	vadd.f32 v6, v9  }
0x13e: {  	v8 =	vmul.f32 v8, v0  }
0x13f: {  	v10 =	vadd.f32 v10, v11;
	v7 =	vmax.f32 v7, v59;
	v60 =	vmul.f32 $2.000000030e-01, v6  }
0x140: {  	v8 =	vadd.f32 $0.0e+00, v8;
	v7 =	vmul.f32 v7, v1  }
0x141: {  	v61 =	vmul.f32 $2.000000030e-01, v10;
	v6 =	vmax.f32 v6, v60  }
0x142: {  	v7 =	vadd.f32 v7, v8;
	v6 =	vmul.f32 v6, v2  }
0x143: {  	v62 =	vmax.f32 v10, v61  }
0x144: {  	v63 =	vmul.f32 v62, v3;
	v6 =	vadd.f32 v6, v7;
	_ =	sdelay $0x1  }
0x145: {  	v6 =	vadd.f32 v63, v6;
	_ =	sdelay $0x1  }
0x146: {  	(xrf2) =	vadd.scan.msk.f32 $0xffff, v6;
	_ =	sdelay $0x9  }
0x147: {  	v6, _, _ =	vpop (xrf2)  }
0x148: {  	v6 =	vmul.f32 $1.442695020e+00, v6;
	_ =	sdelay $0x1  }
0x149: {  	v6 =	vbroadcast v6, $0xF;
	_ =	sdelay $0x1  }
0x14a: {  	(erf) = vpow2.f32 v6;
	_ =	sdelay $0x8  }
0x14b: {  	v6 =	vpop (erf)  }
0x14c: {  	v4 =	vmul.f32 v6, v4  }
0x14d: {  	v5 =	vmul.f32 v6, v5  }
0x14e: {  	[tilespmem:s19+$0x10DC0] =	vst v4;
	v4 =	vmul.f32 v6, v9  }
0x14f: {  	[tilespmem:s19+$0x10DD0] =	vst v5;
	v5 =	vmul.f32 v6, v11  }
0x150: {  	[tilespmem:s19+$0x10DE0] =	vst v4  }
0x151: {  	s6 =	sadd.s32 $0x10, s6;
	[tilespmem:s19+$0x10DF0] =	vst v5;
	v4 =	vnsel vm0, $0x0, v6  }
0x152: {  	[tilespmem:s6+$0x0] =	vst v4  }
0x153: {  	[spmem:s4] =	stream.indirect.scatter.add.f32 [tilespmem:s11], [sflag:$0x5], $0x40, s16, s25, $0xb8;
	[tilespmem:$0x121C0] =	vst v63  }
0x154: {  	s18 =	sadd.s32 $0x1, s18;
	_ =	swait.ge [sflag:s20], $0x1000  }
0x155: {  	p0 =	sne.s32 s18, $0x54;
	[sflag:s20] =	ssyncset.done $0x0  }
.Ltmp2:
0x156: {  	[sflag:s20] =	ssyncadd.s32 $0xFFFFF000;
	(pc) =	sbr.rel @p0 .LBB2_2-.Ltmp2, $4  }
0x157: {  	[spmem:s5] =	stream.indirect.scatter.add.f32 [tilespmem:s13], [sflag:$0x5], $0x10, s16, s25, $0xb8;
	[tilespmem:$0x121C0] =	vst v63  }
0x158: {  	_ =	swait.ge [sflag:s20], $0x400  }
0x159: {  	[sflag:s20] =	ssyncset.done $0x0  }
0x15a: {  	[sflag:s20] =	ssyncadd.s32 $0xFFFFFC00  }
0x15b: {  	_ =	swait.ge [sflag:s22], $0x1000  }
0x15c: {  	[sflag:s22] =	ssyncset.done $0x0  }
0x15d: {  	[sflag:s22] =	ssyncadd.s32 $0xFFFFF000  }
0x15e: {  	_ =	swait.ge [sflag:s23], $0x1000  }
0x15f: {  	[sflag:s23] =	ssyncset.done $0x0  }
0x160: {  	[sflag:s23] =	ssyncadd.s32 $0xFFFFF000  }
0x161: {  	[bflag:$0x0] =	sbarrier.arrive $0xFFFF  }
0x162: {  	s12 =	rddreg [dreg:$0x7]  }
0x163: {  	s6 =	rddreg [dreg:$0xb]  }
0x164: {  	s17 =	rddreg [dreg:$0xe]  }
0x165: {  	[hbm:s6], [sflag:s12] =	dma.local [spmem:s17], $0x1400  }
0x166: {  	_ =	swait.ge [sflag:s20], $0x1400  }
0x167: {  	[sflag:s20] =	ssyncset.done $0x0;
	s19 =	rddreg [dreg:$0xc]  }
0x168: {  	s18 =	rddreg [dreg:$0xf];
	[sflag:s20] =	ssyncadd.s32 $0xFFFFEC00  }
0x169: {  	[hbm:s19], [sflag:s12] =	dma.local [spmem:s18], $0x500  }
0x16a: {  	_ =	swait.ge [sflag:s20], $0x500  }
0x16b: {  	s19 =	rddreg [dreg:$0x10]  }
0x16c: {  	s21 =	rddreg [dreg:$0xd];
	s19 =	sadd.s32 $0x1, s19  }
0x16d: {  	p0 =	sne.s32 s19, s21  }
.Ltmp3:
0x16e: {  	_ = 	snop;
	(pc) =	sbr.rel @p0 .LBB2_1-.Ltmp3, $3  }
0x16f: {  	_ =	sdelay $0x1  }
0x170: {  	[sflag:s20] =	ssyncset.done $0x0  }
0x171: {  	[sflag:s20] =	ssyncadd.s32 $0xFFFFFB00  }
0x172: {  	_ =	sfence.sel $0x180000  }
0x173: {  	[bflag:$0x0] =	sbarrier.arrive $0xFFFF  }
0x174: {  	_ =	strace $0x9000004A  }
0x175: {  	s0 =	stileid.u32;
	[bflag:$0x2] =	sbarrier.arrive $0xFFFF  }
0x176: {  	p0 =	sne.s32 s0, $0x0;
	s0 =	rddreg [dreg:$0x5]  }
0x177: {  	s0 =	sadd.s32 @!p0 $0x100000, s0  }
0x178: {  	[sflag:s0] =	ssyncadd.tile.s32 @!p0 $0x1;
	_ =	shalt  }
.Lfunc_end2:
_tile_overlayer_lowered:
.L_overlay_start_2:
0x179: {  	(tag) =	ssettag $0x2  }
0x17a: {  	s0 =	rddreg [dreg:$0x0];
	s2 =	stileid.u32  }
0x17b: {  	s1 =	rddreg [dreg:$0x1];
	p0 =	sne.s32 s2, $0x0  }
0x17c: {  	s3 =	rddreg [dreg:$0x2];
	[bflag:$0x3] =	sbarrier.arrive $0xFFFF;
	s2 =	simm.s32 @!p0 $0x1C05  }
0x17d: {  	[timem:s3], [sflag:s2] =	dma.local @!p0 [hbm:s0], s1  }
0x17e: {  	s0 =	simm.s32 @!p0 $0x5  }
0x17f: {  	_ =	swait.ge @!p0 [sflag:s0], s1  }
0x180: {  	s1 =	ssub.s32 @!p0 $0x0, s1;
	[sflag:s0] =	ssyncset.done @!p0 $0x0  }
0x181: {  	[sflag:s0] =	ssyncadd.s32 @!p0 s1  }
0x182: {  	[bflag:$0x3] =	sbarrier.arrive $0xFFFF  }
0x183: {  	_ =	shalt  }

// kernel: kernel.7.cloned.1.call-start
scs
__scs_entry_jumppad:
0x0: {  	(pc) =	sbr.rel $0x88, $3  }
0x1: {  	(tag) =	ssettag $0x0;
	lr =	simm.s32 $0x1  }
0x2: {  	[smem:$0x3F8D] =	sst lr;
	_ =	strace $0xD0000000  }
0x3: {  	_ = 	snop  }
0x4: {  	_ = 	snop  }
0x5: {  	_ = 	snop  }
0x6: {  	_ = 	snop  }
0x7: {  	_ = 	snop  }
__scs_overlays_trampoline_lowered:
0x8: {  	[smem:$0x3F9C] =	sst s0  }
0x9: {  	[smem:$0x3F9D] =	sst s1  }
0xa: {  	[smem:$0x3F9E] =	sst s2  }
0xb: {  	[smem:$0x3F9F] =	sst s3  }
0xc: {  	[smem:$0x3FA0] =	sst s4  }
0xd: {  	[smem:$0x3FA1] =	sst s5  }
0xe: {  	[smem:$0x3FA2] =	sst s6  }
0xf: {  	[smem:$0x3FA3] =	sst s7  }
0x10: {  	[smem:$0x3FA4] =	sst s8  }
0x11: {  	[smem:$0x3FA5] =	sst s9;
	s0 =	simm.s32 @!p0 $0x0  }
0x12: {  	s1 =	sld [smem:$0x3F8B];
	s0 =	simm.s32 @p0 $0x1  }
0x13: {  	[smem:$0x3FA6] =	sst s0;
	s0 =	simm.s32 @!p1 $0x0  }
0x14: {  	s2 =	sld [smem:$0x3F8A];
	s0 =	simm.s32 @p1 $0x1  }
0x15: {  	[smem:$0x3FA7] =	sst s0;
	s0 =	simm.s32 @!p2 $0x0  }
0x16: {  	s3 =	sld [smem:$0x3FDB];
	s0 =	simm.s32 @p2 $0x1  }
0x17: {  	s4 =	simm.s32 $0x1BF5;
	[smem:$0x3FA9] =	sst s0  }
0x18: {  	s0 =	sld [smem:$0x3F8C];
	_ =	swait.ge [sflag:s4], $0x0  }
0x19: {  	s7 =	sld [smem:$0x3F8D]  }
0x1a: {  	s8 =	sadd.s32 $0xFFFFE003, lr  }
0x1b: {  	s9 =	sadd.s32 $0xFFFFFEF7, lr;
	s5 =	simm.s32 $0xFFFFFFFF;
	p2 =	slt.u32 s8, $0xFFFFF086  }
0x1c: {  	p1 =	slt.u32 s9, $0xF7A;
	s5 =	simm.s32 @!p2 $0x0  }
0x1d: {  	s5 =	simm.s32 @p1 $0x1;
	p0 =	seq.s32 s7, s2  }
0x1e: {  	s7 =	smul.u32 @!p0 $0xF7A, s2;
	p2 =	seq.s32 @!p0 s5, $0x0  }
0x1f: {  	s9 =	smul.u32 $0xF7A, s1;
	s8 =	simm.s32 @!p0 $0x1BF5;
	p2 =	por !p2, p0  }
0x20: {  	[sflag:s8] =	ssyncset.s32 @!p0 $0xFFFFF086;
	s6 =	sadd.s32 @!p0 s3, s7;
	s7 =	simm.s32 @!p0 $0x108  }
0x21: {  	s3 =	sadd.s32 s3, s9;
	s6 =	sadd.s32 @!p0 $0x88, s6;
	s7 =	simm.s32 @p2 $0x1082  }
0x22: {  	[simem:s7], [sflag:s8] =	dma.local @!p0 [hbm:s6], $0xF7A  }
0x23: {  	s9 =	sor.u32 $0xD0000000, s2;
	s6 =	simm.s32 $0x108;
	_ =	swait.ge @!p0 [sflag:s8], $0x0  }
0x24: {  	s3 =	sadd.s32 $0x88, s3;
	s6 =	simm.s32 @!p1 $0x1082;
	[sflag:s4] =	ssyncset.s32 $0xFFFFF086  }
0x25: {  	[simem:s6], [sflag:s4] =	dma.local [hbm:s3], $0xF7A  }
0x26: {  	[smem:$0x3F8D] =	sst s1;
	(tag) =	ssettag s2;
	_ =	strace s9  }
0x27: {  	s1 =	sld [smem:$0x3F9D]  }
0x28: {  	s2 =	sld [smem:$0x3F9E]  }
0x29: {  	s4 =	sld [smem:$0x3FA0]  }
0x2a: {  	p0 =	seq.s32 s5, $0x0;
	s5 =	sld [smem:$0x3FA1]  }
0x2b: {  	s6 =	sld [smem:$0x3FA2]  }
0x2c: {  	s7 =	sld [smem:$0x3FA3]  }
0x2d: {  	s3 =	simm.s32 $0x108;
	s8 =	sld [smem:$0x3FA4]  }
0x2e: {  	s3 =	simm.s32 @!p0 $0x1082;
	s9 =	sld [smem:$0x3FA5]  }
0x2f: {  	lr =	sadd.s32 s0, s3;
	s0 =	sld [smem:$0x3F9C]  }
0x30: {  	s3 =	sld [smem:$0x3F9F]  }
0x31: {  	[smem:$0x3FA8] =	sst s10  }
0x32: {  	s10 =	sld [smem:$0x3FA6];
	_ =	sdelay $0x3  }
0x33: {  	p0 =	seq.s32 s10, $0x1;
	s10 =	sld [smem:$0x3FA8];
	_ =	sdelay $0x3  }
0x34: {  	[smem:$0x3FA8] =	sst s10  }
0x35: {  	s10 =	sld [smem:$0x3FA7];
	_ =	sdelay $0x3  }
0x36: {  	p1 =	seq.s32 s10, $0x1;
	s10 =	sld [smem:$0x3FA8];
	_ =	sdelay $0x3  }
0x37: {  	[smem:$0x3FA8] =	sst s10  }
0x38: {  	s10 =	sld [smem:$0x3FA9]  }
0x39: {  	_ = 	snop;
	(pc) =	sbr.ind lr, $3  }
0x3a: {  	_ = 	snop  }
0x3b: {  	_ = 	snop  }
0x3c: {  	p2 =	seq.s32 s10, $0x1;
	s10 =	sld [smem:$0x3FA8]  }
0x3d: {  	_ =	shalt  }
0x3e: {  	_ =	shalt  }
0x3f: {  	_ =	shalt  }
0x40: {  	_ =	shalt  }
0x41: {  	_ =	shalt  }
0x42: {  	_ =	shalt  }
0x43: {  	_ =	shalt  }
0x44: {  	_ =	shalt  }
0x45: {  	_ =	shalt  }
0x46: {  	_ =	shalt  }
0x47: {  	_ =	shalt  }
0x48: {  	_ =	shalt  }
0x49: {  	_ =	shalt  }
0x4a: {  	_ =	shalt  }
0x4b: {  	_ =	shalt  }
0x4c: {  	_ =	shalt  }
0x4d: {  	_ =	shalt  }
0x4e: {  	_ =	shalt  }
0x4f: {  	_ =	shalt  }
0x50: {  	_ =	shalt  }
0x51: {  	_ =	shalt  }
0x52: {  	_ =	shalt  }
0x53: {  	_ =	shalt  }
0x54: {  	_ =	shalt  }
0x55: {  	_ =	shalt  }
0x56: {  	_ =	shalt  }
0x57: {  	_ =	shalt  }
0x58: {  	_ =	shalt  }
0x59: {  	_ =	shalt  }
0x5a: {  	_ =	shalt  }
0x5b: {  	_ =	shalt  }
0x5c: {  	_ =	shalt  }
0x5d: {  	_ =	shalt  }
0x5e: {  	_ =	shalt  }
0x5f: {  	_ =	shalt  }
0x60: {  	_ =	shalt  }
0x61: {  	_ =	shalt  }
0x62: {  	_ =	shalt  }
0x63: {  	_ =	shalt  }
0x64: {  	_ =	shalt  }
0x65: {  	_ =	shalt  }
0x66: {  	_ =	shalt  }
0x67: {  	_ =	shalt  }
0x68: {  	_ =	shalt  }
0x69: {  	_ =	shalt  }
0x6a: {  	_ =	shalt  }
0x6b: {  	_ =	shalt  }
0x6c: {  	_ =	shalt  }
0x6d: {  	_ =	shalt  }
0x6e: {  	_ =	shalt  }
0x6f: {  	_ =	shalt  }
0x70: {  	_ =	shalt  }
0x71: {  	_ =	shalt  }
0x72: {  	_ =	shalt  }
0x73: {  	_ =	shalt  }
0x74: {  	_ =	shalt  }
0x75: {  	_ =	shalt  }
0x76: {  	_ =	shalt  }
0x77: {  	_ =	shalt  }
0x78: {  	_ =	shalt  }
0x79: {  	_ =	shalt  }
0x7a: {  	_ =	shalt  }
0x7b: {  	_ =	shalt  }
0x7c: {  	_ =	shalt  }
0x7d: {  	_ =	shalt  }
0x7e: {  	_ =	shalt  }
0x7f: {  	_ =	shalt  }
0x80: {  	_ =	shalt  }
0x81: {  	_ =	shalt  }
0x82: {  	_ =	shalt  }
0x83: {  	_ =	shalt  }
0x84: {  	_ =	shalt  }
0x85: {  	_ =	shalt  }
0x86: {  	_ =	shalt  }
0x87: {  	_ =	shalt  }
.Lfunc_end0:
.L_simem_size_0:
called_computation_lowered:
.L_overlay_start_0:
0x88: {  	s2 =	sld [smem:$0x3FD9]  }
0x89: {  	s3 =	sld [smem:$0x3FFE];
	_ =	sdelay $0x1  }
0x8a: {  	s1 =	srdreg.scid  }
0x8b: {  	s0 =	sand.u32 $0x1, s1  }
0x8c: {  	s14 =	sshll.u32 s0, $0xA;
	s2 =	sadd.s32 s3, s2  }
0x8d: {  	s2 =	sadd.s32 s2, s14  }
0x8e: {  	[smem:$0x3FB4] =	sst s2  }
0x8f: {  	_ = 	snop  }
0x90: {  	s2 =	sld [smem:$0x3FD0];
	_ =	sdelay $0x2  }
0x91: {  	s15 =	simm.s32 $0xA;
	s4 =	simm.s32 $0x10  }
0x92: {  	[smem:s4], [sflag:s15] =	dma.local [hbm:s2], $0x1  }
0x93: {  	_ =	swait.eq [sflag:s15], $0x1  }
0x94: {  	[sflag:s15] =	ssyncset.done $0x0  }
0x95: {  	s16 =	sld [smem:$0x10];
	[sflag:s15] =	ssyncadd.s32 $0xFFFFFFFF  }
0x96: {  	s17 =	sld [smem:$0x11];
	(tm) =	ssettm $0x1  }
0x97: {  	s18 =	sld [smem:$0x3FFB];
	_ =	sdelay $0x3  }
0x98: {  	_ =	strace s18  }
0x99: {  	s4 =	sld [smem:$0x3FFC];
	_ =	sdelay $0x3  }
0x9a: {  	_ =	strace s4  }
0x9b: {  	s4 =	sld [smem:$0x3FFD];
	_ =	sdelay $0x3  }
0x9c: {  	_ =	strace s4  }
0x9d: {  	_ =	strace $0x8FFFFFFF  }
0x9e: {  	s19 =	sld [smem:$0x3FDB];
	_ =	sdelay $0x1  }
0x9f: {  	s5 =	simm.s32 $_scs_section_size  }
0xa0: {  	s6 =	simm.s32 $_size__tile_overlayer_lowered;
	s7 =	simm.s32 $_tile_overlayer_lowered  }
0xa1: {  	s22 =	simm.s32 $0x1BFF;
	s21 =	sshll.u32 s7, $0x1;
	s4 =	sadd.s32 s5, s19  }
0xa2: {  	s8 =	simm.s32 $0x0;
	s20 =	sshll.u32 s6, $0x1;
	s6 =	sadd.s32 s21, s4  }
0xa3: {  	[timem:s8], [sflag:s22] =	dma.local [hbm:s6], s20  }
0xa4: {  	_ =	swait.ge [sflag:s22], s20  }
0xa5: {  	s5 =	ssub.s32 $0x0, s20;
	[sflag:s22] =	ssyncset.done $0x0  }
0xa6: {  	[sflag:s22] =	ssyncadd.s32 s5;
	_ =	sdelay $0x1  }
0xa7: {  	s23 =	simm.s32 $0x1B8B  }
0xa8: {  	_ =	swait.ge [sflag:s23], $0x1  }
0xa9: {  	[sflag:s23] =	ssyncset.done $0x0  }
0xaa: {  	s25 =	simm.s32 $0x1B8E;
	s24 =	sld [smem:$0x3FFE];
	[sflag:s23] =	ssyncadd.s32 $0xFFFFFFFF  }
0xab: {  	s26 =	simm.s32 $execute0_lowered;
	[smem:$0x3FD2] =	sst s25  }
0xac: {  	s6 =	sshll.u32 s26, $0x1;
	_ =	strace $0x80000046;
	[dreg:$0x1] =	wrdreg $0xFFFFFFFF  }
0xad: {  	s28 =	simm.s32 $_size_execute0_lowered;
	s4 =	sadd.s32 s4, s6;
	[dreg:$0x0] =	wrdreg $0x0  }
0xae: {  	s6 =	sshll.u32 s28, $0x1;
	[dreg:$0x2] =	wrdreg s4  }
0xaf: {  	[dreg:$0x3] =	wrdreg s6  }
0xb0: {  	[dreg:$0x4] =	wrdreg $0xC0  }
0xb1: {  	_ =	task [dreg:s8], $0x5FFFF  }
0xb2: {  	[dreg:$0x1] =	wrdreg $0xFFFFFFFF  }
0xb3: {  	[dreg:$0x0] =	wrdreg $0x60  }
0xb4: {  	[dreg:$0x2] =	wrdreg s24  }
0xb5: {  	[dreg:$0x3] =	wrdreg s17  }
0xb6: {  	[dreg:$0x4] =	wrdreg s16  }
0xb7: {  	[dreg:$0x5] =	wrdreg $0x0  }
0xb8: {  	[dreg:$0x6] =	wrdreg $0x140000  }
0xb9: {  	[dreg:$0x7] =	wrdreg $0x9  }
0xba: {  	_ =	task.clear_ibuf [dreg:s8], $0x8FFFF;
	_ =	strace $0x90000046  }
0xbb: {  	s29 =	simm.s32 $0x9;
	_ =	strace $0x80000048  }
0xbc: {  	_ =	swait.ge [sflag:s29], $0x1  }
0xbd: {  	[sflag:s29] =	ssyncadd.s32 $0xFFFFFFFF  }
0xbe: {  	_ =	strace $0x90000048  }
0xbf: {  	_ =	sfence  }
0xc0: {  	s30 =	sld [smem:$0x0];
	_ =	sdelay $0x2  }
0xc1: {  	s31 =	sshll.u32 s1, $0xD;
	s1 =	sshrl.u32 s1, $0x2  }
0xc2: {  	s3 =	sand.u32 $0x4000, s31;
	s1 =	sadd.s32 s1, s30  }
0xc3: {  	s0 =	sor.u32 s3, s0;
	s1 =	sshll.u32 s1, $0x11  }
0xc4: {  	s0 =	sor.u32 s1, s0  }
0xc5: {  	s0 =	sadd.s32 $0x8F2B, s0  }
0xc6: {  	[sflag:s0] =	ssyncadd.remote.s32 $0x1  }
0xc7: {  	_ =	sfence.sel $0xFFFF  }
0xc8: {  	[dreg:$0x0] =	wrdreg $0xFFFFFFFF;
	(pc) =	sbr.abs _section_cstart, $3  }
0xc9: {  	[dreg:$0x1] =	wrdreg $0xFFFFFFFF  }
0xca: {  	_ =	task.clear_ibuf [dreg:s8], $0x2FFFF;
	_ =	strace $0x9FFFFFFF  }
0xcb: {  	(tm) =	ssettm $0x7FFFFFFF  }
tec
execute0_lowered:
.L_overlay_start_1:
0x0: {  	(tag) =	ssettag $0x1  }
0x1: {  	s0 =	rddreg [dreg:$0x0]  }
0x2: {  	s1 =	rddreg [dreg:$0x1]  }
0x3: {  	s4 =	rddreg [dreg:$0x3]  }
0x4: {  	s5 =	rddreg [dreg:$0x4];
	s2 =	simm.s32 $0x0  }
0x5: {  	s17 =	stileid.u32;
	s6 =	srdreg.scid;
	s28 =	simm.s32 $0x40  }
0x6: {  	s29 =	simm.s32 $0x19500;
	s30 =	simm.s32 $0x19680;
	s23 =	smul.u32 $0x14000, s17  }
0x7: {  	s31 =	simm.s32 $0x19540;
	[smem:$0x7FF] =	sst s2;
	s3 =	smul.u32 $0x5000, s17  }
0x8: {  	s7 =	sadd.s32 $0x175600, s0;
	s6 =	sand.u32 $0x1, s6;
	s10 =	smul.u32 $0x500, s17  }
0x9: {  	s8 =	sadd.s32 $0x215600, s0;
	s9 =	sadd.s32 $0x2E00, s0;
	s18 =	sshll.u32 s17, $0x6  }
0xa: {  	_ =	strace $0x80000047;
	s13 =	smul.u32 $0x5000, s6;
	s25 =	ssub.s32 $0x2, s6  }
0xb: {  	s21 =	sshll.u32 s6, $0x7;
	s11 =	sshrl.u32 s23, $0x3;
	s24 =	sshrl.u32 s3, $0x3  }
0xc: {  	s16 =	sshrl.u32 s25, $0x1;
	s2 =	sadd.s32 s23, s4;
	s19 =	sadd.s32 s3, s5  }
0xd: {  	[dreg:$0xb] =	wrdreg s21;
	s3 =	simm.s32 $0x195C0;
	s21 =	simm.s32 $0x4  }
0xe: {  	s12 =	sadd.s32 s11, s0;
	s14 =	sadd.s32 s24, s0;
	s10 =	sadd.s32 s10, s13  }
0xf: {  	s26 =	ssub.s32 s25, s16;
	[dreg:$0x6] =	wrdreg s2;
	s11 =	smul.u32 $0x5400, s17  }
0x10: {  	s16 =	sor.u32 $0x1C05, s18;
	[dreg:$0x9] =	wrdreg s19;
	s24 =	sshllo.u32 s6, $0x1  }
0x11: {  	v0 =	vmov s13;
	s13 =	simm.s32 $0x0;
	s15 =	sshll.u32 s10, $0x3;
	s10 =	sshll.u32 s10, $0x1  }
0x12: {  	s12 =	sadd.s32 $0x1C5600, s12;
	s20 =	sadd.s32 $0x1ED600, s14;
	[dreg:$0x8] =	wrdreg s16  }
0x13: {  	s6 =	smul.u32 $0x2800, s24;
	s26 =	smax.u32 s26, $0x1;
	[dreg:$0x7] =	wrdreg s12  }
0x14: {  	s14 =	simm.s32 $0x1D680;
	s15 =	sadd.s32 s15, s0;
	[dreg:$0xa] =	wrdreg s20  }
0x15: {  	s0 =	sadd.s32 s10, s0;
	s22 =	sshrl.u32 s11, $0x3;
	[dreg:$0x11] =	wrdreg s26  }
0x16: {  	s10 =	simm.s32 $0x1;
	s26 =	simm.s32 $0x2;
	s23 =	sadd.s32 s1, s22  }
0x17: {  	s12 =	simm.s32 $0x19580;
	s2 =	sadd.s32 s9, s22;
	[dreg:$0xc] =	wrdreg s23  }
0x18: {  	s20 =	simm.s32 $0x3;
	s25 =	sadd.s32 $0x265600, s15;
	[dreg:$0xd] =	wrdreg s2  }
0x19: {  	s0 =	sadd.s32 $0x1F7600, s0;
	s15 =	simm.s32 $0x1E680;
	[dreg:$0xf] =	wrdreg s25  }
0x1a: {  	s22 =	simm.s32 $0x19640;
	s2 =	sshll.u32 s24, $0x6;
	[dreg:$0x10] =	wrdreg s0  }
0x1b: {  	s23 =	simm.s32 $0x5;
	s0 =	simm.s32 $0x1A680;
	s24 =	simm.s32 $0x19600  }
0x1c: {  	vm0 =	vmmov $0x1;
	v1 =	vmov s6;
	s25 =	simm.s32 $0x1C680;
	[dreg:$0xe] =	wrdreg s2;
	s2 =	simm.s32 $0x1B680  }
.LBB2_1:
0x1d: {  	[dreg:$0x12] =	wrdreg s13  }
0x1e: {  	s6 =	rddreg [dreg:$0x6]  }
0x1f: {  	s19 =	rddreg [dreg:$0x7];
	s18 =	sshrl.u32 s6, $0x3  }
0x20: {  	[dreg:$0x13] =	wrdreg s18  }
0x21: {  	[spmem:s18], [sflag:s16] =	dma.local [hbm:s19], $0x2800  }
0x22: {  	_ =	swait.ge [sflag:s23], $0x2800  }
0x23: {  	s17 =	rddreg [dreg:$0x9]  }
0x24: {  	[sflag:s23] =	ssyncset.done $0x0;
	s19 =	rddreg [dreg:$0xa];
	s18 =	sshrl.u32 s17, $0x3  }
0x25: {  	[sflag:s23] =	ssyncadd.s32 $0xFFFFD800;
	[dreg:$0x14] =	wrdreg s18  }
0x26: {  	[spmem:s18], [sflag:s16] =	dma.local [hbm:s19], $0xA00  }
0x27: {  	_ =	swait.ge [sflag:s23], $0xA00  }
0x28: {  	[sflag:s23] =	ssyncset.done $0x0  }
0x29: {  	[sflag:s23] =	ssyncadd.s32 $0xFFFFF600  }
0x2a: {  	s13 =	simm.s32 $0x0;
	s18 =	simm.s32 $0x19000;
	s17 =	rddreg [dreg:$0x2]  }
0x2b: {  	[tilespmem:s18], [sflag:$0x5] =	stream.linear.gather [hbm4b:s17+s13], $0x100, $0x38;
	[tilespmem:$0x1EA80] =	vst v63  }
0x2c: {  	_ =	swait.ge [sflag:s23], $0x100  }
0x2d: {  	[sflag:s23] =	ssyncset.done $0x0  }
0x2e: {  	[sflag:s23] =	ssyncadd.s32 $0xFFFFFF00  }
0x2f: {  	[bflag:$0x0] =	sbarrier.arrive $0xFFFF  }
0x30: {  	s19 =	rddreg [dreg:$0xb]  }
0x31: {  	v2 =	vld [tilespmem:s19+$0x19000]  }
0x32: {  	v3 =	vld [tilespmem:s19+$0x19010]  }
0x33: {  	s17 =	simm.s32 $0x19100;
	s16 =	rddreg [dreg:$0xc];
	v4 =	vld [tilespmem:s19+$0x19020]  }
0x34: {  	v5 =	vld [tilespmem:s19+$0x19030];
	[tilespmem:s17], [sflag:$0x5] =	stream.linear.gather [hbm4b:s16+s13], $0x200, $0x38  }
0x35: {  	_ =	swait.ge [sflag:s23], $0x200  }
0x36: {  	[sflag:s23] =	ssyncset.done $0x0  }
0x37: {  	s19 =	simm.s32 $0x19300;
	s18 =	rddreg [dreg:$0xd];
	[sflag:s23] =	ssyncadd.s32 $0xFFFFFE00  }
0x38: {  	[tilespmem:s19], [sflag:$0x5] =	stream.linear.gather [hbm4b:s18+s13], $0x200, $0x38;
	[tilespmem:$0x1EA80] =	vst v63  }
0x39: {  	_ =	swait.ge [sflag:s23], $0x200  }
0x3a: {  	[sflag:s23] =	ssyncset.done $0x0  }
0x3b: {  	[sflag:s23] =	ssyncadd.s32 $0xFFFFFE00  }
0x3c: {  	v6 =	vld [tilespmem:$0x19100]  }
0x3d: {  	v7 =	vld [tilespmem:$0x19300]  }
0x3e: {  	v8 =	vld [tilespmem:$0x19300]  }
0x3f: {  	v9 =	vld [tilespmem:$0x19110]  }
0x40: {  	v11 =	vld [tilespmem:$0x19310]  }
0x41: {  	v60 =	vld [tilespmem:$0x19320];
	v6 =	vadd.s32 v0, v6  }
0x42: {  	[tilespmem:$0x19500] =	vst v6;
	v6 =	vadd.s32 v0, v7;
	v7 =	vld [tilespmem:$0x19120]  }
0x43: {  	v10 =	vld [tilespmem:$0x19310];
	[tilespmem:$0x19580] =	vst v8  }
0x44: {  	[tilespmem:$0x19540] =	vst v6;
	v6 =	vld [tilespmem:$0x19320]  }
0x45: {  	v62 =	vld [tilespmem:$0x19130];
	[tilespmem:$0x19590] =	vst v11  }
0x46: {  	v63 =	vld [tilespmem:$0x19330];
	v59 =	vadd.s32 v0, v9;
	[tilespmem:$0x195A0] =	vst v60  }
0x47: {  	[tilespmem:$0x19510] =	vst v59;
	v7 =	vadd.s32 v0, v7  }
0x48: {  	v61 =	vadd.s32 v0, v10;
	[tilespmem:$0x19520] =	vst v7;
	v7 =	vld [tilespmem:$0x19330]  }
0x49: {  	[tilespmem:$0x19550] =	vst v61;
	v6 =	vadd.s32 v0, v6  }
0x4a: {  	[tilespmem:$0x19560] =	vst v6;
	v6 =	vadd.s32 v0, v62  }
0x4b: {  	[tilespmem:$0x19530] =	vst v6;
	v6 =	vadd.s32 v0, v63  }
0x4c: {  	[tilespmem:$0x19570] =	vst v6  }
0x4d: {  	[tilespmem:$0x195B0] =	vst v7  }
0x4e: {  	[tilespmem:s30], [sflag:$0x1] =	stream.indirect.gather [hbm4b:s7+s28], $0x40, s29, s28, $0xb8;
	[tilespmem:$0x1EA80] =	vst v63  }
0x4f: {  	s17 =	simm.s32 $0x0  }
0x50: {  	[tilespmem:s0], [sflag:$0x2] =	stream.indirect.gather [hbm4b:s8+s28], $0x40, s31, s28, $0xb8;
	[tilespmem:$0x1EA80] =	vst v63  }
.LBB2_2:
0x51: {  	s13 =	sshll.u32 s17, $0x7  }
0x52: {  	s13 =	sand.u32 $0x180, s13  }
0x53: {  	v6 =	vld [tilespmem:s13+$0x19140];
	_ =	sdelay $0x4  }
0x54: {  	v6 =	vadd.s32 v0, v6  }
0x55: {  	[tilespmem:$0x195C0] =	vst v6  }
0x56: {  	v6 =	vld [tilespmem:s13+$0x19340];
	_ =	sdelay $0x4  }
0x57: {  	v6 =	vadd.s32 v0, v6  }
0x58: {  	[tilespmem:$0x19600] =	vst v6  }
0x59: {  	v6 =	vld [tilespmem:s13+$0x19340];
	_ =	sdelay $0x4  }
0x5a: {  	[tilespmem:$0x19640] =	vst v6  }
0x5b: {  	v6 =	vld [tilespmem:s13+$0x19150];
	_ =	sdelay $0x4  }
0x5c: {  	v6 =	vadd.s32 v0, v6  }
0x5d: {  	[tilespmem:$0x195D0] =	vst v6  }
0x5e: {  	v6 =	vld [tilespmem:s13+$0x19350];
	_ =	sdelay $0x4  }
0x5f: {  	v6 =	vadd.s32 v0, v6  }
0x60: {  	[tilespmem:$0x19610] =	vst v6  }
0x61: {  	v6 =	vld [tilespmem:s13+$0x19350];
	_ =	sdelay $0x4  }
0x62: {  	[tilespmem:$0x19650] =	vst v6  }
0x63: {  	v6 =	vld [tilespmem:s13+$0x19160];
	_ =	sdelay $0x4  }
0x64: {  	v6 =	vadd.s32 v0, v6  }
0x65: {  	[tilespmem:$0x195E0] =	vst v6  }
0x66: {  	v6 =	vld [tilespmem:s13+$0x19360];
	_ =	sdelay $0x4  }
0x67: {  	v6 =	vadd.s32 v0, v6  }
0x68: {  	[tilespmem:$0x19620] =	vst v6  }
0x69: {  	v6 =	vld [tilespmem:s13+$0x19360];
	_ =	sdelay $0x4  }
0x6a: {  	[tilespmem:$0x19660] =	vst v6  }
0x6b: {  	v6 =	vld [tilespmem:s13+$0x19170];
	_ =	sdelay $0x4  }
0x6c: {  	v6 =	vadd.s32 v0, v6  }
0x6d: {  	[tilespmem:$0x195F0] =	vst v6  }
0x6e: {  	v6 =	vld [tilespmem:s13+$0x19370];
	_ =	sdelay $0x4  }
0x6f: {  	v6 =	vadd.s32 v0, v6  }
0x70: {  	[tilespmem:$0x19630] =	vst v6  }
0x71: {  	v6 =	vld [tilespmem:s13+$0x19370];
	_ =	sdelay $0x4  }
0x72: {  	[tilespmem:$0x19670] =	vst v6  }
0x73: {  	[tilespmem:s2], [sflag:$0x3] =	stream.indirect.gather [hbm4b:s7+s28], $0x40, s3, s28, $0xb8;
	[tilespmem:$0x1EA80] =	vst v63  }
0x74: {  	_ = 	snop  }
0x75: {  	[tilespmem:s25], [sflag:$0x4] =	stream.indirect.gather [hbm4b:s8+s28], $0x40, s24, s28, $0xb8;
	[tilespmem:$0x1EA80] =	vst v63  }
0x76: {  	_ =	swait.ge [sflag:s10], $0x1000  }
0x77: {  	[sflag:s10] =	ssyncset.done $0x0  }
0x78: {  	[sflag:s10] =	ssyncadd.s32 $0xFFFFF000  }
0x79: {  	_ =	swait.ge [sflag:s26], $0x1000  }
0x7a: {  	[sflag:s26] =	ssyncset.done $0x0  }
0x7b: {  	s19 =	simm.s32 $0x0;
	[sflag:s26] =	ssyncadd.s32 $0xFFFFF000  }
0x7c: {  	v6 =	vld [tilespmem:s19+$0x1A680]  }
0x7d: {  	v7 =	vld [tilespmem:s19+$0x19680]  }
0x7e: {  	v8 =	vld [tilespmem:s19+$0x1A690]  }
0x7f: {  	v9 =	vld [tilespmem:s19+$0x19690]  }
0x80: {  	v10 =	vld [tilespmem:s19+$0x1A6A0]  }
0x81: {  	v11 =	vld [tilespmem:s19+$0x196A0]  }
0x82: {  	v12 =	vld [tilespmem:s19+$0x1A6B0];
	v6 =	vadd.f32 v6, v7  }
0x83: {  	v13 =	vld [tilespmem:s19+$0x196B0]  }
0x84: {  	v8 =	vadd.f32 v8, v9;
	v14 =	vmul.f32 $2.000000030e-01, v6;
	_ =	sdelay $0x1  }
0x85: {  	v10 =	vadd.f32 v10, v11;
	v61 =	vmul.f32 $2.000000030e-01, v8;
	v6 =	vmax.f32 v6, v14  }
0x86: {  	v6 =	vmul.f32 v6, v2  }
0x87: {  	v12 =	vadd.f32 v12, v13;
	v62 =	vmul.f32 $2.000000030e-01, v10;
	v8 =	vmax.f32 v8, v61  }
0x88: {  	v8 =	vmul.f32 v8, v3;
	v6 =	vadd.f32 $0.0e+00, v6  }
0x89: {  	v63 =	vmul.f32 $2.000000030e-01, v12;
	v10 =	vmax.f32 v10, v62  }
0x8a: {  	v6 =	vadd.f32 v8, v6;
	v8 =	vmul.f32 v10, v4  }
0x8b: {  	v10 =	vmax.f32 v12, v63  }
0x8c: {  	v6 =	vadd.f32 v8, v6;
	v8 =	vmul.f32 v10, v5;
	_ =	sdelay $0x1  }
0x8d: {  	v6 =	vadd.f32 v8, v6;
	_ =	sdelay $0x1  }
0x8e: {  	(xrf2) =	vadd.scan.msk.f32 $0xffff, v6;
	_ =	sdelay $0x9  }
0x8f: {  	v6, _, _ =	vpop (xrf2)  }
0x90: {  	v6 =	vmul.f32 $1.442695020e+00, v6;
	_ =	sdelay $0x1  }
0x91: {  	v6 =	vbroadcast v6, $0xF;
	_ =	sdelay $0x1  }
0x92: {  	(erf) = vpow2.f32 v6;
	_ =	sdelay $0x8  }
0x93: {  	v6 =	vpop (erf)  }
0x94: {  	v7 =	vmul.f32 v6, v7  }
0x95: {  	v8 =	vmul.f32 v6, v9  }
0x96: {  	[tilespmem:s19+$0x1D680] =	vst v7;
	v7 =	vmul.f32 v6, v11  }
0x97: {  	[tilespmem:s19+$0x1D690] =	vst v8;
	v8 =	vmul.f32 v6, v13  }
0x98: {  	[tilespmem:s19+$0x1D6A0] =	vst v7  }
0x99: {  	s18 =	simm.s32 $0x1E680;
	v6 =	vnsel vm0, $0x0, v6;
	[tilespmem:s19+$0x1D6B0] =	vst v8  }
0x9a: {  	s13 =	simm.s32 $0x40;
	[tilespmem:s18+$0x0] =	vst v6  }
0x9b: {  	v10 =	vld [tilespmem:s13+$0x1A680]  }
0x9c: {  	v6 =	vld [tilespmem:s13+$0x19680]  }
0x9d: {  	v9 =	vld [tilespmem:s13+$0x1A690]  }
0x9e: {  	v7 =	vld [tilespmem:s13+$0x19690]  }
0x9f: {  	s16 =	simm.s32 $0x200;
	v8 =	vld [tilespmem:s13+$0x1A6A0]  }
.LBB2_3:
0xa0: {  	p0 =	sne.s32 s16, $0x3F00;
	v11 =	vld [tilespmem:s13+$0x196A0]  }
0xa1: {  	v10 =	vadd.f32 v10, v6;
	v12 =	vld [tilespmem:s13+$0x1A6B0]  }
0xa2: {  	v13 =	vld [tilespmem:s13+$0x196B0]  }
0xa3: {  	v14 =	vmul.f32 $2.000000030e-01, v10;
	v9 =	vadd.f32 v9, v7;
	_ =	sdelay $0x1  }
0xa4: {  	v10 =	vmax.f32 v10, v14;
	v14 =	vmul.f32 $2.000000030e-01, v9;
	v8 =	vadd.f32 v8, v11  }
0xa5: {  	v10 =	vmul.f32 v10, v2  }
0xa6: {  	v9 =	vmax.f32 v9, v14;
	v14 =	vmul.f32 $2.000000030e-01, v8;
	v12 =	vadd.f32 v12, v13  }
0xa7: {  	v10 =	vadd.f32 $0.0e+00, v10;
	v9 =	vmul.f32 v9, v3  }
0xa8: {  	v8 =	vmax.f32 v8, v14;
	v14 =	vmul.f32 $2.000000030e-01, v12  }
0xa9: {  	v9 =	vadd.f32 v9, v10;
	v8 =	vmul.f32 v8, v4  }
0xaa: {  	v10 =	vmax.f32 v12, v14  }
0xab: {  	v8 =	vadd.f32 v8, v9;
	v9 =	vmul.f32 v10, v5;
	_ =	sdelay $0x1  }
0xac: {  	v8 =	vadd.f32 v9, v8;
	_ =	sdelay $0x1  }
0xad: {  	(xrf2) =	vadd.scan.msk.f32 $0xffff, v8;
	_ =	sdelay $0x9  }
0xae: {  	v8, _, _ =	vpop (xrf2)  }
0xaf: {  	v8 =	vmul.f32 $1.442695020e+00, v8;
	_ =	sdelay $0x1  }
0xb0: {  	v8 =	vbroadcast v8, $0xF;
	_ =	sdelay $0x1  }
0xb1: {  	(erf) = vpow2.f32 v8;
	_ =	sdelay $0x8  }
0xb2: {  	v8 =	vpop (erf)  }
0xb3: {  	v6 =	vmul.f32 v8, v6  }
0xb4: {  	v7 =	vmul.f32 v8, v7  }
0xb5: {  	[tilespmem:s13+$0x1D680] =	vst v6;
	v6 =	vmul.f32 v8, v11  }
0xb6: {  	[tilespmem:s13+$0x1D690] =	vst v7;
	v7 =	vmul.f32 v8, v13  }
0xb7: {  	[tilespmem:s13+$0x1D6A0] =	vst v6  }
0xb8: {  	s18 =	sadd.s32 $0x10, s18;
	v6 =	vnsel vm0, $0x0, v8;
	[tilespmem:s13+$0x1D6B0] =	vst v7  }
0xb9: {  	s13 =	sshra.s32 s16, $0x2;
	[tilespmem:s18+$0x0] =	vst v6  }
.Ltmp0:
0xba: {  	v10 =	vld [tilespmem:s13+$0x1A680];
	(pc) =	sbr.rel @p0 .LBB2_3-.Ltmp0, $4  }
0xbb: {  	v6 =	vld [tilespmem:s13+$0x19680]  }
0xbc: {  	v9 =	vld [tilespmem:s13+$0x1A690]  }
0xbd: {  	v7 =	vld [tilespmem:s13+$0x19690]  }
0xbe: {  	s16 =	sadd.s32 $0x100, s16;
	v8 =	vld [tilespmem:s13+$0x1A6A0]  }
0xbf: {  	v11 =	vld [tilespmem:s13+$0x196A0]  }
0xc0: {  	v12 =	vld [tilespmem:s13+$0x1A6B0];
	v10 =	vadd.f32 v10, v6  }
0xc1: {  	v13 =	vld [tilespmem:s13+$0x196B0]  }
0xc2: {  	v14 =	vmul.f32 $2.000000030e-01, v10;
	v9 =	vadd.f32 v9, v7;
	_ =	sdelay $0x1  }
0xc3: {  	v10 =	vmax.f32 v10, v14;
	v55 =	vmul.f32 $2.000000030e-01, v9;
	v8 =	vadd.f32 v8, v11  }
0xc4: {  	v10 =	vmul.f32 v10, v2  }
0xc5: {  	v12 =	vadd.f32 v12, v13;
	v9 =	vmax.f32 v9, v55;
	v56 =	vmul.f32 $2.000000030e-01, v8  }
0xc6: {  	v10 =	vadd.f32 $0.0e+00, v10;
	v9 =	vmul.f32 v9, v3  }
0xc7: {  	v57 =	vmul.f32 $2.000000030e-01, v12;
	v8 =	vmax.f32 v8, v56  }
0xc8: {  	v9 =	vadd.f32 v9, v10;
	v8 =	vmul.f32 v8, v4  }
0xc9: {  	v10 =	vmax.f32 v12, v57  }
0xca: {  	v8 =	vadd.f32 v8, v9;
	v9 =	vmul.f32 v10, v5;
	_ =	sdelay $0x1  }
0xcb: {  	v8 =	vadd.f32 v9, v8;
	_ =	sdelay $0x1  }
0xcc: {  	(xrf2) =	vadd.scan.msk.f32 $0xffff, v8;
	_ =	sdelay $0x9  }
0xcd: {  	v8, _, _ =	vpop (xrf2)  }
0xce: {  	v8 =	vmul.f32 $1.442695020e+00, v8;
	_ =	sdelay $0x1  }
0xcf: {  	v8 =	vbroadcast v8, $0xF;
	_ =	sdelay $0x1  }
0xd0: {  	(erf) = vpow2.f32 v8;
	_ =	sdelay $0x8  }
0xd1: {  	v8 =	vpop (erf)  }
0xd2: {  	v6 =	vmul.f32 v8, v6  }
0xd3: {  	v7 =	vmul.f32 v8, v7  }
0xd4: {  	[tilespmem:s13+$0x1D680] =	vst v6;
	v6 =	vmul.f32 v8, v11  }
0xd5: {  	[tilespmem:s13+$0x1D690] =	vst v7;
	v7 =	vmul.f32 v8, v13  }
0xd6: {  	s16 =	sshll.u32 s17, $0x1;
	[tilespmem:s13+$0x1D6A0] =	vst v6  }
0xd7: {  	s6 =	sadd.s32 $0x10, s18;
	[tilespmem:s13+$0x1D6B0] =	vst v7;
	v6 =	vnsel vm0, $0x0, v8;
	s13 =	sadd.s32 $0x2, s16  }
0xd8: {  	[tilespmem:s6+$0x0] =	vst v6;
	s16 =	sand.u32 $0x6, s13  }
0xd9: {  	[spmem:s4] =	stream.indirect.scatter.add.f32 [tilespmem:s14], [sflag:$0x5], $0x40, s12, s28, $0xb8;
	[tilespmem:$0x1EA80] =	vst v63  }
0xda: {  	p0 =	sne.s32 s16, $0x0  }
0xdb: {  	_ =	swait.ge [sflag:s23], $0x1000;
	s13 =	sshll.u32 @!p0 s13, $0x6  }
0xdc: {  	[sflag:s23] =	ssyncset.done $0x0;
	s13 =	sadd.s32 @!p0 s11, s13  }
0xdd: {  	[sflag:s23] =	ssyncadd.s32 $0xFFFFF000;
	p1 =	seq.s32 @!p0 s13, $0x54000  }
0xde: {  	[spmem:s5] =	stream.indirect.scatter.add.f32 [tilespmem:s15], [sflag:$0x5], $0x10, s12, s28, $0xb8;
	[tilespmem:$0x1EA80] =	vst v63  }
0xdf: {  	s13 =	sshrl.u32 @!p0 s13, $0x3;
	p1 =	por !p1, p0;
	_ =	swait.ge [sflag:s23], $0x400  }
0xe0: {  	s19 =	simm.s32 @!p0 $0x0;
	s13 =	simm.s32 @!p1 $0x0;
	[sflag:s23] =	ssyncset.done $0x0  }
0xe1: {  	s6 =	simm.s32 @!p0 $0x19100;
	s18 =	sadd.s32 @!p0 s1, s13;
	[sflag:s23] =	ssyncadd.s32 $0xFFFFFC00  }
0xe2: {  	[tilespmem:s6], [sflag:$0x5] =	stream.linear.gather @!p0 [hbm4b:s18+s19], $0x200, $0x38;
	[tilespmem:$0x1EA80] =	vst v63  }
0xe3: {  	s6 =	simm.s32 @!p0 $0x5  }
0xe4: {  	_ =	swait.ge @!p0 [sflag:s6], $0x200  }
0xe5: {  	[sflag:s6] =	ssyncset.done @!p0 $0x0  }
0xe6: {  	s13 =	sadd.s32 @!p0 s9, s13;
	s18 =	simm.s32 @!p0 $0x19300;
	[sflag:s6] =	ssyncadd.s32 @!p0 $0xFFFFFE00  }
0xe7: {  	[tilespmem:s18], [sflag:$0x5] =	stream.linear.gather @!p0 [hbm4b:s13+s19], $0x200, $0x38;
	[tilespmem:$0x1EA80] =	vst v63  }
0xe8: {  	_ =	swait.ge @!p0 [sflag:s6], $0x200  }
0xe9: {  	[sflag:s6] =	ssyncset.done @!p0 $0x0  }
0xea: {  	s18 =	sshll.u32 s16, $0x6;
	[sflag:s6] =	ssyncadd.s32 @!p0 $0xFFFFFE00  }
0xeb: {  	v6 =	vld [tilespmem:s18+$0x19100];
	_ =	sdelay $0x4  }
0xec: {  	v6 =	vadd.s32 v0, v6  }
0xed: {  	[tilespmem:$0x19500] =	vst v6  }
0xee: {  	v6 =	vld [tilespmem:s18+$0x19300];
	_ =	sdelay $0x4  }
0xef: {  	v6 =	vadd.s32 v0, v6  }
0xf0: {  	[tilespmem:$0x19540] =	vst v6  }
0xf1: {  	v6 =	vld [tilespmem:s18+$0x19300];
	_ =	sdelay $0x4  }
0xf2: {  	[tilespmem:$0x19580] =	vst v6  }
0xf3: {  	v6 =	vld [tilespmem:s18+$0x19110];
	_ =	sdelay $0x4  }
0xf4: {  	v6 =	vadd.s32 v0, v6  }
0xf5: {  	[tilespmem:$0x19510] =	vst v6  }
0xf6: {  	v6 =	vld [tilespmem:s18+$0x19310];
	_ =	sdelay $0x4  }
0xf7: {  	v6 =	vadd.s32 v0, v6  }
0xf8: {  	[tilespmem:$0x19550] =	vst v6  }
0xf9: {  	v6 =	vld [tilespmem:s18+$0x19310];
	_ =	sdelay $0x4  }
0xfa: {  	[tilespmem:$0x19590] =	vst v6  }
0xfb: {  	v6 =	vld [tilespmem:s18+$0x19120];
	_ =	sdelay $0x4  }
0xfc: {  	v6 =	vadd.s32 v0, v6  }
0xfd: {  	[tilespmem:$0x19520] =	vst v6  }
0xfe: {  	v6 =	vld [tilespmem:s18+$0x19320];
	_ =	sdelay $0x4  }
0xff: {  	v6 =	vadd.s32 v0, v6  }
0x100: {  	[tilespmem:$0x19560] =	vst v6  }
0x101: {  	v6 =	vld [tilespmem:s18+$0x19320];
	_ =	sdelay $0x4  }
0x102: {  	[tilespmem:$0x195A0] =	vst v6  }
0x103: {  	v6 =	vld [tilespmem:s18+$0x19130];
	_ =	sdelay $0x4  }
0x104: {  	v6 =	vadd.s32 v0, v6  }
0x105: {  	[tilespmem:$0x19530] =	vst v6  }
0x106: {  	v6 =	vld [tilespmem:s18+$0x19330];
	_ =	sdelay $0x4  }
0x107: {  	v6 =	vadd.s32 v0, v6  }
0x108: {  	[tilespmem:$0x19570] =	vst v6  }
0x109: {  	v6 =	vld [tilespmem:s18+$0x19330];
	_ =	sdelay $0x4  }
0x10a: {  	[tilespmem:$0x195B0] =	vst v6  }
0x10b: {  	[tilespmem:s30], [sflag:$0x1] =	stream.indirect.gather [hbm4b:s7+s28], $0x40, s29, s28, $0xb8;
	[tilespmem:$0x1EA80] =	vst v63  }
0x10c: {  	_ = 	snop  }
0x10d: {  	[tilespmem:s0], [sflag:$0x2] =	stream.indirect.gather [hbm4b:s8+s28], $0x40, s31, s28, $0xb8;
	[tilespmem:$0x1EA80] =	vst v63  }
0x10e: {  	_ =	swait.ge [sflag:s20], $0x1000  }
0x10f: {  	[sflag:s20] =	ssyncset.done $0x0  }
0x110: {  	[sflag:s20] =	ssyncadd.s32 $0xFFFFF000  }
0x111: {  	_ =	swait.ge [sflag:s21], $0x1000  }
0x112: {  	[sflag:s21] =	ssyncset.done $0x0  }
0x113: {  	s19 =	simm.s32 $0x0;
	[sflag:s21] =	ssyncadd.s32 $0xFFFFF000  }
0x114: {  	v6 =	vld [tilespmem:s19+$0x1C680]  }
0x115: {  	v7 =	vld [tilespmem:s19+$0x1B680]  }
0x116: {  	v8 =	vld [tilespmem:s19+$0x1C690]  }
0x117: {  	v9 =	vld [tilespmem:s19+$0x1B690]  }
0x118: {  	v10 =	vld [tilespmem:s19+$0x1C6A0]  }
0x119: {  	v11 =	vld [tilespmem:s19+$0x1B6A0]  }
0x11a: {  	v58 =	vld [tilespmem:s19+$0x1C6B0];
	v6 =	vadd.f32 v6, v7  }
0x11b: {  	v59 =	vld [tilespmem:s19+$0x1B6B0]  }
0x11c: {  	v8 =	vadd.f32 v8, v9;
	v60 =	vmul.f32 $2.000000030e-01, v6;
	_ =	sdelay $0x1  }
0x11d: {  	v10 =	vadd.f32 v10, v11;
	v61 =	vmul.f32 $2.000000030e-01, v8;
	v6 =	vmax.f32 v6, v60  }
0x11e: {  	v6 =	vmul.f32 v6, v2  }
0x11f: {  	v12 =	vadd.f32 v58, v59;
	v62 =	vmul.f32 $2.000000030e-01, v10;
	v8 =	vmax.f32 v8, v61  }
0x120: {  	v8 =	vmul.f32 v8, v3;
	v6 =	vadd.f32 $0.0e+00, v6  }
0x121: {  	v63 =	vmul.f32 $2.000000030e-01, v12;
	v10 =	vmax.f32 v10, v62  }
0x122: {  	v6 =	vadd.f32 v8, v6;
	v8 =	vmul.f32 v10, v4  }
0x123: {  	v10 =	vmax.f32 v12, v63  }
0x124: {  	v6 =	vadd.f32 v8, v6;
	v8 =	vmul.f32 v10, v5;
	_ =	sdelay $0x1  }
0x125: {  	v6 =	vadd.f32 v8, v6;
	_ =	sdelay $0x1  }
0x126: {  	(xrf2) =	vadd.scan.msk.f32 $0xffff, v6;
	_ =	sdelay $0x9  }
0x127: {  	v6, _, _ =	vpop (xrf2)  }
0x128: {  	v6 =	vmul.f32 $1.442695020e+00, v6;
	_ =	sdelay $0x1  }
0x129: {  	v6 =	vbroadcast v6, $0xF;
	_ =	sdelay $0x1  }
0x12a: {  	(erf) = vpow2.f32 v6;
	_ =	sdelay $0x8  }
0x12b: {  	v6 =	vpop (erf)  }
0x12c: {  	v7 =	vmul.f32 v6, v7  }
0x12d: {  	v8 =	vmul.f32 v6, v9  }
0x12e: {  	[tilespmem:s19+$0x1D680] =	vst v7;
	v7 =	vmul.f32 v6, v11  }
0x12f: {  	[tilespmem:s19+$0x1D690] =	vst v8;
	v8 =	vmul.f32 v6, v59  }
0x130: {  	[tilespmem:s19+$0x1D6A0] =	vst v7  }
0x131: {  	s18 =	simm.s32 $0x1E680;
	v6 =	vnsel vm0, $0x0, v6;
	[tilespmem:s19+$0x1D6B0] =	vst v8  }
0x132: {  	s13 =	simm.s32 $0x40;
	[tilespmem:s18+$0x0] =	vst v6  }
0x133: {  	v10 =	vld [tilespmem:s13+$0x1C680]  }
0x134: {  	v6 =	vld [tilespmem:s13+$0x1B680]  }
0x135: {  	v9 =	vld [tilespmem:s13+$0x1C690]  }
0x136: {  	v7 =	vld [tilespmem:s13+$0x1B690]  }
0x137: {  	s16 =	simm.s32 $0x200;
	v8 =	vld [tilespmem:s13+$0x1C6A0]  }
.LBB2_5:
0x138: {  	p0 =	sne.s32 s16, $0x3F00;
	v11 =	vld [tilespmem:s13+$0x1B6A0]  }
0x139: {  	v10 =	vadd.f32 v10, v6;
	v12 =	vld [tilespmem:s13+$0x1C6B0]  }
0x13a: {  	v13 =	vld [tilespmem:s13+$0x1B6B0]  }
0x13b: {  	v14 =	vmul.f32 $2.000000030e-01, v10;
	v9 =	vadd.f32 v9, v7;
	_ =	sdelay $0x1  }
0x13c: {  	v10 =	vmax.f32 v10, v14;
	v14 =	vmul.f32 $2.000000030e-01, v9;
	v8 =	vadd.f32 v8, v11  }
0x13d: {  	v10 =	vmul.f32 v10, v2  }
0x13e: {  	v9 =	vmax.f32 v9, v14;
	v14 =	vmul.f32 $2.000000030e-01, v8;
	v12 =	vadd.f32 v12, v13  }
0x13f: {  	v10 =	vadd.f32 $0.0e+00, v10;
	v9 =	vmul.f32 v9, v3  }
0x140: {  	v8 =	vmax.f32 v8, v14;
	v14 =	vmul.f32 $2.000000030e-01, v12  }
0x141: {  	v9 =	vadd.f32 v9, v10;
	v8 =	vmul.f32 v8, v4  }
0x142: {  	v10 =	vmax.f32 v12, v14  }
0x143: {  	v8 =	vadd.f32 v8, v9;
	v9 =	vmul.f32 v10, v5;
	_ =	sdelay $0x1  }
0x144: {  	v8 =	vadd.f32 v9, v8;
	_ =	sdelay $0x1  }
0x145: {  	(xrf2) =	vadd.scan.msk.f32 $0xffff, v8;
	_ =	sdelay $0x9  }
0x146: {  	v8, _, _ =	vpop (xrf2)  }
0x147: {  	v8 =	vmul.f32 $1.442695020e+00, v8;
	_ =	sdelay $0x1  }
0x148: {  	v8 =	vbroadcast v8, $0xF;
	_ =	sdelay $0x1  }
0x149: {  	(erf) = vpow2.f32 v8;
	_ =	sdelay $0x8  }
0x14a: {  	v8 =	vpop (erf)  }
0x14b: {  	v6 =	vmul.f32 v8, v6  }
0x14c: {  	v7 =	vmul.f32 v8, v7  }
0x14d: {  	[tilespmem:s13+$0x1D680] =	vst v6;
	v6 =	vmul.f32 v8, v11  }
0x14e: {  	[tilespmem:s13+$0x1D690] =	vst v7;
	v7 =	vmul.f32 v8, v13  }
0x14f: {  	[tilespmem:s13+$0x1D6A0] =	vst v6  }
0x150: {  	s18 =	sadd.s32 $0x10, s18;
	v6 =	vnsel vm0, $0x0, v8;
	[tilespmem:s13+$0x1D6B0] =	vst v7  }
0x151: {  	s13 =	sshra.s32 s16, $0x2;
	[tilespmem:s18+$0x0] =	vst v6  }
.Ltmp1:
0x152: {  	v10 =	vld [tilespmem:s13+$0x1C680];
	(pc) =	sbr.rel @p0 .LBB2_5-.Ltmp1, $4  }
0x153: {  	v6 =	vld [tilespmem:s13+$0x1B680]  }
0x154: {  	v9 =	vld [tilespmem:s13+$0x1C690]  }
0x155: {  	v7 =	vld [tilespmem:s13+$0x1B690]  }
0x156: {  	s16 =	sadd.s32 $0x100, s16;
	v8 =	vld [tilespmem:s13+$0x1C6A0]  }
0x157: {  	v11 =	vld [tilespmem:s13+$0x1B6A0]  }
0x158: {  	v12 =	vld [tilespmem:s13+$0x1C6B0];
	v10 =	vadd.f32 v10, v6  }
0x159: {  	v13 =	vld [tilespmem:s13+$0x1B6B0]  }
0x15a: {  	v14 =	vmul.f32 $2.000000030e-01, v10;
	v9 =	vadd.f32 v9, v7;
	_ =	sdelay $0x1  }
0x15b: {  	v10 =	vmax.f32 v10, v14;
	v59 =	vmul.f32 $2.000000030e-01, v9;
	v8 =	vadd.f32 v8, v11  }
0x15c: {  	v10 =	vmul.f32 v10, v2  }
0x15d: {  	v12 =	vadd.f32 v12, v13;
	v9 =	vmax.f32 v9, v59;
	v60 =	vmul.f32 $2.000000030e-01, v8  }
0x15e: {  	v10 =	vadd.f32 $0.0e+00, v10;
	v9 =	vmul.f32 v9, v3  }
0x15f: {  	v61 =	vmul.f32 $2.000000030e-01, v12;
	v8 =	vmax.f32 v8, v60  }
0x160: {  	v9 =	vadd.f32 v9, v10;
	v8 =	vmul.f32 v8, v4  }
0x161: {  	v62 =	vmax.f32 v12, v61  }
0x162: {  	v63 =	vmul.f32 v62, v5;
	v8 =	vadd.f32 v8, v9;
	_ =	sdelay $0x1  }
0x163: {  	v8 =	vadd.f32 v63, v8;
	_ =	sdelay $0x1  }
0x164: {  	(xrf2) =	vadd.scan.msk.f32 $0xffff, v8;
	_ =	sdelay $0x9  }
0x165: {  	v8, _, _ =	vpop (xrf2)  }
0x166: {  	v8 =	vmul.f32 $1.442695020e+00, v8;
	_ =	sdelay $0x1  }
0x167: {  	v8 =	vbroadcast v8, $0xF;
	_ =	sdelay $0x1  }
0x168: {  	(erf) = vpow2.f32 v8;
	_ =	sdelay $0x8  }
0x169: {  	v8 =	vpop (erf)  }
0x16a: {  	v6 =	vmul.f32 v8, v6  }
0x16b: {  	v7 =	vmul.f32 v8, v7  }
0x16c: {  	[tilespmem:s13+$0x1D680] =	vst v6;
	v6 =	vmul.f32 v8, v11  }
0x16d: {  	[tilespmem:s13+$0x1D690] =	vst v7;
	v7 =	vmul.f32 v8, v13  }
0x16e: {  	[tilespmem:s13+$0x1D6A0] =	vst v6  }
0x16f: {  	s6 =	sadd.s32 $0x10, s18;
	[tilespmem:s13+$0x1D6B0] =	vst v7;
	v6 =	vnsel vm0, $0x0, v8  }
0x170: {  	[tilespmem:s6+$0x0] =	vst v6  }
0x171: {  	[spmem:s4] =	stream.indirect.scatter.add.f32 [tilespmem:s14], [sflag:$0x5], $0x40, s22, s28, $0xb8;
	[tilespmem:$0x1EA80] =	vst v63  }
0x172: {  	s17 =	sadd.s32 $0x1, s17;
	_ =	swait.ge [sflag:s23], $0x1000  }
0x173: {  	p0 =	sne.s32 s17, $0xA8;
	[sflag:s23] =	ssyncset.done $0x0  }
.Ltmp2:
0x174: {  	[sflag:s23] =	ssyncadd.s32 $0xFFFFF000;
	(pc) =	sbr.rel @p0 .LBB2_2-.Ltmp2, $4  }
0x175: {  	[spmem:s5] =	stream.indirect.scatter.add.f32 [tilespmem:s15], [sflag:$0x5], $0x10, s22, s28, $0xb8;
	[tilespmem:$0x1EA80] =	vst v63  }
0x176: {  	_ =	swait.ge [sflag:s23], $0x400  }
0x177: {  	[sflag:s23] =	ssyncset.done $0x0  }
0x178: {  	[sflag:s23] =	ssyncadd.s32 $0xFFFFFC00  }
0x179: {  	_ =	swait.ge [sflag:s10], $0x1000  }
0x17a: {  	[sflag:s10] =	ssyncset.done $0x0  }
0x17b: {  	[sflag:s10] =	ssyncadd.s32 $0xFFFFF000  }
0x17c: {  	_ =	swait.ge [sflag:s26], $0x1000  }
0x17d: {  	[sflag:s26] =	ssyncset.done $0x0  }
0x17e: {  	s6 =	rddreg [dreg:$0xe];
	[sflag:s26] =	ssyncadd.s32 $0xFFFFF000  }
0x17f: {  	v2 =	vld [tilespmem:s6+$0x19000]  }
0x180: {  	v3 =	vld [tilespmem:s6+$0x19010]  }
0x181: {  	s17 =	simm.s32 $0x0;
	s13 =	simm.s32 $0x19100;
	s16 =	rddreg [dreg:$0xc];
	v4 =	vld [tilespmem:s6+$0x19020]  }
0x182: {  	v5 =	vld [tilespmem:s6+$0x19030];
	[tilespmem:s13], [sflag:$0x5] =	stream.linear.gather [hbm4b:s16+s17], $0x200, $0x38  }
0x183: {  	_ =	swait.ge [sflag:s23], $0x200  }
0x184: {  	[sflag:s23] =	ssyncset.done $0x0  }
0x185: {  	s19 =	simm.s32 $0x19300;
	s18 =	rddreg [dreg:$0xd];
	[sflag:s23] =	ssyncadd.s32 $0xFFFFFE00  }
0x186: {  	[tilespmem:s19], [sflag:$0x5] =	stream.linear.gather [hbm4b:s18+s17], $0x200, $0x38;
	[tilespmem:$0x1EA80] =	vst v63  }
0x187: {  	_ =	swait.ge [sflag:s23], $0x200  }
0x188: {  	[sflag:s23] =	ssyncset.done $0x0  }
0x189: {  	[sflag:s23] =	ssyncadd.s32 $0xFFFFFE00  }
0x18a: {  	v6 =	vld [tilespmem:$0x19100]  }
0x18b: {  	v7 =	vld [tilespmem:$0x19300]  }
0x18c: {  	v8 =	vld [tilespmem:$0x19300]  }
0x18d: {  	v9 =	vld [tilespmem:$0x19110]  }
0x18e: {  	v10 =	vld [tilespmem:$0x19310]  }
0x18f: {  	v11 =	vld [tilespmem:$0x19310];
	v6 =	vadd.s32 v1, v6  }
0x190: {  	[tilespmem:$0x19500] =	vst v6;
	v6 =	vadd.s32 v1, v7;
	v7 =	vld [tilespmem:$0x19120]  }
0x191: {  	v60 =	vld [tilespmem:$0x19320];
	[tilespmem:$0x19540] =	vst v6;
	v6 =	vadd.s32 $0x2800, v8  }
0x192: {  	v61 =	vld [tilespmem:$0x19320];
	[tilespmem:$0x19580] =	vst v6;
	v6 =	vadd.s32 v1, v9  }
0x193: {  	v62 =	vld [tilespmem:$0x19130];
	[tilespmem:$0x19510] =	vst v6;
	v6 =	vadd.s32 v1, v10  }
0x194: {  	v63 =	vld [tilespmem:$0x19330];
	[tilespmem:$0x19550] =	vst v6;
	v6 =	vadd.s32 $0x2800, v11  }
0x195: {  	[tilespmem:$0x19590] =	vst v6;
	v6 =	vadd.s32 v1, v7;
	v7 =	vld [tilespmem:$0x19330]  }
0x196: {  	[tilespmem:$0x19520] =	vst v6;
	v6 =	vadd.s32 v1, v60  }
0x197: {  	[tilespmem:$0x19560] =	vst v6;
	v6 =	vadd.s32 $0x2800, v61  }
0x198: {  	[tilespmem:$0x195A0] =	vst v6;
	v6 =	vadd.s32 v1, v62  }
0x199: {  	[tilespmem:$0x19530] =	vst v6;
	v6 =	vadd.s32 v1, v63  }
0x19a: {  	[tilespmem:$0x19570] =	vst v6;
	v6 =	vadd.s32 $0x2800, v7  }
0x19b: {  	[tilespmem:$0x195B0] =	vst v6  }
0x19c: {  	[tilespmem:s30], [sflag:$0x1] =	stream.indirect.gather [hbm4b:s7+s28], $0x40, s29, s28, $0xb8;
	[tilespmem:$0x1EA80] =	vst v63  }
0x19d: {  	_ = 	snop  }
0x19e: {  	[tilespmem:s0], [sflag:$0x2] =	stream.indirect.gather [hbm4b:s8+s28], $0x40, s31, s28, $0xb8;
	[tilespmem:$0x1EA80] =	vst v63  }
.LBB2_8:
0x19f: {  	s6 =	sshll.u32 s17, $0x7  }
0x1a0: {  	s6 =	sand.u32 $0x180, s6  }
0x1a1: {  	v6 =	vld [tilespmem:s6+$0x19140];
	_ =	sdelay $0x4  }
0x1a2: {  	v6 =	vadd.s32 v1, v6  }
0x1a3: {  	[tilespmem:$0x195C0] =	vst v6  }
0x1a4: {  	v6 =	vld [tilespmem:s6+$0x19340];
	_ =	sdelay $0x4  }
0x1a5: {  	v6 =	vadd.s32 v1, v6  }
0x1a6: {  	[tilespmem:$0x19600] =	vst v6  }
0x1a7: {  	v6 =	vld [tilespmem:s6+$0x19340];
	_ =	sdelay $0x4  }
0x1a8: {  	v6 =	vadd.s32 $0x2800, v6  }
0x1a9: {  	[tilespmem:$0x19640] =	vst v6  }
0x1aa: {  	v6 =	vld [tilespmem:s6+$0x19150];
	_ =	sdelay $0x4  }
0x1ab: {  	v6 =	vadd.s32 v1, v6  }
0x1ac: {  	[tilespmem:$0x195D0] =	vst v6  }
0x1ad: {  	v6 =	vld [tilespmem:s6+$0x19350];
	_ =	sdelay $0x4  }
0x1ae: {  	v6 =	vadd.s32 v1, v6  }
0x1af: {  	[tilespmem:$0x19610] =	vst v6  }
0x1b0: {  	v6 =	vld [tilespmem:s6+$0x19350];
	_ =	sdelay $0x4  }
0x1b1: {  	v6 =	vadd.s32 $0x2800, v6  }
0x1b2: {  	[tilespmem:$0x19650] =	vst v6  }
0x1b3: {  	v6 =	vld [tilespmem:s6+$0x19160];
	_ =	sdelay $0x4  }
0x1b4: {  	v6 =	vadd.s32 v1, v6  }
0x1b5: {  	[tilespmem:$0x195E0] =	vst v6  }
0x1b6: {  	v6 =	vld [tilespmem:s6+$0x19360];
	_ =	sdelay $0x4  }
0x1b7: {  	v6 =	vadd.s32 v1, v6  }
0x1b8: {  	[tilespmem:$0x19620] =	vst v6  }
0x1b9: {  	v6 =	vld [tilespmem:s6+$0x19360];
	_ =	sdelay $0x4  }
0x1ba: {  	v6 =	vadd.s32 $0x2800, v6  }
0x1bb: {  	[tilespmem:$0x19660] =	vst v6  }
0x1bc: {  	v6 =	vld [tilespmem:s6+$0x19170];
	_ =	sdelay $0x4  }
0x1bd: {  	v6 =	vadd.s32 v1, v6  }
0x1be: {  	[tilespmem:$0x195F0] =	vst v6  }
0x1bf: {  	v6 =	vld [tilespmem:s6+$0x19370];
	_ =	sdelay $0x4  }
0x1c0: {  	v6 =	vadd.s32 v1, v6  }
0x1c1: {  	[tilespmem:$0x19630] =	vst v6  }
0x1c2: {  	v6 =	vld [tilespmem:s6+$0x19370];
	_ =	sdelay $0x4  }
0x1c3: {  	v6 =	vadd.s32 $0x2800, v6  }
0x1c4: {  	[tilespmem:$0x19670] =	vst v6  }
0x1c5: {  	[tilespmem:s2], [sflag:$0x3] =	stream.indirect.gather [hbm4b:s7+s28], $0x40, s3, s28, $0xb8;
	[tilespmem:$0x1EA80] =	vst v63  }
0x1c6: {  	_ = 	snop  }
0x1c7: {  	[tilespmem:s25], [sflag:$0x4] =	stream.indirect.gather [hbm4b:s8+s28], $0x40, s24, s28, $0xb8;
	[tilespmem:$0x1EA80] =	vst v63  }
0x1c8: {  	_ =	swait.ge [sflag:s10], $0x1000  }
0x1c9: {  	[sflag:s10] =	ssyncset.done $0x0  }
0x1ca: {  	[sflag:s10] =	ssyncadd.s32 $0xFFFFF000  }
0x1cb: {  	_ =	swait.ge [sflag:s26], $0x1000  }
0x1cc: {  	[sflag:s26] =	ssyncset.done $0x0  }
0x1cd: {  	s19 =	simm.s32 $0x0;
	[sflag:s26] =	ssyncadd.s32 $0xFFFFF000  }
0x1ce: {  	v6 =	vld [tilespmem:s19+$0x1A680]  }
0x1cf: {  	v7 =	vld [tilespmem:s19+$0x19680]  }
0x1d0: {  	v8 =	vld [tilespmem:s19+$0x1A690]  }
0x1d1: {  	v9 =	vld [tilespmem:s19+$0x19690]  }
0x1d2: {  	v10 =	vld [tilespmem:s19+$0x1A6A0]  }
0x1d3: {  	v11 =	vld [tilespmem:s19+$0x196A0]  }
0x1d4: {  	v12 =	vld [tilespmem:s19+$0x1A6B0];
	v6 =	vadd.f32 v6, v7  }
0x1d5: {  	v13 =	vld [tilespmem:s19+$0x196B0]  }
0x1d6: {  	v8 =	vadd.f32 v8, v9;
	v14 =	vmul.f32 $2.000000030e-01, v6;
	_ =	sdelay $0x1  }
0x1d7: {  	v10 =	vadd.f32 v10, v11;
	v61 =	vmul.f32 $2.000000030e-01, v8;
	v6 =	vmax.f32 v6, v14  }
0x1d8: {  	v6 =	vmul.f32 v6, v2  }
0x1d9: {  	v12 =	vadd.f32 v12, v13;
	v62 =	vmul.f32 $2.000000030e-01, v10;
	v8 =	vmax.f32 v8, v61  }
0x1da: {  	v8 =	vmul.f32 v8, v3;
	v6 =	vadd.f32 $0.0e+00, v6  }
0x1db: {  	v63 =	vmul.f32 $2.000000030e-01, v12;
	v10 =	vmax.f32 v10, v62  }
0x1dc: {  	v6 =	vadd.f32 v8, v6;
	v8 =	vmul.f32 v10, v4  }
0x1dd: {  	v10 =	vmax.f32 v12, v63  }
0x1de: {  	v6 =	vadd.f32 v8, v6;
	v8 =	vmul.f32 v10, v5;
	_ =	sdelay $0x1  }
0x1df: {  	v6 =	vadd.f32 v8, v6;
	_ =	sdelay $0x1  }
0x1e0: {  	(xrf2) =	vadd.scan.msk.f32 $0xffff, v6;
	_ =	sdelay $0x9  }
0x1e1: {  	v6, _, _ =	vpop (xrf2)  }
0x1e2: {  	v6 =	vmul.f32 $1.442695020e+00, v6;
	_ =	sdelay $0x1  }
0x1e3: {  	v6 =	vbroadcast v6, $0xF;
	_ =	sdelay $0x1  }
0x1e4: {  	(erf) = vpow2.f32 v6;
	_ =	sdelay $0x8  }
0x1e5: {  	v6 =	vpop (erf)  }
0x1e6: {  	v7 =	vmul.f32 v6, v7  }
0x1e7: {  	v8 =	vmul.f32 v6, v9  }
0x1e8: {  	[tilespmem:s19+$0x1D680] =	vst v7;
	v7 =	vmul.f32 v6, v11  }
0x1e9: {  	[tilespmem:s19+$0x1D690] =	vst v8;
	v8 =	vmul.f32 v6, v13  }
0x1ea: {  	[tilespmem:s19+$0x1D6A0] =	vst v7  }
0x1eb: {  	s18 =	simm.s32 $0x1E680;
	v6 =	vnsel vm0, $0x0, v6;
	[tilespmem:s19+$0x1D6B0] =	vst v8  }
0x1ec: {  	s13 =	simm.s32 $0x40;
	[tilespmem:s18+$0x0] =	vst v6  }
0x1ed: {  	v10 =	vld [tilespmem:s13+$0x1A680]  }
0x1ee: {  	v6 =	vld [tilespmem:s13+$0x19680]  }
0x1ef: {  	v9 =	vld [tilespmem:s13+$0x1A690]  }
0x1f0: {  	v7 =	vld [tilespmem:s13+$0x19690]  }
0x1f1: {  	s16 =	simm.s32 $0x200;
	v8 =	vld [tilespmem:s13+$0x1A6A0]  }
.LBB2_9:
0x1f2: {  	p0 =	sne.s32 s16, $0x3F00;
	v11 =	vld [tilespmem:s13+$0x196A0]  }
0x1f3: {  	v10 =	vadd.f32 v10, v6;
	v12 =	vld [tilespmem:s13+$0x1A6B0]  }
0x1f4: {  	v13 =	vld [tilespmem:s13+$0x196B0]  }
0x1f5: {  	v14 =	vmul.f32 $2.000000030e-01, v10;
	v9 =	vadd.f32 v9, v7;
	_ =	sdelay $0x1  }
0x1f6: {  	v10 =	vmax.f32 v10, v14;
	v14 =	vmul.f32 $2.000000030e-01, v9;
	v8 =	vadd.f32 v8, v11  }
0x1f7: {  	v10 =	vmul.f32 v10, v2  }
0x1f8: {  	v9 =	vmax.f32 v9, v14;
	v14 =	vmul.f32 $2.000000030e-01, v8;
	v12 =	vadd.f32 v12, v13  }
0x1f9: {  	v10 =	vadd.f32 $0.0e+00, v10;
	v9 =	vmul.f32 v9, v3  }
0x1fa: {  	v8 =	vmax.f32 v8, v14;
	v14 =	vmul.f32 $2.000000030e-01, v12  }
0x1fb: {  	v9 =	vadd.f32 v9, v10;
	v8 =	vmul.f32 v8, v4  }
0x1fc: {  	v10 =	vmax.f32 v12, v14  }
0x1fd: {  	v8 =	vadd.f32 v8, v9;
	v9 =	vmul.f32 v10, v5;
	_ =	sdelay $0x1  }
0x1fe: {  	v8 =	vadd.f32 v9, v8;
	_ =	sdelay $0x1  }
0x1ff: {  	(xrf2) =	vadd.scan.msk.f32 $0xffff, v8;
	_ =	sdelay $0x9  }
0x200: {  	v8, _, _ =	vpop (xrf2)  }
0x201: {  	v8 =	vmul.f32 $1.442695020e+00, v8;
	_ =	sdelay $0x1  }
0x202: {  	v8 =	vbroadcast v8, $0xF;
	_ =	sdelay $0x1  }
0x203: {  	(erf) = vpow2.f32 v8;
	_ =	sdelay $0x8  }
0x204: {  	v8 =	vpop (erf)  }
0x205: {  	v6 =	vmul.f32 v8, v6  }
0x206: {  	v7 =	vmul.f32 v8, v7  }
0x207: {  	[tilespmem:s13+$0x1D680] =	vst v6;
	v6 =	vmul.f32 v8, v11  }
0x208: {  	[tilespmem:s13+$0x1D690] =	vst v7;
	v7 =	vmul.f32 v8, v13  }
0x209: {  	[tilespmem:s13+$0x1D6A0] =	vst v6  }
0x20a: {  	s18 =	sadd.s32 $0x10, s18;
	v6 =	vnsel vm0, $0x0, v8;
	[tilespmem:s13+$0x1D6B0] =	vst v7  }
0x20b: {  	s13 =	sshra.s32 s16, $0x2;
	[tilespmem:s18+$0x0] =	vst v6  }
.Ltmp3:
0x20c: {  	v10 =	vld [tilespmem:s13+$0x1A680];
	(pc) =	sbr.rel @p0 .LBB2_9-.Ltmp3, $4  }
0x20d: {  	v6 =	vld [tilespmem:s13+$0x19680]  }
0x20e: {  	v9 =	vld [tilespmem:s13+$0x1A690]  }
0x20f: {  	v7 =	vld [tilespmem:s13+$0x19690]  }
0x210: {  	s16 =	sadd.s32 $0x100, s16;
	v8 =	vld [tilespmem:s13+$0x1A6A0]  }
0x211: {  	v11 =	vld [tilespmem:s13+$0x196A0]  }
0x212: {  	v12 =	vld [tilespmem:s13+$0x1A6B0];
	v10 =	vadd.f32 v10, v6  }
0x213: {  	v13 =	vld [tilespmem:s13+$0x196B0]  }
0x214: {  	v14 =	vmul.f32 $2.000000030e-01, v10;
	v9 =	vadd.f32 v9, v7;
	_ =	sdelay $0x1  }
0x215: {  	v10 =	vmax.f32 v10, v14;
	v55 =	vmul.f32 $2.000000030e-01, v9;
	v8 =	vadd.f32 v8, v11  }
0x216: {  	v10 =	vmul.f32 v10, v2  }
0x217: {  	v12 =	vadd.f32 v12, v13;
	v9 =	vmax.f32 v9, v55;
	v56 =	vmul.f32 $2.000000030e-01, v8  }
0x218: {  	v10 =	vadd.f32 $0.0e+00, v10;
	v9 =	vmul.f32 v9, v3  }
0x219: {  	v57 =	vmul.f32 $2.000000030e-01, v12;
	v8 =	vmax.f32 v8, v56  }
0x21a: {  	v9 =	vadd.f32 v9, v10;
	v8 =	vmul.f32 v8, v4  }
0x21b: {  	v10 =	vmax.f32 v12, v57  }
0x21c: {  	v8 =	vadd.f32 v8, v9;
	v9 =	vmul.f32 v10, v5;
	_ =	sdelay $0x1  }
0x21d: {  	v8 =	vadd.f32 v9, v8;
	_ =	sdelay $0x1  }
0x21e: {  	(xrf2) =	vadd.scan.msk.f32 $0xffff, v8;
	_ =	sdelay $0x9  }
0x21f: {  	v8, _, _ =	vpop (xrf2)  }
0x220: {  	v8 =	vmul.f32 $1.442695020e+00, v8;
	_ =	sdelay $0x1  }
0x221: {  	v8 =	vbroadcast v8, $0xF;
	_ =	sdelay $0x1  }
0x222: {  	(erf) = vpow2.f32 v8;
	_ =	sdelay $0x8  }
0x223: {  	v8 =	vpop (erf)  }
0x224: {  	v6 =	vmul.f32 v8, v6  }
0x225: {  	v7 =	vmul.f32 v8, v7  }
0x226: {  	[tilespmem:s13+$0x1D680] =	vst v6;
	v6 =	vmul.f32 v8, v11  }
0x227: {  	[tilespmem:s13+$0x1D690] =	vst v7;
	v7 =	vmul.f32 v8, v13  }
0x228: {  	[tilespmem:s13+$0x1D6A0] =	vst v6  }
0x229: {  	s6 =	sadd.s32 $0x10, s18;
	s16 =	sshll.u32 s17, $0x1;
	[tilespmem:s13+$0x1D6B0] =	vst v7;
	v6 =	vnsel vm0, $0x0, v8  }
0x22a: {  	[tilespmem:s6+$0x0] =	vst v6;
	s6 =	sadd.s32 $0x2, s16  }
0x22b: {  	[spmem:s4] =	stream.indirect.scatter.add.f32 [tilespmem:s14], [sflag:$0x5], $0x40, s12, s28, $0xb8;
	[tilespmem:$0x1EA80] =	vst v63  }
0x22c: {  	s13 =	sand.u32 $0x6, s6  }
0x22d: {  	_ =	swait.ge [sflag:s23], $0x1000;
	p0 =	sne.s32 s13, $0x0  }
0x22e: {  	[sflag:s23] =	ssyncset.done $0x0;
	s6 =	sshll.u32 @!p0 s6, $0x6  }
0x22f: {  	[sflag:s23] =	ssyncadd.s32 $0xFFFFF000;
	s6 =	sadd.s32 @!p0 s11, s6  }
0x230: {  	[spmem:s5] =	stream.indirect.scatter.add.f32 [tilespmem:s15], [sflag:$0x5], $0x10, s12, s28, $0xb8;
	[tilespmem:$0x1EA80] =	vst v63  }
0x231: {  	p1 =	seq.s32 @!p0 s6, $0x54000  }
0x232: {  	s6 =	sshrl.u32 @!p0 s6, $0x3;
	_ =	swait.ge [sflag:s23], $0x400;
	p1 =	por !p1, p0  }
0x233: {  	s18 =	simm.s32 @!p0 $0x0;
	[sflag:s23] =	ssyncset.done $0x0;
	s6 =	simm.s32 @!p1 $0x0  }
0x234: {  	s19 =	simm.s32 @!p0 $0x19100;
	[sflag:s23] =	ssyncadd.s32 $0xFFFFFC00;
	s16 =	sadd.s32 @!p0 s1, s6  }
0x235: {  	[tilespmem:s19], [sflag:$0x5] =	stream.linear.gather @!p0 [hbm4b:s16+s18], $0x200, $0x38;
	[tilespmem:$0x1EA80] =	vst v63  }
0x236: {  	s16 =	simm.s32 @!p0 $0x5  }
0x237: {  	_ =	swait.ge @!p0 [sflag:s16], $0x200  }
0x238: {  	[sflag:s16] =	ssyncset.done @!p0 $0x0  }
0x239: {  	s6 =	sadd.s32 @!p0 s9, s6;
	s19 =	simm.s32 @!p0 $0x19300;
	[sflag:s16] =	ssyncadd.s32 @!p0 $0xFFFFFE00  }
0x23a: {  	[tilespmem:s19], [sflag:$0x5] =	stream.linear.gather @!p0 [hbm4b:s6+s18], $0x200, $0x38;
	[tilespmem:$0x1EA80] =	vst v63  }
0x23b: {  	_ =	swait.ge @!p0 [sflag:s16], $0x200  }
0x23c: {  	[sflag:s16] =	ssyncset.done @!p0 $0x0  }
0x23d: {  	s18 =	sshll.u32 s13, $0x6;
	[sflag:s16] =	ssyncadd.s32 @!p0 $0xFFFFFE00  }
0x23e: {  	v6 =	vld [tilespmem:s18+$0x19100];
	_ =	sdelay $0x4  }
0x23f: {  	v6 =	vadd.s32 v1, v6  }
0x240: {  	[tilespmem:$0x19500] =	vst v6  }
0x241: {  	v6 =	vld [tilespmem:s18+$0x19300];
	_ =	sdelay $0x4  }
0x242: {  	v6 =	vadd.s32 v1, v6  }
0x243: {  	[tilespmem:$0x19540] =	vst v6  }
0x244: {  	v6 =	vld [tilespmem:s18+$0x19300];
	_ =	sdelay $0x4  }
0x245: {  	v6 =	vadd.s32 $0x2800, v6  }
0x246: {  	[tilespmem:$0x19580] =	vst v6  }
0x247: {  	v6 =	vld [tilespmem:s18+$0x19110];
	_ =	sdelay $0x4  }
0x248: {  	v6 =	vadd.s32 v1, v6  }
0x249: {  	[tilespmem:$0x19510] =	vst v6  }
0x24a: {  	v6 =	vld [tilespmem:s18+$0x19310];
	_ =	sdelay $0x4  }
0x24b: {  	v6 =	vadd.s32 v1, v6  }
0x24c: {  	[tilespmem:$0x19550] =	vst v6  }
0x24d: {  	v6 =	vld [tilespmem:s18+$0x19310];
	_ =	sdelay $0x4  }
0x24e: {  	v6 =	vadd.s32 $0x2800, v6  }
0x24f: {  	[tilespmem:$0x19590] =	vst v6  }
0x250: {  	v6 =	vld [tilespmem:s18+$0x19120];
	_ =	sdelay $0x4  }
0x251: {  	v6 =	vadd.s32 v1, v6  }
0x252: {  	[tilespmem:$0x19520] =	vst v6  }
0x253: {  	v6 =	vld [tilespmem:s18+$0x19320];
	_ =	sdelay $0x4  }
0x254: {  	v6 =	vadd.s32 v1, v6  }
0x255: {  	[tilespmem:$0x19560] =	vst v6  }
0x256: {  	v6 =	vld [tilespmem:s18+$0x19320];
	_ =	sdelay $0x4  }
0x257: {  	v6 =	vadd.s32 $0x2800, v6  }
0x258: {  	[tilespmem:$0x195A0] =	vst v6  }
0x259: {  	v6 =	vld [tilespmem:s18+$0x19130];
	_ =	sdelay $0x4  }
0x25a: {  	v6 =	vadd.s32 v1, v6  }
0x25b: {  	[tilespmem:$0x19530] =	vst v6  }
0x25c: {  	v6 =	vld [tilespmem:s18+$0x19330];
	_ =	sdelay $0x4  }
0x25d: {  	v6 =	vadd.s32 v1, v6  }
0x25e: {  	[tilespmem:$0x19570] =	vst v6  }
0x25f: {  	v6 =	vld [tilespmem:s18+$0x19330];
	_ =	sdelay $0x4  }
0x260: {  	v6 =	vadd.s32 $0x2800, v6  }
0x261: {  	[tilespmem:$0x195B0] =	vst v6  }
0x262: {  	[tilespmem:s30], [sflag:$0x1] =	stream.indirect.gather [hbm4b:s7+s28], $0x40, s29, s28, $0xb8;
	[tilespmem:$0x1EA80] =	vst v63  }
0x263: {  	_ = 	snop  }
0x264: {  	[tilespmem:s0], [sflag:$0x2] =	stream.indirect.gather [hbm4b:s8+s28], $0x40, s31, s28, $0xb8;
	[tilespmem:$0x1EA80] =	vst v63  }
0x265: {  	_ =	swait.ge [sflag:s20], $0x1000  }
0x266: {  	[sflag:s20] =	ssyncset.done $0x0  }
0x267: {  	[sflag:s20] =	ssyncadd.s32 $0xFFFFF000  }
0x268: {  	_ =	swait.ge [sflag:s21], $0x1000  }
0x269: {  	[sflag:s21] =	ssyncset.done $0x0  }
0x26a: {  	s19 =	simm.s32 $0x0;
	[sflag:s21] =	ssyncadd.s32 $0xFFFFF000  }
0x26b: {  	v6 =	vld [tilespmem:s19+$0x1C680]  }
0x26c: {  	v7 =	vld [tilespmem:s19+$0x1B680]  }
0x26d: {  	v8 =	vld [tilespmem:s19+$0x1C690]  }
0x26e: {  	v9 =	vld [tilespmem:s19+$0x1B690]  }
0x26f: {  	v10 =	vld [tilespmem:s19+$0x1C6A0]  }
0x270: {  	v11 =	vld [tilespmem:s19+$0x1B6A0]  }
0x271: {  	v58 =	vld [tilespmem:s19+$0x1C6B0];
	v6 =	vadd.f32 v6, v7  }
0x272: {  	v59 =	vld [tilespmem:s19+$0x1B6B0]  }
0x273: {  	v8 =	vadd.f32 v8, v9;
	v60 =	vmul.f32 $2.000000030e-01, v6;
	_ =	sdelay $0x1  }
0x274: {  	v10 =	vadd.f32 v10, v11;
	v61 =	vmul.f32 $2.000000030e-01, v8;
	v6 =	vmax.f32 v6, v60  }
0x275: {  	v6 =	vmul.f32 v6, v2  }
0x276: {  	v12 =	vadd.f32 v58, v59;
	v62 =	vmul.f32 $2.000000030e-01, v10;
	v8 =	vmax.f32 v8, v61  }
0x277: {  	v8 =	vmul.f32 v8, v3;
	v6 =	vadd.f32 $0.0e+00, v6  }
0x278: {  	v63 =	vmul.f32 $2.000000030e-01, v12;
	v10 =	vmax.f32 v10, v62  }
0x279: {  	v6 =	vadd.f32 v8, v6;
	v8 =	vmul.f32 v10, v4  }
0x27a: {  	v10 =	vmax.f32 v12, v63  }
0x27b: {  	v6 =	vadd.f32 v8, v6;
	v8 =	vmul.f32 v10, v5;
	_ =	sdelay $0x1  }
0x27c: {  	v6 =	vadd.f32 v8, v6;
	_ =	sdelay $0x1  }
0x27d: {  	(xrf2) =	vadd.scan.msk.f32 $0xffff, v6;
	_ =	sdelay $0x9  }
0x27e: {  	v6, _, _ =	vpop (xrf2)  }
0x27f: {  	v6 =	vmul.f32 $1.442695020e+00, v6;
	_ =	sdelay $0x1  }
0x280: {  	v6 =	vbroadcast v6, $0xF;
	_ =	sdelay $0x1  }
0x281: {  	(erf) = vpow2.f32 v6;
	_ =	sdelay $0x8  }
0x282: {  	v6 =	vpop (erf)  }
0x283: {  	v7 =	vmul.f32 v6, v7  }
0x284: {  	v8 =	vmul.f32 v6, v9  }
0x285: {  	[tilespmem:s19+$0x1D680] =	vst v7;
	v7 =	vmul.f32 v6, v11  }
0x286: {  	[tilespmem:s19+$0x1D690] =	vst v8;
	v8 =	vmul.f32 v6, v59  }
0x287: {  	[tilespmem:s19+$0x1D6A0] =	vst v7  }
0x288: {  	s18 =	simm.s32 $0x1E680;
	v6 =	vnsel vm0, $0x0, v6;
	[tilespmem:s19+$0x1D6B0] =	vst v8  }
0x289: {  	s13 =	simm.s32 $0x40;
	[tilespmem:s18+$0x0] =	vst v6  }
0x28a: {  	v10 =	vld [tilespmem:s13+$0x1C680]  }
0x28b: {  	v6 =	vld [tilespmem:s13+$0x1B680]  }
0x28c: {  	v9 =	vld [tilespmem:s13+$0x1C690]  }
0x28d: {  	v7 =	vld [tilespmem:s13+$0x1B690]  }
0x28e: {  	s16 =	simm.s32 $0x200;
	v8 =	vld [tilespmem:s13+$0x1C6A0]  }
.LBB2_11:
0x28f: {  	p0 =	sne.s32 s16, $0x3F00;
	v11 =	vld [tilespmem:s13+$0x1B6A0]  }
0x290: {  	v10 =	vadd.f32 v10, v6;
	v12 =	vld [tilespmem:s13+$0x1C6B0]  }
0x291: {  	v13 =	vld [tilespmem:s13+$0x1B6B0]  }
0x292: {  	v14 =	vmul.f32 $2.000000030e-01, v10;
	v9 =	vadd.f32 v9, v7;
	_ =	sdelay $0x1  }
0x293: {  	v10 =	vmax.f32 v10, v14;
	v14 =	vmul.f32 $2.000000030e-01, v9;
	v8 =	vadd.f32 v8, v11  }
0x294: {  	v10 =	vmul.f32 v10, v2  }
0x295: {  	v9 =	vmax.f32 v9, v14;
	v14 =	vmul.f32 $2.000000030e-01, v8;
	v12 =	vadd.f32 v12, v13  }
0x296: {  	v10 =	vadd.f32 $0.0e+00, v10;
	v9 =	vmul.f32 v9, v3  }
0x297: {  	v8 =	vmax.f32 v8, v14;
	v14 =	vmul.f32 $2.000000030e-01, v12  }
0x298: {  	v9 =	vadd.f32 v9, v10;
	v8 =	vmul.f32 v8, v4  }
0x299: {  	v10 =	vmax.f32 v12, v14  }
0x29a: {  	v8 =	vadd.f32 v8, v9;
	v9 =	vmul.f32 v10, v5;
	_ =	sdelay $0x1  }
0x29b: {  	v8 =	vadd.f32 v9, v8;
	_ =	sdelay $0x1  }
0x29c: {  	(xrf2) =	vadd.scan.msk.f32 $0xffff, v8;
	_ =	sdelay $0x9  }
0x29d: {  	v8, _, _ =	vpop (xrf2)  }
0x29e: {  	v8 =	vmul.f32 $1.442695020e+00, v8;
	_ =	sdelay $0x1  }
0x29f: {  	v8 =	vbroadcast v8, $0xF;
	_ =	sdelay $0x1  }
0x2a0: {  	(erf) = vpow2.f32 v8;
	_ =	sdelay $0x8  }
0x2a1: {  	v8 =	vpop (erf)  }
0x2a2: {  	v6 =	vmul.f32 v8, v6  }
0x2a3: {  	v7 =	vmul.f32 v8, v7  }
0x2a4: {  	[tilespmem:s13+$0x1D680] =	vst v6;
	v6 =	vmul.f32 v8, v11  }
0x2a5: {  	[tilespmem:s13+$0x1D690] =	vst v7;
	v7 =	vmul.f32 v8, v13  }
0x2a6: {  	[tilespmem:s13+$0x1D6A0] =	vst v6  }
0x2a7: {  	s18 =	sadd.s32 $0x10, s18;
	v6 =	vnsel vm0, $0x0, v8;
	[tilespmem:s13+$0x1D6B0] =	vst v7  }
0x2a8: {  	s13 =	sshra.s32 s16, $0x2;
	[tilespmem:s18+$0x0] =	vst v6  }
.Ltmp4:
0x2a9: {  	v10 =	vld [tilespmem:s13+$0x1C680];
	(pc) =	sbr.rel @p0 .LBB2_11-.Ltmp4, $4  }
0x2aa: {  	v6 =	vld [tilespmem:s13+$0x1B680]  }
0x2ab: {  	v9 =	vld [tilespmem:s13+$0x1C690]  }
0x2ac: {  	v7 =	vld [tilespmem:s13+$0x1B690]  }
0x2ad: {  	s16 =	sadd.s32 $0x100, s16;
	v8 =	vld [tilespmem:s13+$0x1C6A0]  }
0x2ae: {  	v11 =	vld [tilespmem:s13+$0x1B6A0]  }
0x2af: {  	v12 =	vld [tilespmem:s13+$0x1C6B0];
	v10 =	vadd.f32 v10, v6  }
0x2b0: {  	v13 =	vld [tilespmem:s13+$0x1B6B0]  }
0x2b1: {  	v14 =	vmul.f32 $2.000000030e-01, v10;
	v9 =	vadd.f32 v9, v7;
	_ =	sdelay $0x1  }
0x2b2: {  	v10 =	vmax.f32 v10, v14;
	v59 =	vmul.f32 $2.000000030e-01, v9;
	v8 =	vadd.f32 v8, v11  }
0x2b3: {  	v10 =	vmul.f32 v10, v2  }
0x2b4: {  	v12 =	vadd.f32 v12, v13;
	v9 =	vmax.f32 v9, v59;
	v60 =	vmul.f32 $2.000000030e-01, v8  }
0x2b5: {  	v10 =	vadd.f32 $0.0e+00, v10;
	v9 =	vmul.f32 v9, v3  }
0x2b6: {  	v61 =	vmul.f32 $2.000000030e-01, v12;
	v8 =	vmax.f32 v8, v60  }
0x2b7: {  	v9 =	vadd.f32 v9, v10;
	v8 =	vmul.f32 v8, v4  }
0x2b8: {  	v62 =	vmax.f32 v12, v61  }
0x2b9: {  	v63 =	vmul.f32 v62, v5;
	v8 =	vadd.f32 v8, v9;
	_ =	sdelay $0x1  }
0x2ba: {  	v8 =	vadd.f32 v63, v8;
	_ =	sdelay $0x1  }
0x2bb: {  	(xrf2) =	vadd.scan.msk.f32 $0xffff, v8;
	_ =	sdelay $0x9  }
0x2bc: {  	v8, _, _ =	vpop (xrf2)  }
0x2bd: {  	v8 =	vmul.f32 $1.442695020e+00, v8;
	_ =	sdelay $0x1  }
0x2be: {  	v8 =	vbroadcast v8, $0xF;
	_ =	sdelay $0x1  }
0x2bf: {  	(erf) = vpow2.f32 v8;
	_ =	sdelay $0x8  }
0x2c0: {  	v8 =	vpop (erf)  }
0x2c1: {  	v6 =	vmul.f32 v8, v6  }
0x2c2: {  	v7 =	vmul.f32 v8, v7  }
0x2c3: {  	[tilespmem:s13+$0x1D680] =	vst v6;
	v6 =	vmul.f32 v8, v11  }
0x2c4: {  	[tilespmem:s13+$0x1D690] =	vst v7;
	v7 =	vmul.f32 v8, v13  }
0x2c5: {  	[tilespmem:s13+$0x1D6A0] =	vst v6  }
0x2c6: {  	s6 =	sadd.s32 $0x10, s18;
	[tilespmem:s13+$0x1D6B0] =	vst v7;
	v6 =	vnsel vm0, $0x0, v8  }
0x2c7: {  	[tilespmem:s6+$0x0] =	vst v6  }
0x2c8: {  	[spmem:s4] =	stream.indirect.scatter.add.f32 [tilespmem:s14], [sflag:$0x5], $0x40, s22, s28, $0xb8;
	[tilespmem:$0x1EA80] =	vst v63  }
0x2c9: {  	s17 =	sadd.s32 $0x1, s17;
	_ =	swait.ge [sflag:s23], $0x1000  }
0x2ca: {  	p0 =	sne.s32 s17, $0xA8;
	[sflag:s23] =	ssyncset.done $0x0  }
.Ltmp5:
0x2cb: {  	[sflag:s23] =	ssyncadd.s32 $0xFFFFF000;
	(pc) =	sbr.rel @p0 .LBB2_8-.Ltmp5, $4  }
0x2cc: {  	[spmem:s5] =	stream.indirect.scatter.add.f32 [tilespmem:s15], [sflag:$0x5], $0x10, s22, s28, $0xb8;
	[tilespmem:$0x1EA80] =	vst v63  }
0x2cd: {  	_ =	swait.ge [sflag:s23], $0x400  }
0x2ce: {  	[sflag:s23] =	ssyncset.done $0x0  }
0x2cf: {  	[sflag:s23] =	ssyncadd.s32 $0xFFFFFC00  }
0x2d0: {  	_ =	swait.ge [sflag:s10], $0x1000  }
0x2d1: {  	[sflag:s10] =	ssyncset.done $0x0  }
0x2d2: {  	[sflag:s10] =	ssyncadd.s32 $0xFFFFF000  }
0x2d3: {  	_ =	swait.ge [sflag:s26], $0x1000  }
0x2d4: {  	[sflag:s26] =	ssyncset.done $0x0  }
0x2d5: {  	[sflag:s26] =	ssyncadd.s32 $0xFFFFF000  }
0x2d6: {  	[bflag:$0x0] =	sbarrier.arrive $0xFFFF  }
0x2d7: {  	s16 =	rddreg [dreg:$0x8]  }
0x2d8: {  	s6 =	rddreg [dreg:$0xf]  }
0x2d9: {  	s13 =	rddreg [dreg:$0x13]  }
0x2da: {  	[hbm:s6], [sflag:s16] =	dma.local [spmem:s13], $0x2800  }
0x2db: {  	_ =	swait.ge [sflag:s23], $0x2800  }
0x2dc: {  	[sflag:s23] =	ssyncset.done $0x0;
	s13 =	rddreg [dreg:$0x10]  }
0x2dd: {  	s17 =	rddreg [dreg:$0x14];
	[sflag:s23] =	ssyncadd.s32 $0xFFFFD800  }
0x2de: {  	[hbm:s13], [sflag:s16] =	dma.local [spmem:s17], $0xA00  }
0x2df: {  	_ =	swait.ge [sflag:s23], $0xA00  }
0x2e0: {  	s18 =	rddreg [dreg:$0x12]  }
0x2e1: {  	s19 =	rddreg [dreg:$0x11];
	s13 =	sadd.s32 $0x1, s18  }
0x2e2: {  	p0 =	sne.s32 s13, s19  }
.Ltmp6:
0x2e3: {  	_ = 	snop;
	(pc) =	sbr.rel @p0 .LBB2_1-.Ltmp6, $3  }
0x2e4: {  	_ =	sdelay $0x1  }
0x2e5: {  	[sflag:s23] =	ssyncset.done $0x0  }
0x2e6: {  	[sflag:s23] =	ssyncadd.s32 $0xFFFFF600  }
0x2e7: {  	_ =	sfence.sel $0x180000  }
0x2e8: {  	[bflag:$0x0] =	sbarrier.arrive $0xFFFF  }
0x2e9: {  	_ =	strace $0x90000047  }
0x2ea: {  	s0 =	stileid.u32;
	[bflag:$0x2] =	sbarrier.arrive $0xFFFF  }
0x2eb: {  	p0 =	sne.s32 s0, $0x0;
	s0 =	rddreg [dreg:$0x5]  }
0x2ec: {  	s0 =	sadd.s32 @!p0 $0x100000, s0  }
0x2ed: {  	[sflag:s0] =	ssyncadd.tile.s32 @!p0 $0x1;
	_ =	shalt  }
.Lfunc_end2:
_tile_overlayer_lowered:
.L_overlay_start_2:
0x2ee: {  	(tag) =	ssettag $0x2  }
0x2ef: {  	s0 =	rddreg [dreg:$0x0];
	s2 =	stileid.u32  }
0x2f0: {  	s1 =	rddreg [dreg:$0x1];
	p0 =	sne.s32 s2, $0x0  }
0x2f1: {  	s3 =	rddreg [dreg:$0x2];
	[bflag:$0x3] =	sbarrier.arrive $0xFFFF;
	s2 =	simm.s32 @!p0 $0x1C05  }
0x2f2: {  	[timem:s3], [sflag:s2] =	dma.local @!p0 [hbm:s0], s1  }
0x2f3: {  	s0 =	simm.s32 @!p0 $0x5  }
0x2f4: {  	_ =	swait.ge @!p0 [sflag:s0], s1  }
0x2f5: {  	s1 =	ssub.s32 @!p0 $0x0, s1;
	[sflag:s0] =	ssyncset.done @!p0 $0x0  }
0x2f6: {  	[sflag:s0] =	ssyncadd.s32 @!p0 s1  }
0x2f7: {  	[bflag:$0x3] =	sbarrier.arrive $0xFFFF  }
0x2f8: {  	_ =	shalt  }

</sc_bundles>
